<compile_context>
chip_gen: v7x
topology: tpu7x:2x2x1
jax: 0.10.2.dev20260603
libtpu: 0.0.44.dev20260713+nightly
codegen_flags: <defaults>
</compile_context>

<pallas_src>
import functools
import jax
import jax.numpy as jnp
from jax import lax
from jax.experimental import pallas as pl
from jax.experimental.pallas import tpu as pltpu
from jax.experimental.pallas import tpu_sc as plsc

N = 10000
F = 128
E = 320000
NC = 2
NS = 16
NW = NC * NS
CHUNK = 48
D = 4
K_C0 = 300
K_C1 = 120
TOTC = NS * (K_C0 + K_C1)
EP = TOTC * CHUNK
CHUNK_D = 128
TOTC_D = 2560
EP_D = TOTC_D * CHUNK_D
KD = TOTC_D // NW
NPAD = 10112
RPT = NPAD // NS


def _mesh():
    return plsc.VectorSubcoreMesh(
        core_axis_name="c", subcore_axis_name="s",
        num_cores=NC, num_subcores=NS)


@functools.cache
def _deg_sc_kernel():
    return pl.kernel(
        _deg_sc_body,
        out_type=jax.ShapeDtypeStruct((NC, NPAD, F), jnp.float32),
        mesh=_mesh(),
        scratch_types=[
            pltpu.VMEM((1, CHUNK_D), jnp.int32),
            pltpu.VMEM((1, CHUNK_D), jnp.int32),
            pltpu.VMEM((CHUNK_D, F), jnp.float32),
            pltpu.SemaphoreType.DMA,
            pltpu.SemaphoreType.DMA,
            pltpu.VMEM_SHARED((NPAD, F), jnp.float32),
        ],
    )


def _deg_sc_body(dstd_hbm, ones_hbm, zeros_hbm, out_hbm,
                 idx0, idx1, ones_v, semi0, semi1, acc_sh):
    cid = lax.axis_index("c")
    sid = lax.axis_index("s")
    base = (cid * NS + sid) * KD
    pltpu.sync_copy(zeros_hbm.at[pl.ds(sid * RPT, RPT)],
                    acc_sh.at[pl.ds(sid * RPT, RPT)])
    pltpu.sync_copy(ones_hbm, ones_v)
    pltpu.sync_copy(dstd_hbm.at[base], idx0)
    plsc.subcore_barrier()
    pltpu.async_copy(dstd_hbm.at[base + 1], idx1, semi1)

    @pl.loop(0, KD, step=2)
    def _(c):
        pltpu.sync_copy(ones_v, acc_sh.at[idx0.at[0]], add=True)

        @pl.when(c + 2 < KD)
        def _():
            pltpu.async_copy(dstd_hbm.at[base + c + 2], idx0, semi0)

        pltpu.make_async_copy(dstd_hbm.at[base + c + 1], idx1, semi1).wait()
        pltpu.sync_copy(ones_v, acc_sh.at[idx1.at[0]], add=True)

        @pl.when(c + 3 < KD)
        def _():
            pltpu.async_copy(dstd_hbm.at[base + c + 3], idx1, semi1)

        @pl.when(c + 2 < KD)
        def _():
            pltpu.make_async_copy(dstd_hbm.at[base + c + 2], idx0, semi0).wait()

    plsc.subcore_barrier()
    pltpu.sync_copy(acc_sh.at[pl.ds(sid * RPT, RPT)],
                    out_hbm.at[cid, pl.ds(sid * RPT, RPT)])


@functools.cache
def _agg_sc_kernel():
    return pl.kernel(
        _agg_sc_body,
        out_type=jax.ShapeDtypeStruct((NC, NPAD, F), jnp.float32),
        mesh=_mesh(),
        scratch_types=(
            [pltpu.VMEM((2, CHUNK), jnp.int32) for _ in range(D)] +
            [pltpu.VMEM((CHUNK, F), jnp.float32) for _ in range(D)] +
            [pltpu.SemaphoreType.DMA for _ in range(2 * D)] +
            [pltpu.VMEM_SHARED((NPAD, F), jnp.float32)]
        ),
    )


def _agg_sc_body(h_hbm, eidx_hbm, zeros_hbm, out_hbm, *scratch):
    idxs = scratch[0:D]
    bufs = scratch[D:2 * D]
    gsem = scratch[2 * D:3 * D]
    isem = scratch[3 * D:4 * D]
    acc_sh = scratch[4 * D]
    cid = lax.axis_index("c")
    sid = lax.axis_index("s")
    myk = jnp.where(cid == 0, K_C0, K_C1)
    base = jnp.where(cid == 0, sid * K_C0, NS * K_C0 + sid * K_C1)
    for j in range(D):
        pltpu.async_copy(eidx_hbm.at[:, base + j], idxs[j], isem[j])
    pltpu.sync_copy(zeros_hbm.at[pl.ds(sid * RPT, RPT)],
                    acc_sh.at[pl.ds(sid * RPT, RPT)])
    plsc.subcore_barrier()

    @pl.loop(0, myk, step=D)
    def _(c):
        for j in range(D):
            pltpu.make_async_copy(
                eidx_hbm.at[:, base + c + j], idxs[j], isem[j]).wait()
            pltpu.async_copy(h_hbm.at[idxs[j].at[0]], bufs[j], gsem[j])
        for j in range(D):
            pltpu.make_async_copy(
                h_hbm.at[idxs[j].at[0]], bufs[j], gsem[j]).wait()
            pltpu.sync_copy(bufs[j], acc_sh.at[idxs[j].at[1]], add=True)

            @pl.when(c + j + D < myk)
            def _():
                pltpu.async_copy(
                    eidx_hbm.at[:, base + c + j + D], idxs[j], isem[j])

    plsc.subcore_barrier()
    pltpu.sync_copy(acc_sh.at[pl.ds(sid * RPT, RPT)],
                    out_hbm.at[cid, pl.ds(sid * RPT, RPT)])



_RB = 1000


def _g_block(dp):
    deg = dp[0, :, 0:1] + dp[1, :, 0:1] + 1.0
    return lax.rsqrt(deg)


def _mm1_body(x_ref, w_ref, dp_ref, o_ref):
    g = _g_block(dp_ref[...])
    h = jnp.dot(x_ref[...], w_ref[...], preferred_element_type=jnp.float32)
    o_ref[...] = h * g


def _mid_body(p_ref, hp_ref, dp_ref, b_ref, w_ref, o_ref):
    g = _g_block(dp_ref[...])
    agg = p_ref[0] + p_ref[1] + hp_ref[...]
    z = jnp.maximum(g * agg + b_ref[...], 0.0)
    o_ref[...] = g * jnp.dot(z, w_ref[...], preferred_element_type=jnp.float32)


def _fin_body(p_ref, hp_ref, dp_ref, b_ref, o_ref):
    g = _g_block(dp_ref[...])
    agg = p_ref[0] + p_ref[1] + hp_ref[...]
    o_ref[...] = g * agg + b_ref[...]


def _row_spec():
    return pl.BlockSpec((_RB, F), lambda i: (i, 0))


def _p_spec():
    return pl.BlockSpec((2, _RB, F), lambda i: (0, i, 0))


def _dp_spec():
    return pl.BlockSpec((2, _RB, F), lambda i: (0, i, 0))


def _full_spec(shape):
    return pl.BlockSpec(shape, lambda i: tuple(0 for _ in shape))


def _mm1_tc(x, W1, dp):
    return pl.pallas_call(
        _mm1_body,
        grid=(N // _RB,),
        in_specs=[_row_spec(), _full_spec((F, F)), _dp_spec()],
        out_specs=_row_spec(),
        out_shape=jax.ShapeDtypeStruct((N, F), jnp.float32),
    )(x, W1, dp)


def _mid_tc(p, hp, dp, b, W2):
    return pl.pallas_call(
        _mid_body,
        grid=(N // _RB,),
        in_specs=[_p_spec(), _row_spec(), _dp_spec(),
                  _full_spec((1, F)), _full_spec((F, F))],
        out_specs=_row_spec(),
        out_shape=jax.ShapeDtypeStruct((N, F), jnp.float32),
    )(p, hp, dp, b, W2)


def _fin_tc(p, hp, dp, b):
    return pl.pallas_call(
        _fin_body,
        grid=(N // _RB,),
        in_specs=[_p_spec(), _row_spec(), _dp_spec(), _full_spec((1, F))],
        out_specs=_row_spec(),
        out_shape=jax.ShapeDtypeStruct((N, F), jnp.float32),
    )(p, hp, dp, b)



@jax.jit
def kernel(x, edge_index, W1, b1, W2, b2):
    ei = edge_index.astype(jnp.int32)
    pad = EP - E
    dst_d = jnp.concatenate(
        [ei[1], jnp.full((EP_D - E,), N, jnp.int32)]).reshape(TOTC_D, 1, CHUNK_D)
    padv = jnp.stack([jnp.zeros((pad,), jnp.int32), jnp.full((pad,), N, jnp.int32)])
    eidx = jnp.concatenate([ei, padv], axis=1).reshape(NC, TOTC, CHUNK)
    onesD = jnp.ones((CHUNK_D, F), jnp.float32)
    zerosF = jnp.zeros((NPAD, F), jnp.float32)

    dp = _deg_sc_kernel()(dst_d, onesD, zerosF)
    h1p = _mm1_tc(x, W1, dp)
    p1 = _agg_sc_kernel()(h1p, eidx, zerosF)
    h2p = _mid_tc(p1, h1p, dp, b1.reshape(1, F), W2)
    p2 = _agg_sc_kernel()(h2p, eidx, zerosF)
    return _fin_tc(p2, h2p, dp, b2.reshape(1, F))

# --- scband reference (transcript-rebuilt; emitter-appended) ---
"""Pipeline reference for scband-gnn-27324581937692 (READ-ONLY COPY).

The authoritative reference and input builder live on the scoring server;
editing this copy changes nothing except your own understanding.
"""

import jax, jax.numpy as jnp
import numpy as np

N_NODES = 10000
N_EDGES = 320000
IN_CH = 128
HID_CH = 128


def setup_inputs(seed: int = 0) -> dict:
    key = jax.random.key(seed)
    k1, k2, k3, k4, k5, k6 = jax.random.split(key, 6)
    x = jax.random.normal(k1, (N_NODES, IN_CH), dtype=jnp.float32)
    edge_index = jax.random.randint(k2, (2, N_EDGES), 0, N_NODES, dtype=jnp.int64)
    # GCNConv layer 1 params (glorot init like PyG)
    s1 = (6.0 / (IN_CH + HID_CH)) ** 0.5
    W1 = jax.random.uniform(k3, (IN_CH, HID_CH), dtype=jnp.float32, minval=-s1, maxval=s1)
    b1 = jnp.zeros((HID_CH,), dtype=jnp.float32)
    s2 = (6.0 / (HID_CH + HID_CH)) ** 0.5
    W2 = jax.random.uniform(k4, (HID_CH, HID_CH), dtype=jnp.float32, minval=-s2, maxval=s2)
    b2 = jnp.zeros((HID_CH,), dtype=jnp.float32)
    return {"x": x, "edge_index": edge_index, "W1": W1, "b1": b1, "W2": W2, "b2": b2}


def gcn_conv(x, edge_index, W, b):
    # PyG GCNConv with add_self_loops=True, normalize=True, bias=True
    n = x.shape[0]
    loop = jnp.arange(n, dtype=edge_index.dtype)
    src = jnp.concatenate([edge_index[0], loop])
    dst = jnp.concatenate([edge_index[1], loop])
    # degree computed on target (col) with edge_weight = 1
    deg = jnp.zeros((n,), dtype=x.dtype).at[dst].add(1.0)
    deg_inv_sqrt = jnp.where(deg > 0, deg ** -0.5, 0.0)
    norm = deg_inv_sqrt[src] * deg_inv_sqrt[dst]
    h = x @ W
    msg = norm[:, None] * jnp.take(h, src, axis=0)
    out = jnp.zeros((n, W.shape[1]), dtype=x.dtype).at[dst].add(msg)
    return out + b


def reference(x, edge_index, W1, b1, W2, b2):
    h = gcn_conv(x, edge_index, W1, b1)
    h = jax.nn.relu(h)
    # dropout_rate = 0.0 -> identity
    out = gcn_conv(h, edge_index, W2, b2)
    return out

if __name__ == "__main__":
    import jax
    _d = setup_inputs()
    print(jax.jit(kernel)(*tuple(_d.values())))

</pallas_src>

<mosaic_0001>
#map = affine_map<(d0, d1) -> (0, 0, 0)>
#map1 = affine_map<(d0, d1) -> (0, 0)>
module attributes {stable_mosaic.version = 14 : i64} {
  func.func @_deg_sc_body(%arg0: i32, %arg1: i32, %arg2: memref<2560x1x128xi32, #tpu.memory_space<hbm>>, %arg3: memref<128x128xf32, #tpu.memory_space<hbm>>, %arg4: memref<10112x128xf32, #tpu.memory_space<hbm>>, %arg5: memref<2x10112x128xf32, #tpu.memory_space<hbm>>, %arg6: memref<1x128xi32, #tpu.memory_space<vmem>>, %arg7: memref<1x128xi32, #tpu.memory_space<vmem>>, %arg8: memref<128x128xf32, #tpu.memory_space<vmem>>, %arg9: memref<!tpu.dma_semaphore, #tpu.memory_space<semaphore_mem>>, %arg10: memref<!tpu.dma_semaphore, #tpu.memory_space<semaphore_mem>>, %arg11: memref<10112x128xf32, #tpu.memory_space<vmem_shared>>) attributes {dimension_semantics = [#tpu.dimension_semantics<core_parallel>, #tpu.dimension_semantics<subcore_parallel>], iteration_bounds = array<i64: 2, 16>, scalar_prefetch = 0 : i64, scratch_operands = 6 : i64, tpu.core_type = #tpu.core_type<sc_vector_subcore>, window_params = [{transform_indices = #map}, {transform_indices = #map1}, {transform_indices = #map1}, {transform_indices = #map}]} {
    %mul3A = arith.constant 16 : i32
    %mul3A_0 = arith.muli %arg0, %mul3A : i32
    %add3A = arith.addi %mul3A_0, %arg1 : i32
    %mul3A_1 = arith.constant 80 : i32
    %mul3A_2 = arith.muli %add3A, %mul3A_1 : i32
    %mul3A_3 = arith.constant 632 : i32
    %mul3A_4 = arith.muli %arg1, %mul3A_3 : i32
    %mul3A_5 = arith.constant 632 : i32
    %mul3A_6 = arith.muli %arg1, %mul3A_5 : i32
    "tpu.region"() ({
      %run_scoped3A = tpu.sem_alloc : memref<!tpu.dma_semaphore, #tpu.memory_space<semaphore_mem>>
      %dma_start3A_25 = arith.constant 0 : i32
      %dma_start3A_26 = tpu.memref_slice %arg11[%mul3A_6, %dma_start3A_25] : memref<10112x128xf32, #tpu.memory_space<vmem_shared>> -> memref<632x128xf32, #tpu.memory_space<vmem_shared>>
      %dma_start3A_27 = arith.constant 0 : i32
      %dma_start3A_28 = tpu.memref_slice %arg4[%mul3A_4, %dma_start3A_27] : memref<10112x128xf32, #tpu.memory_space<hbm>> -> memref<632x128xf32, #tpu.memory_space<hbm>>
      tpu.enqueue_dma source(%dma_start3A_28 : memref<632x128xf32, #tpu.memory_space<hbm>>) target(%dma_start3A_26 : memref<632x128xf32, #tpu.memory_space<vmem_shared>>) target_semaphore(%run_scoped3A : memref<!tpu.dma_semaphore, #tpu.memory_space<semaphore_mem>>)
      %dma_wait3A = arith.constant 0 : i32
      %dma_wait3A_29 = tpu.memref_slice %arg11[%mul3A_6, %dma_wait3A] : memref<10112x128xf32, #tpu.memory_space<vmem_shared>> -> memref<632x128xf32, #tpu.memory_space<vmem_shared>>
      %dma_wait3A_30 = arith.constant 0 : i32
      %dma_wait3A_31 = tpu.memref_slice %arg4[%mul3A_4, %dma_wait3A_30] : memref<10112x128xf32, #tpu.memory_space<hbm>> -> memref<632x128xf32, #tpu.memory_space<hbm>>
      tpu.wait_dma2 semaphore(%run_scoped3A : memref<!tpu.dma_semaphore, #tpu.memory_space<semaphore_mem>>) src(%dma_wait3A_31 : memref<632x128xf32, #tpu.memory_space<hbm>>) dst(%dma_wait3A_29 : memref<632x128xf32, #tpu.memory_space<vmem_shared>>)
      tpu.yield
    }) : () -> ()
    "tpu.region"() ({
      %run_scoped3A = tpu.sem_alloc : memref<!tpu.dma_semaphore, #tpu.memory_space<semaphore_mem>>
      tpu.enqueue_dma source(%arg3 : memref<128x128xf32, #tpu.memory_space<hbm>>) target(%arg8 : memref<128x128xf32, #tpu.memory_space<vmem>>) target_semaphore(%run_scoped3A : memref<!tpu.dma_semaphore, #tpu.memory_space<semaphore_mem>>)
      tpu.wait_dma2 semaphore(%run_scoped3A : memref<!tpu.dma_semaphore, #tpu.memory_space<semaphore_mem>>) src(%arg3 : memref<128x128xf32, #tpu.memory_space<hbm>>) dst(%arg8 : memref<128x128xf32, #tpu.memory_space<vmem>>)
      tpu.yield
    }) : () -> ()
    "tpu.region"() ({
      %run_scoped3A = tpu.sem_alloc : memref<!tpu.dma_semaphore, #tpu.memory_space<semaphore_mem>>
      %dma_start3A_25 = arith.constant 0 : i32
      %dma_start3A_26 = arith.constant 0 : i32
      %dma_start3A_27 = tpu.memref_slice %arg2[%mul3A_2, %dma_start3A_25, %dma_start3A_26] : memref<2560x1x128xi32, #tpu.memory_space<hbm>> -> memref<1x1x128xi32, #tpu.memory_space<hbm>>
      %dma_start3A_28 = tpu.memref_squeeze %dma_start3A_27 : memref<1x1x128xi32, #tpu.memory_space<hbm>> -> memref<1x128xi32, #tpu.memory_space<hbm>>
      %dma_start3A_29 = arith.constant 0 : i32
      %dma_start3A_30 = arith.constant 0 : i32
      %dma_start3A_31 = tpu.memref_slice %arg2[%mul3A_2, %dma_start3A_29, %dma_start3A_30] : memref<2560x1x128xi32, #tpu.memory_space<hbm>> -> memref<1x1x128xi32, #tpu.memory_space<hbm>>
      %dma_start3A_32 = tpu.memref_squeeze %dma_start3A_31 : memref<1x1x128xi32, #tpu.memory_space<hbm>> -> memref<1x128xi32, #tpu.memory_space<hbm>>
      tpu.enqueue_dma source(%dma_start3A_32 : memref<1x128xi32, #tpu.memory_space<hbm>>) target(%arg6 : memref<1x128xi32, #tpu.memory_space<vmem>>) target_semaphore(%run_scoped3A : memref<!tpu.dma_semaphore, #tpu.memory_space<semaphore_mem>>)
      %dma_wait3A = arith.constant 0 : i32
      %dma_wait3A_33 = arith.constant 0 : i32
      %dma_wait3A_34 = tpu.memref_slice %arg2[%mul3A_2, %dma_wait3A, %dma_wait3A_33] : memref<2560x1x128xi32, #tpu.memory_space<hbm>> -> memref<1x1x128xi32, #tpu.memory_space<hbm>>
      %dma_wait3A_35 = tpu.memref_squeeze %dma_wait3A_34 : memref<1x1x128xi32, #tpu.memory_space<hbm>> -> memref<1x128xi32, #tpu.memory_space<hbm>>
      %dma_wait3A_36 = arith.constant 0 : i32
      %dma_wait3A_37 = arith.constant 0 : i32
      %dma_wait3A_38 = tpu.memref_slice %arg2[%mul3A_2, %dma_wait3A_36, %dma_wait3A_37] : memref<2560x1x128xi32, #tpu.memory_space<hbm>> -> memref<1x1x128xi32, #tpu.memory_space<hbm>>
      %dma_wait3A_39 = tpu.memref_squeeze %dma_wait3A_38 : memref<1x1x128xi32, #tpu.memory_space<hbm>> -> memref<1x128xi32, #tpu.memory_space<hbm>>
      tpu.wait_dma2 semaphore(%run_scoped3A : memref<!tpu.dma_semaphore, #tpu.memory_space<semaphore_mem>>) src(%dma_wait3A_39 : memref<1x128xi32, #tpu.memory_space<hbm>>) dst(%arg6 : memref<1x128xi32, #tpu.memory_space<vmem>>)
      tpu.yield
    }) : () -> ()
    %barrier3A = arith.constant 0 : index
    tpu.barrier barrier_id(%barrier3A)
    %add3A_7 = arith.constant 1 : i32
    %add3A_8 = arith.addi %mul3A_2, %add3A_7 : i32
    %dma_start3A = arith.constant 0 : i32
    %dma_start3A_9 = arith.constant 0 : i32
    %dma_start3A_10 = tpu.memref_slice %arg2[%add3A_8, %dma_start3A, %dma_start3A_9] : memref<2560x1x128xi32, #tpu.memory_space<hbm>> -> memref<1x1x128xi32, #tpu.memory_space<hbm>>
    %dma_start3A_11 = tpu.memref_squeeze %dma_start3A_10 : memref<1x1x128xi32, #tpu.memory_space<hbm>> -> memref<1x128xi32, #tpu.memory_space<hbm>>
    %dma_start3A_12 = arith.constant 0 : i32
    %dma_start3A_13 = arith.constant 0 : i32
    %dma_start3A_14 = tpu.memref_slice %arg2[%add3A_8, %dma_start3A_12, %dma_start3A_13] : memref<2560x1x128xi32, #tpu.memory_space<hbm>> -> memref<1x1x128xi32, #tpu.memory_space<hbm>>
    %dma_start3A_15 = tpu.memref_squeeze %dma_start3A_14 : memref<1x1x128xi32, #tpu.memory_space<hbm>> -> memref<1x128xi32, #tpu.memory_space<hbm>>
    tpu.enqueue_dma source(%dma_start3A_15 : memref<1x128xi32, #tpu.memory_space<hbm>>) target(%arg7 : memref<1x128xi32, #tpu.memory_space<vmem>>) target_semaphore(%arg10 : memref<!tpu.dma_semaphore, #tpu.memory_space<semaphore_mem>>)
    %scan3A = arith.constant 0 : i32
    %scan3A_16 = arith.constant 40 : i32
    %scan3A_17 = arith.addi %scan3A, %scan3A_16 : i32
    %scan3A_18 = arith.constant 1 : i32
    scf.for %scan3A_25 = %scan3A to %scan3A_17 step %scan3A_18  : i32 {
      %mul3A_26 = arith.constant 2 : i32
      %mul3A_27 = arith.muli %scan3A_25, %mul3A_26 : i32
      %add3A_28 = arith.constant 0 : i32
      %add3A_29 = arith.addi %add3A_28, %mul3A_27 : i32
      %run_scoped3A = arith.constant 0 : i32
      "tpu.region"() ({
        %run_scoped3A_59 = tpu.sem_alloc : memref<!tpu.dma_semaphore, #tpu.memory_space<semaphore_mem>>
        %dma_start3A_60 = arith.constant 0 : i32
        %dma_start3A_61 = tpu.memref_slice %arg6[%run_scoped3A, %dma_start3A_60] : memref<1x128xi32, #tpu.memory_space<vmem>> -> memref<1x128xi32, #tpu.memory_space<vmem>>
        %dma_start3A_62 = tpu.memref_squeeze %dma_start3A_61 : memref<1x128xi32, #tpu.memory_space<vmem>> -> memref<128xi32, #tpu.memory_space<vmem>>
        %dma_start3A_63 = arith.constant 0 : i32
        %dma_start3A_64 = arith.constant 0 : i32
        %dma_start3A_65 = tpu.memref_slice %arg11[%dma_start3A_63, %dma_start3A_64] : memref<10112x128xf32, #tpu.memory_space<vmem_shared>> -> memref<10112x128xf32, #tpu.memory_space<vmem_shared>>
        tpu.enqueue_indirect_dma source(%arg8 : memref<128x128xf32, #tpu.memory_space<vmem>>) target(%dma_start3A_65 : memref<10112x128xf32, #tpu.memory_space<vmem_shared>>) offsets(%dma_start3A_62 : memref<128xi32, #tpu.memory_space<vmem>>) semaphore(%run_scoped3A_59 : memref<!tpu.dma_semaphore, #tpu.memory_space<semaphore_mem>>) {add = true}
        %dma_wait3A_66 = arith.constant 0 : i32
        %dma_wait3A_67 = tpu.memref_slice %arg6[%run_scoped3A, %dma_wait3A_66] : memref<1x128xi32, #tpu.memory_space<vmem>> -> memref<1x128xi32, #tpu.memory_space<vmem>>
        %dma_wait3A_68 = tpu.memref_squeeze %dma_wait3A_67 : memref<1x128xi32, #tpu.memory_space<vmem>> -> memref<128xi32, #tpu.memory_space<vmem>>
        %dma_wait3A_69 = arith.constant 0 : i32
        %dma_wait3A_70 = arith.constant 0 : i32
        %dma_wait3A_71 = tpu.memref_slice %arg11[%dma_wait3A_69, %dma_wait3A_70] : memref<10112x128xf32, #tpu.memory_space<vmem_shared>> -> memref<10112x128xf32, #tpu.memory_space<vmem_shared>>
        tpu.wait_indirect_dma semaphore(%run_scoped3A_59 : memref<!tpu.dma_semaphore, #tpu.memory_space<semaphore_mem>>) src(%arg8 : memref<128x128xf32, #tpu.memory_space<vmem>>) dst(%dma_wait3A_71 : memref<10112x128xf32, #tpu.memory_space<vmem_shared>>)
        tpu.yield
      }) : () -> ()
      %add3A_30 = arith.constant 2 : i32
      %add3A_31 = arith.addi %add3A_29, %add3A_30 : i32
      %lt3A = arith.constant 80 : i32
      %lt3A_32 = arith.cmpi slt, %add3A_31, %lt3A : i32
      %convert_element_type3A = arith.extui %lt3A_32 : i1 to i32
      %cond3A = arith.constant 0 : i32
      %cond3A_33 = arith.cmpi ne, %convert_element_type3A, %cond3A : i32
      scf.if %cond3A_33 {
        %add3A_59 = arith.addi %mul3A_2, %add3A_29 : i32
        %add3A_60 = arith.constant 2 : i32
        %add3A_61 = arith.addi %add3A_59, %add3A_60 : i32
        %dma_start3A_62 = arith.constant 0 : i32
        %dma_start3A_63 = arith.constant 0 : i32
        %dma_start3A_64 = tpu.memref_slice %arg2[%add3A_61, %dma_start3A_62, %dma_start3A_63] : memref<2560x1x128xi32, #tpu.memory_space<hbm>> -> memref<1x1x128xi32, #tpu.memory_space<hbm>>
        %dma_start3A_65 = tpu.memref_squeeze %dma_start3A_64 : memref<1x1x128xi32, #tpu.memory_space<hbm>> -> memref<1x128xi32, #tpu.memory_space<hbm>>
        %dma_start3A_66 = arith.constant 0 : i32
        %dma_start3A_67 = arith.constant 0 : i32
        %dma_start3A_68 = tpu.memref_slice %arg2[%add3A_61, %dma_start3A_66, %dma_start3A_67] : memref<2560x1x128xi32, #tpu.memory_space<hbm>> -> memref<1x1x128xi32, #tpu.memory_space<hbm>>
        %dma_start3A_69 = tpu.memref_squeeze %dma_start3A_68 : memref<1x1x128xi32, #tpu.memory_space<hbm>> -> memref<1x128xi32, #tpu.memory_space<hbm>>
        tpu.enqueue_dma source(%dma_start3A_69 : memref<1x128xi32, #tpu.memory_space<hbm>>) target(%arg6 : memref<1x128xi32, #tpu.memory_space<vmem>>) target_semaphore(%arg9 : memref<!tpu.dma_semaphore, #tpu.memory_space<semaphore_mem>>)
      } else {
      }
      %add3A_34 = arith.addi %mul3A_2, %add3A_29 : i32
      %add3A_35 = arith.constant 1 : i32
      %add3A_36 = arith.addi %add3A_34, %add3A_35 : i32
      %dma_wait3A = arith.constant 0 : i32
      %dma_wait3A_37 = arith.constant 0 : i32
      %dma_wait3A_38 = tpu.memref_slice %arg2[%add3A_36, %dma_wait3A, %dma_wait3A_37] : memref<2560x1x128xi32, #tpu.memory_space<hbm>> -> memref<1x1x128xi32, #tpu.memory_space<hbm>>
      %dma_wait3A_39 = tpu.memref_squeeze %dma_wait3A_38 : memref<1x1x128xi32, #tpu.memory_space<hbm>> -> memref<1x128xi32, #tpu.memory_space<hbm>>
      %dma_wait3A_40 = arith.constant 0 : i32
      %dma_wait3A_41 = arith.constant 0 : i32
      %dma_wait3A_42 = tpu.memref_slice %arg2[%add3A_36, %dma_wait3A_40, %dma_wait3A_41] : memref<2560x1x128xi32, #tpu.memory_space<hbm>> -> memref<1x1x128xi32, #tpu.memory_space<hbm>>
      %dma_wait3A_43 = tpu.memref_squeeze %dma_wait3A_42 : memref<1x1x128xi32, #tpu.memory_space<hbm>> -> memref<1x128xi32, #tpu.memory_space<hbm>>
      tpu.wait_dma2 semaphore(%arg10 : memref<!tpu.dma_semaphore, #tpu.memory_space<semaphore_mem>>) src(%dma_wait3A_43 : memref<1x128xi32, #tpu.memory_space<hbm>>) dst(%arg7 : memref<1x128xi32, #tpu.memory_space<vmem>>)
      %run_scoped3A_44 = arith.constant 0 : i32
      "tpu.region"() ({
        %run_scoped3A_59 = tpu.sem_alloc : memref<!tpu.dma_semaphore, #tpu.memory_space<semaphore_mem>>
        %dma_start3A_60 = arith.constant 0 : i32
        %dma_start3A_61 = tpu.memref_slice %arg7[%run_scoped3A_44, %dma_start3A_60] : memref<1x128xi32, #tpu.memory_space<vmem>> -> memref<1x128xi32, #tpu.memory_space<vmem>>
        %dma_start3A_62 = tpu.memref_squeeze %dma_start3A_61 : memref<1x128xi32, #tpu.memory_space<vmem>> -> memref<128xi32, #tpu.memory_space<vmem>>
        %dma_start3A_63 = arith.constant 0 : i32
        %dma_start3A_64 = arith.constant 0 : i32
        %dma_start3A_65 = tpu.memref_slice %arg11[%dma_start3A_63, %dma_start3A_64] : memref<10112x128xf32, #tpu.memory_space<vmem_shared>> -> memref<10112x128xf32, #tpu.memory_space<vmem_shared>>
        tpu.enqueue_indirect_dma source(%arg8 : memref<128x128xf32, #tpu.memory_space<vmem>>) target(%dma_start3A_65 : memref<10112x128xf32, #tpu.memory_space<vmem_shared>>) offsets(%dma_start3A_62 : memref<128xi32, #tpu.memory_space<vmem>>) semaphore(%run_scoped3A_59 : memref<!tpu.dma_semaphore, #tpu.memory_space<semaphore_mem>>) {add = true}
        %dma_wait3A_66 = arith.constant 0 : i32
        %dma_wait3A_67 = tpu.memref_slice %arg7[%run_scoped3A_44, %dma_wait3A_66] : memref<1x128xi32, #tpu.memory_space<vmem>> -> memref<1x128xi32, #tpu.memory_space<vmem>>
        %dma_wait3A_68 = tpu.memref_squeeze %dma_wait3A_67 : memref<1x128xi32, #tpu.memory_space<vmem>> -> memref<128xi32, #tpu.memory_space<vmem>>
        %dma_wait3A_69 = arith.constant 0 : i32
        %dma_wait3A_70 = arith.constant 0 : i32
        %dma_wait3A_71 = tpu.memref_slice %arg11[%dma_wait3A_69, %dma_wait3A_70] : memref<10112x128xf32, #tpu.memory_space<vmem_shared>> -> memref<10112x128xf32, #tpu.memory_space<vmem_shared>>
        tpu.wait_indirect_dma semaphore(%run_scoped3A_59 : memref<!tpu.dma_semaphore, #tpu.memory_space<semaphore_mem>>) src(%arg8 : memref<128x128xf32, #tpu.memory_space<vmem>>) dst(%dma_wait3A_71 : memref<10112x128xf32, #tpu.memory_space<vmem_shared>>)
        tpu.yield
      }) : () -> ()
      %add3A_45 = arith.constant 3 : i32
      %add3A_46 = arith.addi %add3A_29, %add3A_45 : i32
      %lt3A_47 = arith.constant 80 : i32
      %lt3A_48 = arith.cmpi slt, %add3A_46, %lt3A_47 : i32
      %convert_element_type3A_49 = arith.extui %lt3A_48 : i1 to i32
      %cond3A_50 = arith.constant 0 : i32
      %cond3A_51 = arith.cmpi ne, %convert_element_type3A_49, %cond3A_50 : i32
      scf.if %cond3A_51 {
        %add3A_59 = arith.addi %mul3A_2, %add3A_29 : i32
        %add3A_60 = arith.constant 3 : i32
        %add3A_61 = arith.addi %add3A_59, %add3A_60 : i32
        %dma_start3A_62 = arith.constant 0 : i32
        %dma_start3A_63 = arith.constant 0 : i32
        %dma_start3A_64 = tpu.memref_slice %arg2[%add3A_61, %dma_start3A_62, %dma_start3A_63] : memref<2560x1x128xi32, #tpu.memory_space<hbm>> -> memref<1x1x128xi32, #tpu.memory_space<hbm>>
        %dma_start3A_65 = tpu.memref_squeeze %dma_start3A_64 : memref<1x1x128xi32, #tpu.memory_space<hbm>> -> memref<1x128xi32, #tpu.memory_space<hbm>>
        %dma_start3A_66 = arith.constant 0 : i32
        %dma_start3A_67 = arith.constant 0 : i32
        %dma_start3A_68 = tpu.memref_slice %arg2[%add3A_61, %dma_start3A_66, %dma_start3A_67] : memref<2560x1x128xi32, #tpu.memory_space<hbm>> -> memref<1x1x128xi32, #tpu.memory_space<hbm>>
        %dma_start3A_69 = tpu.memref_squeeze %dma_start3A_68 : memref<1x1x128xi32, #tpu.memory_space<hbm>> -> memref<1x128xi32, #tpu.memory_space<hbm>>
        tpu.enqueue_dma source(%dma_start3A_69 : memref<1x128xi32, #tpu.memory_space<hbm>>) target(%arg7 : memref<1x128xi32, #tpu.memory_space<vmem>>) target_semaphore(%arg10 : memref<!tpu.dma_semaphore, #tpu.memory_space<semaphore_mem>>)
      } else {
      }
      %add3A_52 = arith.constant 2 : i32
      %add3A_53 = arith.addi %add3A_29, %add3A_52 : i32
      %lt3A_54 = arith.constant 80 : i32
      %lt3A_55 = arith.cmpi slt, %add3A_53, %lt3A_54 : i32
      %convert_element_type3A_56 = arith.extui %lt3A_55 : i1 to i32
      %cond3A_57 = arith.constant 0 : i32
      %cond3A_58 = arith.cmpi ne, %convert_element_type3A_56, %cond3A_57 : i32
      scf.if %cond3A_58 {
        %add3A_59 = arith.addi %mul3A_2, %add3A_29 : i32
        %add3A_60 = arith.constant 2 : i32
        %add3A_61 = arith.addi %add3A_59, %add3A_60 : i32
        %dma_wait3A_62 = arith.constant 0 : i32
        %dma_wait3A_63 = arith.constant 0 : i32
        %dma_wait3A_64 = tpu.memref_slice %arg2[%add3A_61, %dma_wait3A_62, %dma_wait3A_63] : memref<2560x1x128xi32, #tpu.memory_space<hbm>> -> memref<1x1x128xi32, #tpu.memory_space<hbm>>
        %dma_wait3A_65 = tpu.memref_squeeze %dma_wait3A_64 : memref<1x1x128xi32, #tpu.memory_space<hbm>> -> memref<1x128xi32, #tpu.memory_space<hbm>>
        %dma_wait3A_66 = arith.constant 0 : i32
        %dma_wait3A_67 = arith.constant 0 : i32
        %dma_wait3A_68 = tpu.memref_slice %arg2[%add3A_61, %dma_wait3A_66, %dma_wait3A_67] : memref<2560x1x128xi32, #tpu.memory_space<hbm>> -> memref<1x1x128xi32, #tpu.memory_space<hbm>>
        %dma_wait3A_69 = tpu.memref_squeeze %dma_wait3A_68 : memref<1x1x128xi32, #tpu.memory_space<hbm>> -> memref<1x128xi32, #tpu.memory_space<hbm>>
        tpu.wait_dma2 semaphore(%arg9 : memref<!tpu.dma_semaphore, #tpu.memory_space<semaphore_mem>>) src(%dma_wait3A_69 : memref<1x128xi32, #tpu.memory_space<hbm>>) dst(%arg6 : memref<1x128xi32, #tpu.memory_space<vmem>>)
      } else {
      }
    }
    %scan3A_19 = arith.constant 40 : i32
    %barrier3A_20 = arith.constant 0 : index
    tpu.barrier barrier_id(%barrier3A_20)
    %mul3A_21 = arith.constant 632 : i32
    %mul3A_22 = arith.muli %arg1, %mul3A_21 : i32
    %mul3A_23 = arith.constant 632 : i32
    %mul3A_24 = arith.muli %arg1, %mul3A_23 : i32
    "tpu.region"() ({
      %run_scoped3A = tpu.sem_alloc : memref<!tpu.dma_semaphore, #tpu.memory_space<semaphore_mem>>
      %dma_start3A_25 = arith.constant 0 : i32
      %dma_start3A_26 = tpu.memref_slice %arg5[%arg0, %mul3A_24, %dma_start3A_25] : memref<2x10112x128xf32, #tpu.memory_space<hbm>> -> memref<1x632x128xf32, #tpu.memory_space<hbm>>
      %dma_start3A_27 = tpu.memref_squeeze %dma_start3A_26 : memref<1x632x128xf32, #tpu.memory_space<hbm>> -> memref<632x128xf32, #tpu.memory_space<hbm>>
      %dma_start3A_28 = arith.constant 0 : i32
      %dma_start3A_29 = tpu.memref_slice %arg11[%mul3A_22, %dma_start3A_28] : memref<10112x128xf32, #tpu.memory_space<vmem_shared>> -> memref<632x128xf32, #tpu.memory_space<vmem_shared>>
      tpu.enqueue_dma source(%dma_start3A_29 : memref<632x128xf32, #tpu.memory_space<vmem_shared>>) target(%dma_start3A_27 : memref<632x128xf32, #tpu.memory_space<hbm>>) target_semaphore(%run_scoped3A : memref<!tpu.dma_semaphore, #tpu.memory_space<semaphore_mem>>)
      %dma_wait3A = arith.constant 0 : i32
      %dma_wait3A_30 = tpu.memref_slice %arg5[%arg0, %mul3A_24, %dma_wait3A] : memref<2x10112x128xf32, #tpu.memory_space<hbm>> -> memref<1x632x128xf32, #tpu.memory_space<hbm>>
      %dma_wait3A_31 = tpu.memref_squeeze %dma_wait3A_30 : memref<1x632x128xf32, #tpu.memory_space<hbm>> -> memref<632x128xf32, #tpu.memory_space<hbm>>
      %dma_wait3A_32 = arith.constant 0 : i32
      %dma_wait3A_33 = tpu.memref_slice %arg11[%mul3A_22, %dma_wait3A_32] : memref<10112x128xf32, #tpu.memory_space<vmem_shared>> -> memref<632x128xf32, #tpu.memory_space<vmem_shared>>
      tpu.wait_dma2 semaphore(%run_scoped3A : memref<!tpu.dma_semaphore, #tpu.memory_space<semaphore_mem>>) src(%dma_wait3A_33 : memref<632x128xf32, #tpu.memory_space<vmem_shared>>) dst(%dma_wait3A_31 : memref<632x128xf32, #tpu.memory_space<hbm>>)
      tpu.yield
    }) : () -> ()
    return
  }
}

#map = affine_map<(d0, d1) -> (0, 0)>
#map1 = affine_map<(d0, d1) -> (0, 0, 0)>
module attributes {stable_mosaic.version = 14 : i64} {
  func.func @_agg_sc_body(%arg0: i32, %arg1: i32, %arg2: memref<10000x128xf32, #tpu.memory_space<hbm>>, %arg3: memref<2x6720x48xi32, #tpu.memory_space<hbm>>, %arg4: memref<10112x128xf32, #tpu.memory_space<hbm>>, %arg5: memref<2x10112x128xf32, #tpu.memory_space<hbm>>, %arg6: memref<2x48xi32, #tpu.memory_space<vmem>>, %arg7: memref<2x48xi32, #tpu.memory_space<vmem>>, %arg8: memref<2x48xi32, #tpu.memory_space<vmem>>, %arg9: memref<2x48xi32, #tpu.memory_space<vmem>>, %arg10: memref<48x128xf32, #tpu.memory_space<vmem>>, %arg11: memref<48x128xf32, #tpu.memory_space<vmem>>, %arg12: memref<48x128xf32, #tpu.memory_space<vmem>>, %arg13: memref<48x128xf32, #tpu.memory_space<vmem>>, %arg14: memref<!tpu.dma_semaphore, #tpu.memory_space<semaphore_mem>>, %arg15: memref<!tpu.dma_semaphore, #tpu.memory_space<semaphore_mem>>, %arg16: memref<!tpu.dma_semaphore, #tpu.memory_space<semaphore_mem>>, %arg17: memref<!tpu.dma_semaphore, #tpu.memory_space<semaphore_mem>>, %arg18: memref<!tpu.dma_semaphore, #tpu.memory_space<semaphore_mem>>, %arg19: memref<!tpu.dma_semaphore, #tpu.memory_space<semaphore_mem>>, %arg20: memref<!tpu.dma_semaphore, #tpu.memory_space<semaphore_mem>>, %arg21: memref<!tpu.dma_semaphore, #tpu.memory_space<semaphore_mem>>, %arg22: memref<10112x128xf32, #tpu.memory_space<vmem_shared>>) attributes {dimension_semantics = [#tpu.dimension_semantics<core_parallel>, #tpu.dimension_semantics<subcore_parallel>], iteration_bounds = array<i64: 2, 16>, scalar_prefetch = 0 : i64, scratch_operands = 17 : i64, tpu.core_type = #tpu.core_type<sc_vector_subcore>, window_params = [{transform_indices = #map}, {transform_indices = #map1}, {transform_indices = #map}, {transform_indices = #map1}]} {
    %eq3A = arith.constant 0 : i32
    %eq3A_0 = arith.cmpi eq, %arg0, %eq3A : i32
    %jit3A = arith.constant 300 : i32
    %jit3A_1 = arith.constant 120 : i32
    %select_n3A = arith.select %eq3A_0, %jit3A, %jit3A_1 : i32
    %eq3A_2 = arith.constant 0 : i32
    %eq3A_3 = arith.cmpi eq, %arg0, %eq3A_2 : i32
    %mul3A = arith.constant 300 : i32
    %mul3A_4 = arith.muli %arg1, %mul3A : i32
    %mul3A_5 = arith.constant 120 : i32
    %mul3A_6 = arith.muli %arg1, %mul3A_5 : i32
    %add3A = arith.constant 4800 : i32
    %add3A_7 = arith.addi %add3A, %mul3A_6 : i32
    %select_n3A_8 = arith.select %eq3A_3, %mul3A_4, %add3A_7 : i32
    %add3A_9 = arith.constant 0 : i32
    %add3A_10 = arith.addi %select_n3A_8, %add3A_9 : i32
    %dma_start3A = arith.constant 0 : i32
    %dma_start3A_11 = arith.constant 0 : i32
    %dma_start3A_12 = tpu.memref_slice %arg3[%dma_start3A, %add3A_10, %dma_start3A_11] : memref<2x6720x48xi32, #tpu.memory_space<hbm>> -> memref<2x1x48xi32, #tpu.memory_space<hbm>>
    %dma_start3A_13 = tpu.memref_squeeze %dma_start3A_12 : memref<2x1x48xi32, #tpu.memory_space<hbm>> -> memref<2x48xi32, #tpu.memory_space<hbm>>
    %dma_start3A_14 = arith.constant 0 : i32
    %dma_start3A_15 = arith.constant 0 : i32
    %dma_start3A_16 = tpu.memref_slice %arg3[%dma_start3A_14, %add3A_10, %dma_start3A_15] : memref<2x6720x48xi32, #tpu.memory_space<hbm>> -> memref<2x1x48xi32, #tpu.memory_space<hbm>>
    %dma_start3A_17 = tpu.memref_squeeze %dma_start3A_16 : memref<2x1x48xi32, #tpu.memory_space<hbm>> -> memref<2x48xi32, #tpu.memory_space<hbm>>
    tpu.enqueue_dma source(%dma_start3A_17 : memref<2x48xi32, #tpu.memory_space<hbm>>) target(%arg6 : memref<2x48xi32, #tpu.memory_space<vmem>>) target_semaphore(%arg18 : memref<!tpu.dma_semaphore, #tpu.memory_space<semaphore_mem>>)
    %add3A_18 = arith.constant 1 : i32
    %add3A_19 = arith.addi %select_n3A_8, %add3A_18 : i32
    %dma_start3A_20 = arith.constant 0 : i32
    %dma_start3A_21 = arith.constant 0 : i32
    %dma_start3A_22 = tpu.memref_slice %arg3[%dma_start3A_20, %add3A_19, %dma_start3A_21] : memref<2x6720x48xi32, #tpu.memory_space<hbm>> -> memref<2x1x48xi32, #tpu.memory_space<hbm>>
    %dma_start3A_23 = tpu.memref_squeeze %dma_start3A_22 : memref<2x1x48xi32, #tpu.memory_space<hbm>> -> memref<2x48xi32, #tpu.memory_space<hbm>>
    %dma_start3A_24 = arith.constant 0 : i32
    %dma_start3A_25 = arith.constant 0 : i32
    %dma_start3A_26 = tpu.memref_slice %arg3[%dma_start3A_24, %add3A_19, %dma_start3A_25] : memref<2x6720x48xi32, #tpu.memory_space<hbm>> -> memref<2x1x48xi32, #tpu.memory_space<hbm>>
    %dma_start3A_27 = tpu.memref_squeeze %dma_start3A_26 : memref<2x1x48xi32, #tpu.memory_space<hbm>> -> memref<2x48xi32, #tpu.memory_space<hbm>>
    tpu.enqueue_dma source(%dma_start3A_27 : memref<2x48xi32, #tpu.memory_space<hbm>>) target(%arg7 : memref<2x48xi32, #tpu.memory_space<vmem>>) target_semaphore(%arg19 : memref<!tpu.dma_semaphore, #tpu.memory_space<semaphore_mem>>)
    %add3A_28 = arith.constant 2 : i32
    %add3A_29 = arith.addi %select_n3A_8, %add3A_28 : i32
    %dma_start3A_30 = arith.constant 0 : i32
    %dma_start3A_31 = arith.constant 0 : i32
    %dma_start3A_32 = tpu.memref_slice %arg3[%dma_start3A_30, %add3A_29, %dma_start3A_31] : memref<2x6720x48xi32, #tpu.memory_space<hbm>> -> memref<2x1x48xi32, #tpu.memory_space<hbm>>
    %dma_start3A_33 = tpu.memref_squeeze %dma_start3A_32 : memref<2x1x48xi32, #tpu.memory_space<hbm>> -> memref<2x48xi32, #tpu.memory_space<hbm>>
    %dma_start3A_34 = arith.constant 0 : i32
    %dma_start3A_35 = arith.constant 0 : i32
    %dma_start3A_36 = tpu.memref_slice %arg3[%dma_start3A_34, %add3A_29, %dma_start3A_35] : memref<2x6720x48xi32, #tpu.memory_space<hbm>> -> memref<2x1x48xi32, #tpu.memory_space<hbm>>
    %dma_start3A_37 = tpu.memref_squeeze %dma_start3A_36 : memref<2x1x48xi32, #tpu.memory_space<hbm>> -> memref<2x48xi32, #tpu.memory_space<hbm>>
    tpu.enqueue_dma source(%dma_start3A_37 : memref<2x48xi32, #tpu.memory_space<hbm>>) target(%arg8 : memref<2x48xi32, #tpu.memory_space<vmem>>) target_semaphore(%arg20 : memref<!tpu.dma_semaphore, #tpu.memory_space<semaphore_mem>>)
    %add3A_38 = arith.constant 3 : i32
    %add3A_39 = arith.addi %select_n3A_8, %add3A_38 : i32
    %dma_start3A_40 = arith.constant 0 : i32
    %dma_start3A_41 = arith.constant 0 : i32
    %dma_start3A_42 = tpu.memref_slice %arg3[%dma_start3A_40, %add3A_39, %dma_start3A_41] : memref<2x6720x48xi32, #tpu.memory_space<hbm>> -> memref<2x1x48xi32, #tpu.memory_space<hbm>>
    %dma_start3A_43 = tpu.memref_squeeze %dma_start3A_42 : memref<2x1x48xi32, #tpu.memory_space<hbm>> -> memref<2x48xi32, #tpu.memory_space<hbm>>
    %dma_start3A_44 = arith.constant 0 : i32
    %dma_start3A_45 = arith.constant 0 : i32
    %dma_start3A_46 = tpu.memref_slice %arg3[%dma_start3A_44, %add3A_39, %dma_start3A_45] : memref<2x6720x48xi32, #tpu.memory_space<hbm>> -> memref<2x1x48xi32, #tpu.memory_space<hbm>>
    %dma_start3A_47 = tpu.memref_squeeze %dma_start3A_46 : memref<2x1x48xi32, #tpu.memory_space<hbm>> -> memref<2x48xi32, #tpu.memory_space<hbm>>
    tpu.enqueue_dma source(%dma_start3A_47 : memref<2x48xi32, #tpu.memory_space<hbm>>) target(%arg9 : memref<2x48xi32, #tpu.memory_space<vmem>>) target_semaphore(%arg21 : memref<!tpu.dma_semaphore, #tpu.memory_space<semaphore_mem>>)
    %mul3A_48 = arith.constant 632 : i32
    %mul3A_49 = arith.muli %arg1, %mul3A_48 : i32
    %mul3A_50 = arith.constant 632 : i32
    %mul3A_51 = arith.muli %arg1, %mul3A_50 : i32
    "tpu.region"() ({
      %run_scoped3A = tpu.sem_alloc : memref<!tpu.dma_semaphore, #tpu.memory_space<semaphore_mem>>
      %dma_start3A_73 = arith.constant 0 : i32
      %dma_start3A_74 = tpu.memref_slice %arg22[%mul3A_51, %dma_start3A_73] : memref<10112x128xf32, #tpu.memory_space<vmem_shared>> -> memref<632x128xf32, #tpu.memory_space<vmem_shared>>
      %dma_start3A_75 = arith.constant 0 : i32
      %dma_start3A_76 = tpu.memref_slice %arg4[%mul3A_49, %dma_start3A_75] : memref<10112x128xf32, #tpu.memory_space<hbm>> -> memref<632x128xf32, #tpu.memory_space<hbm>>
      tpu.enqueue_dma source(%dma_start3A_76 : memref<632x128xf32, #tpu.memory_space<hbm>>) target(%dma_start3A_74 : memref<632x128xf32, #tpu.memory_space<vmem_shared>>) target_semaphore(%run_scoped3A : memref<!tpu.dma_semaphore, #tpu.memory_space<semaphore_mem>>)
      %dma_wait3A = arith.constant 0 : i32
      %dma_wait3A_77 = tpu.memref_slice %arg22[%mul3A_51, %dma_wait3A] : memref<10112x128xf32, #tpu.memory_space<vmem_shared>> -> memref<632x128xf32, #tpu.memory_space<vmem_shared>>
      %dma_wait3A_78 = arith.constant 0 : i32
      %dma_wait3A_79 = tpu.memref_slice %arg4[%mul3A_49, %dma_wait3A_78] : memref<10112x128xf32, #tpu.memory_space<hbm>> -> memref<632x128xf32, #tpu.memory_space<hbm>>
      tpu.wait_dma2 semaphore(%run_scoped3A : memref<!tpu.dma_semaphore, #tpu.memory_space<semaphore_mem>>) src(%dma_wait3A_79 : memref<632x128xf32, #tpu.memory_space<hbm>>) dst(%dma_wait3A_77 : memref<632x128xf32, #tpu.memory_space<vmem_shared>>)
      tpu.yield
    }) : () -> ()
    %barrier3A = arith.constant 0 : index
    tpu.barrier barrier_id(%barrier3A)
    %sub3A = arith.constant 0 : i32
    %sub3A_52 = arith.subi %select_n3A, %sub3A : i32
    %sub3A_53 = arith.constant 4 : i32
    %sub3A_54 = arith.constant 1 : i32
    %sub3A_55 = arith.subi %sub3A_53, %sub3A_54 : i32
    %add3A_56 = arith.addi %sub3A_52, %sub3A_55 : i32
    %div3A = arith.constant 4 : i32
    %div3A_57 = arith.divsi %add3A_56, %div3A : i32
    %while3A = arith.constant 4 : i32
    %while3A_58 = arith.constant 0 : i32
    %while3A_59 = arith.constant 0 : i32
    %while3A_60 = arith.subi %div3A_57, %while3A_59 : i32
    %while3A_61 = arith.addi %while3A_59, %while3A_60 : i32
    %while3A_62 = arith.constant 1 : i32
    %while3A_63 = arith.divsi %while3A_60, %while3A_62 : i32
    %while3A_64 = arith.muli %while3A_63, %while3A_62 : i32
    %while3A_65 = arith.addi %while3A_59, %while3A_64 : i32
    %while3A_66 = arith.constant 1 : i32
    scf.for %while3A_73 = %while3A_59 to %while3A_65 step %while3A_66  : i32 {
      %mul3A_74 = arith.muli %while3A_73, %while3A : i32
      %add3A_75 = arith.addi %while3A_58, %mul3A_74 : i32
      %add3A_76 = arith.addi %select_n3A_8, %add3A_75 : i32
      %add3A_77 = arith.constant 0 : i32
      %add3A_78 = arith.addi %add3A_76, %add3A_77 : i32
      %dma_wait3A = arith.constant 0 : i32
      %dma_wait3A_79 = arith.constant 0 : i32
      %dma_wait3A_80 = tpu.memref_slice %arg3[%dma_wait3A, %add3A_78, %dma_wait3A_79] : memref<2x6720x48xi32, #tpu.memory_space<hbm>> -> memref<2x1x48xi32, #tpu.memory_space<hbm>>
      %dma_wait3A_81 = tpu.memref_squeeze %dma_wait3A_80 : memref<2x1x48xi32, #tpu.memory_space<hbm>> -> memref<2x48xi32, #tpu.memory_space<hbm>>
      %dma_wait3A_82 = arith.constant 0 : i32
      %dma_wait3A_83 = arith.constant 0 : i32
      %dma_wait3A_84 = tpu.memref_slice %arg3[%dma_wait3A_82, %add3A_78, %dma_wait3A_83] : memref<2x6720x48xi32, #tpu.memory_space<hbm>> -> memref<2x1x48xi32, #tpu.memory_space<hbm>>
      %dma_wait3A_85 = tpu.memref_squeeze %dma_wait3A_84 : memref<2x1x48xi32, #tpu.memory_space<hbm>> -> memref<2x48xi32, #tpu.memory_space<hbm>>
      tpu.wait_dma2 semaphore(%arg18 : memref<!tpu.dma_semaphore, #tpu.memory_space<semaphore_mem>>) src(%dma_wait3A_85 : memref<2x48xi32, #tpu.memory_space<hbm>>) dst(%arg6 : memref<2x48xi32, #tpu.memory_space<vmem>>)
      %dma_start3A_86 = arith.constant 0 : i32
      %dma_start3A_87 = arith.constant 0 : i32
      %dma_start3A_88 = tpu.memref_slice %arg6[%dma_start3A_86, %dma_start3A_87] : memref<2x48xi32, #tpu.memory_space<vmem>> -> memref<1x48xi32, #tpu.memory_space<vmem>>
      %dma_start3A_89 = tpu.memref_squeeze %dma_start3A_88 : memref<1x48xi32, #tpu.memory_space<vmem>> -> memref<48xi32, #tpu.memory_space<vmem>>
      %dma_start3A_90 = arith.constant 0 : i32
      %dma_start3A_91 = arith.constant 0 : i32
      %dma_start3A_92 = tpu.memref_slice %arg2[%dma_start3A_90, %dma_start3A_91] : memref<10000x128xf32, #tpu.memory_space<hbm>> -> memref<10000x128xf32, #tpu.memory_space<hbm>>
      tpu.enqueue_indirect_dma source(%dma_start3A_92 : memref<10000x128xf32, #tpu.memory_space<hbm>>) target(%arg10 : memref<48x128xf32, #tpu.memory_space<vmem>>) offsets(%dma_start3A_89 : memref<48xi32, #tpu.memory_space<vmem>>) semaphore(%arg14 : memref<!tpu.dma_semaphore, #tpu.memory_space<semaphore_mem>>)
      %add3A_93 = arith.addi %select_n3A_8, %add3A_75 : i32
      %add3A_94 = arith.constant 1 : i32
      %add3A_95 = arith.addi %add3A_93, %add3A_94 : i32
      %dma_wait3A_96 = arith.constant 0 : i32
      %dma_wait3A_97 = arith.constant 0 : i32
      %dma_wait3A_98 = tpu.memref_slice %arg3[%dma_wait3A_96, %add3A_95, %dma_wait3A_97] : memref<2x6720x48xi32, #tpu.memory_space<hbm>> -> memref<2x1x48xi32, #tpu.memory_space<hbm>>
      %dma_wait3A_99 = tpu.memref_squeeze %dma_wait3A_98 : memref<2x1x48xi32, #tpu.memory_space<hbm>> -> memref<2x48xi32, #tpu.memory_space<hbm>>
      %dma_wait3A_100 = arith.constant 0 : i32
      %dma_wait3A_101 = arith.constant 0 : i32
      %dma_wait3A_102 = tpu.memref_slice %arg3[%dma_wait3A_100, %add3A_95, %dma_wait3A_101] : memref<2x6720x48xi32, #tpu.memory_space<hbm>> -> memref<2x1x48xi32, #tpu.memory_space<hbm>>
      %dma_wait3A_103 = tpu.memref_squeeze %dma_wait3A_102 : memref<2x1x48xi32, #tpu.memory_space<hbm>> -> memref<2x48xi32, #tpu.memory_space<hbm>>
      tpu.wait_dma2 semaphore(%arg19 : memref<!tpu.dma_semaphore, #tpu.memory_space<semaphore_mem>>) src(%dma_wait3A_103 : memref<2x48xi32, #tpu.memory_space<hbm>>) dst(%arg7 : memref<2x48xi32, #tpu.memory_space<vmem>>)
      %dma_start3A_104 = arith.constant 0 : i32
      %dma_start3A_105 = arith.constant 0 : i32
      %dma_start3A_106 = tpu.memref_slice %arg7[%dma_start3A_104, %dma_start3A_105] : memref<2x48xi32, #tpu.memory_space<vmem>> -> memref<1x48xi32, #tpu.memory_space<vmem>>
      %dma_start3A_107 = tpu.memref_squeeze %dma_start3A_106 : memref<1x48xi32, #tpu.memory_space<vmem>> -> memref<48xi32, #tpu.memory_space<vmem>>
      %dma_start3A_108 = arith.constant 0 : i32
      %dma_start3A_109 = arith.constant 0 : i32
      %dma_start3A_110 = tpu.memref_slice %arg2[%dma_start3A_108, %dma_start3A_109] : memref<10000x128xf32, #tpu.memory_space<hbm>> -> memref<10000x128xf32, #tpu.memory_space<hbm>>
      tpu.enqueue_indirect_dma source(%dma_start3A_110 : memref<10000x128xf32, #tpu.memory_space<hbm>>) target(%arg11 : memref<48x128xf32, #tpu.memory_space<vmem>>) offsets(%dma_start3A_107 : memref<48xi32, #tpu.memory_space<vmem>>) semaphore(%arg15 : memref<!tpu.dma_semaphore, #tpu.memory_space<semaphore_mem>>)
      %add3A_111 = arith.addi %select_n3A_8, %add3A_75 : i32
      %add3A_112 = arith.constant 2 : i32
      %add3A_113 = arith.addi %add3A_111, %add3A_112 : i32
      %dma_wait3A_114 = arith.constant 0 : i32
      %dma_wait3A_115 = arith.constant 0 : i32
      %dma_wait3A_116 = tpu.memref_slice %arg3[%dma_wait3A_114, %add3A_113, %dma_wait3A_115] : memref<2x6720x48xi32, #tpu.memory_space<hbm>> -> memref<2x1x48xi32, #tpu.memory_space<hbm>>
      %dma_wait3A_117 = tpu.memref_squeeze %dma_wait3A_116 : memref<2x1x48xi32, #tpu.memory_space<hbm>> -> memref<2x48xi32, #tpu.memory_space<hbm>>
      %dma_wait3A_118 = arith.constant 0 : i32
      %dma_wait3A_119 = arith.constant 0 : i32
      %dma_wait3A_120 = tpu.memref_slice %arg3[%dma_wait3A_118, %add3A_113, %dma_wait3A_119] : memref<2x6720x48xi32, #tpu.memory_space<hbm>> -> memref<2x1x48xi32, #tpu.memory_space<hbm>>
      %dma_wait3A_121 = tpu.memref_squeeze %dma_wait3A_120 : memref<2x1x48xi32, #tpu.memory_space<hbm>> -> memref<2x48xi32, #tpu.memory_space<hbm>>
      tpu.wait_dma2 semaphore(%arg20 : memref<!tpu.dma_semaphore, #tpu.memory_space<semaphore_mem>>) src(%dma_wait3A_121 : memref<2x48xi32, #tpu.memory_space<hbm>>) dst(%arg8 : memref<2x48xi32, #tpu.memory_space<vmem>>)
      %dma_start3A_122 = arith.constant 0 : i32
      %dma_start3A_123 = arith.constant 0 : i32
      %dma_start3A_124 = tpu.memref_slice %arg8[%dma_start3A_122, %dma_start3A_123] : memref<2x48xi32, #tpu.memory_space<vmem>> -> memref<1x48xi32, #tpu.memory_space<vmem>>
      %dma_start3A_125 = tpu.memref_squeeze %dma_start3A_124 : memref<1x48xi32, #tpu.memory_space<vmem>> -> memref<48xi32, #tpu.memory_space<vmem>>
      %dma_start3A_126 = arith.constant 0 : i32
      %dma_start3A_127 = arith.constant 0 : i32
      %dma_start3A_128 = tpu.memref_slice %arg2[%dma_start3A_126, %dma_start3A_127] : memref<10000x128xf32, #tpu.memory_space<hbm>> -> memref<10000x128xf32, #tpu.memory_space<hbm>>
      tpu.enqueue_indirect_dma source(%dma_start3A_128 : memref<10000x128xf32, #tpu.memory_space<hbm>>) target(%arg12 : memref<48x128xf32, #tpu.memory_space<vmem>>) offsets(%dma_start3A_125 : memref<48xi32, #tpu.memory_space<vmem>>) semaphore(%arg16 : memref<!tpu.dma_semaphore, #tpu.memory_space<semaphore_mem>>)
      %add3A_129 = arith.addi %select_n3A_8, %add3A_75 : i32
      %add3A_130 = arith.constant 3 : i32
      %add3A_131 = arith.addi %add3A_129, %add3A_130 : i32
      %dma_wait3A_132 = arith.constant 0 : i32
      %dma_wait3A_133 = arith.constant 0 : i32
      %dma_wait3A_134 = tpu.memref_slice %arg3[%dma_wait3A_132, %add3A_131, %dma_wait3A_133] : memref<2x6720x48xi32, #tpu.memory_space<hbm>> -> memref<2x1x48xi32, #tpu.memory_space<hbm>>
      %dma_wait3A_135 = tpu.memref_squeeze %dma_wait3A_134 : memref<2x1x48xi32, #tpu.memory_space<hbm>> -> memref<2x48xi32, #tpu.memory_space<hbm>>
      %dma_wait3A_136 = arith.constant 0 : i32
      %dma_wait3A_137 = arith.constant 0 : i32
      %dma_wait3A_138 = tpu.memref_slice %arg3[%dma_wait3A_136, %add3A_131, %dma_wait3A_137] : memref<2x6720x48xi32, #tpu.memory_space<hbm>> -> memref<2x1x48xi32, #tpu.memory_space<hbm>>
      %dma_wait3A_139 = tpu.memref_squeeze %dma_wait3A_138 : memref<2x1x48xi32, #tpu.memory_space<hbm>> -> memref<2x48xi32, #tpu.memory_space<hbm>>
      tpu.wait_dma2 semaphore(%arg21 : memref<!tpu.dma_semaphore, #tpu.memory_space<semaphore_mem>>) src(%dma_wait3A_139 : memref<2x48xi32, #tpu.memory_space<hbm>>) dst(%arg9 : memref<2x48xi32, #tpu.memory_space<vmem>>)
      %dma_start3A_140 = arith.constant 0 : i32
      %dma_start3A_141 = arith.constant 0 : i32
      %dma_start3A_142 = tpu.memref_slice %arg9[%dma_start3A_140, %dma_start3A_141] : memref<2x48xi32, #tpu.memory_space<vmem>> -> memref<1x48xi32, #tpu.memory_space<vmem>>
      %dma_start3A_143 = tpu.memref_squeeze %dma_start3A_142 : memref<1x48xi32, #tpu.memory_space<vmem>> -> memref<48xi32, #tpu.memory_space<vmem>>
      %dma_start3A_144 = arith.constant 0 : i32
      %dma_start3A_145 = arith.constant 0 : i32
      %dma_start3A_146 = tpu.memref_slice %arg2[%dma_start3A_144, %dma_start3A_145] : memref<10000x128xf32, #tpu.memory_space<hbm>> -> memref<10000x128xf32, #tpu.memory_space<hbm>>
      tpu.enqueue_indirect_dma source(%dma_start3A_146 : memref<10000x128xf32, #tpu.memory_space<hbm>>) target(%arg13 : memref<48x128xf32, #tpu.memory_space<vmem>>) offsets(%dma_start3A_143 : memref<48xi32, #tpu.memory_space<vmem>>) semaphore(%arg17 : memref<!tpu.dma_semaphore, #tpu.memory_space<semaphore_mem>>)
      %dma_wait3A_147 = arith.constant 0 : i32
      %dma_wait3A_148 = arith.constant 0 : i32
      %dma_wait3A_149 = tpu.memref_slice %arg6[%dma_wait3A_147, %dma_wait3A_148] : memref<2x48xi32, #tpu.memory_space<vmem>> -> memref<1x48xi32, #tpu.memory_space<vmem>>
      %dma_wait3A_150 = tpu.memref_squeeze %dma_wait3A_149 : memref<1x48xi32, #tpu.memory_space<vmem>> -> memref<48xi32, #tpu.memory_space<vmem>>
      %dma_wait3A_151 = arith.constant 0 : i32
      %dma_wait3A_152 = arith.constant 0 : i32
      %dma_wait3A_153 = tpu.memref_slice %arg2[%dma_wait3A_151, %dma_wait3A_152] : memref<10000x128xf32, #tpu.memory_space<hbm>> -> memref<10000x128xf32, #tpu.memory_space<hbm>>
      tpu.wait_indirect_dma semaphore(%arg14 : memref<!tpu.dma_semaphore, #tpu.memory_space<semaphore_mem>>) src(%dma_wait3A_153 : memref<10000x128xf32, #tpu.memory_space<hbm>>) dst(%arg10 : memref<48x128xf32, #tpu.memory_space<vmem>>)
      %run_scoped3A = arith.constant 1 : i32
      "tpu.region"() ({
        %run_scoped3A_207 = tpu.sem_alloc : memref<!tpu.dma_semaphore, #tpu.memory_space<semaphore_mem>>
        %dma_start3A_208 = arith.constant 0 : i32
        %dma_start3A_209 = tpu.memref_slice %arg6[%run_scoped3A, %dma_start3A_208] : memref<2x48xi32, #tpu.memory_space<vmem>> -> memref<1x48xi32, #tpu.memory_space<vmem>>
        %dma_start3A_210 = tpu.memref_squeeze %dma_start3A_209 : memref<1x48xi32, #tpu.memory_space<vmem>> -> memref<48xi32, #tpu.memory_space<vmem>>
        %dma_start3A_211 = arith.constant 0 : i32
        %dma_start3A_212 = arith.constant 0 : i32
        %dma_start3A_213 = tpu.memref_slice %arg22[%dma_start3A_211, %dma_start3A_212] : memref<10112x128xf32, #tpu.memory_space<vmem_shared>> -> memref<10112x128xf32, #tpu.memory_space<vmem_shared>>
        tpu.enqueue_indirect_dma source(%arg10 : memref<48x128xf32, #tpu.memory_space<vmem>>) target(%dma_start3A_213 : memref<10112x128xf32, #tpu.memory_space<vmem_shared>>) offsets(%dma_start3A_210 : memref<48xi32, #tpu.memory_space<vmem>>) semaphore(%run_scoped3A_207 : memref<!tpu.dma_semaphore, #tpu.memory_space<semaphore_mem>>) {add = true}
        %dma_wait3A_214 = arith.constant 0 : i32
        %dma_wait3A_215 = tpu.memref_slice %arg6[%run_scoped3A, %dma_wait3A_214] : memref<2x48xi32, #tpu.memory_space<vmem>> -> memref<1x48xi32, #tpu.memory_space<vmem>>
        %dma_wait3A_216 = tpu.memref_squeeze %dma_wait3A_215 : memref<1x48xi32, #tpu.memory_space<vmem>> -> memref<48xi32, #tpu.memory_space<vmem>>
        %dma_wait3A_217 = arith.constant 0 : i32
        %dma_wait3A_218 = arith.constant 0 : i32
        %dma_wait3A_219 = tpu.memref_slice %arg22[%dma_wait3A_217, %dma_wait3A_218] : memref<10112x128xf32, #tpu.memory_space<vmem_shared>> -> memref<10112x128xf32, #tpu.memory_space<vmem_shared>>
        tpu.wait_indirect_dma semaphore(%run_scoped3A_207 : memref<!tpu.dma_semaphore, #tpu.memory_space<semaphore_mem>>) src(%arg10 : memref<48x128xf32, #tpu.memory_space<vmem>>) dst(%dma_wait3A_219 : memref<10112x128xf32, #tpu.memory_space<vmem_shared>>)
        tpu.yield
      }) : () -> ()
      %add3A_154 = arith.constant 0 : i32
      %add3A_155 = arith.addi %add3A_75, %add3A_154 : i32
      %add3A_156 = arith.constant 4 : i32
      %add3A_157 = arith.addi %add3A_155, %add3A_156 : i32
      %lt3A = arith.cmpi slt, %add3A_157, %select_n3A : i32
      %convert_element_type3A = arith.extui %lt3A : i1 to i32
      %cond3A = arith.constant 0 : i32
      %cond3A_158 = arith.cmpi ne, %convert_element_type3A, %cond3A : i32
      scf.if %cond3A_158 {
        %add3A_207 = arith.addi %select_n3A_8, %add3A_75 : i32
        %add3A_208 = arith.constant 0 : i32
        %add3A_209 = arith.addi %add3A_207, %add3A_208 : i32
        %add3A_210 = arith.constant 4 : i32
        %add3A_211 = arith.addi %add3A_209, %add3A_210 : i32
        %dma_start3A_212 = arith.constant 0 : i32
        %dma_start3A_213 = arith.constant 0 : i32
        %dma_start3A_214 = tpu.memref_slice %arg3[%dma_start3A_212, %add3A_211, %dma_start3A_213] : memref<2x6720x48xi32, #tpu.memory_space<hbm>> -> memref<2x1x48xi32, #tpu.memory_space<hbm>>
        %dma_start3A_215 = tpu.memref_squeeze %dma_start3A_214 : memref<2x1x48xi32, #tpu.memory_space<hbm>> -> memref<2x48xi32, #tpu.memory_space<hbm>>
        %dma_start3A_216 = arith.constant 0 : i32
        %dma_start3A_217 = arith.constant 0 : i32
        %dma_start3A_218 = tpu.memref_slice %arg3[%dma_start3A_216, %add3A_211, %dma_start3A_217] : memref<2x6720x48xi32, #tpu.memory_space<hbm>> -> memref<2x1x48xi32, #tpu.memory_space<hbm>>
        %dma_start3A_219 = tpu.memref_squeeze %dma_start3A_218 : memref<2x1x48xi32, #tpu.memory_space<hbm>> -> memref<2x48xi32, #tpu.memory_space<hbm>>
        tpu.enqueue_dma source(%dma_start3A_219 : memref<2x48xi32, #tpu.memory_space<hbm>>) target(%arg6 : memref<2x48xi32, #tpu.memory_space<vmem>>) target_semaphore(%arg18 : memref<!tpu.dma_semaphore, #tpu.memory_space<semaphore_mem>>)
      } else {
      }
      %dma_wait3A_159 = arith.constant 0 : i32
      %dma_wait3A_160 = arith.constant 0 : i32
      %dma_wait3A_161 = tpu.memref_slice %arg7[%dma_wait3A_159, %dma_wait3A_160] : memref<2x48xi32, #tpu.memory_space<vmem>> -> memref<1x48xi32, #tpu.memory_space<vmem>>
      %dma_wait3A_162 = tpu.memref_squeeze %dma_wait3A_161 : memref<1x48xi32, #tpu.memory_space<vmem>> -> memref<48xi32, #tpu.memory_space<vmem>>
      %dma_wait3A_163 = arith.constant 0 : i32
      %dma_wait3A_164 = arith.constant 0 : i32
      %dma_wait3A_165 = tpu.memref_slice %arg2[%dma_wait3A_163, %dma_wait3A_164] : memref<10000x128xf32, #tpu.memory_space<hbm>> -> memref<10000x128xf32, #tpu.memory_space<hbm>>
      tpu.wait_indirect_dma semaphore(%arg15 : memref<!tpu.dma_semaphore, #tpu.memory_space<semaphore_mem>>) src(%dma_wait3A_165 : memref<10000x128xf32, #tpu.memory_space<hbm>>) dst(%arg11 : memref<48x128xf32, #tpu.memory_space<vmem>>)
      %run_scoped3A_166 = arith.constant 1 : i32
      "tpu.region"() ({
        %run_scoped3A_207 = tpu.sem_alloc : memref<!tpu.dma_semaphore, #tpu.memory_space<semaphore_mem>>
        %dma_start3A_208 = arith.constant 0 : i32
        %dma_start3A_209 = tpu.memref_slice %arg7[%run_scoped3A_166, %dma_start3A_208] : memref<2x48xi32, #tpu.memory_space<vmem>> -> memref<1x48xi32, #tpu.memory_space<vmem>>
        %dma_start3A_210 = tpu.memref_squeeze %dma_start3A_209 : memref<1x48xi32, #tpu.memory_space<vmem>> -> memref<48xi32, #tpu.memory_space<vmem>>
        %dma_start3A_211 = arith.constant 0 : i32
        %dma_start3A_212 = arith.constant 0 : i32
        %dma_start3A_213 = tpu.memref_slice %arg22[%dma_start3A_211, %dma_start3A_212] : memref<10112x128xf32, #tpu.memory_space<vmem_shared>> -> memref<10112x128xf32, #tpu.memory_space<vmem_shared>>
        tpu.enqueue_indirect_dma source(%arg11 : memref<48x128xf32, #tpu.memory_space<vmem>>) target(%dma_start3A_213 : memref<10112x128xf32, #tpu.memory_space<vmem_shared>>) offsets(%dma_start3A_210 : memref<48xi32, #tpu.memory_space<vmem>>) semaphore(%run_scoped3A_207 : memref<!tpu.dma_semaphore, #tpu.memory_space<semaphore_mem>>) {add = true}
        %dma_wait3A_214 = arith.constant 0 : i32
        %dma_wait3A_215 = tpu.memref_slice %arg7[%run_scoped3A_166, %dma_wait3A_214] : memref<2x48xi32, #tpu.memory_space<vmem>> -> memref<1x48xi32, #tpu.memory_space<vmem>>
        %dma_wait3A_216 = tpu.memref_squeeze %dma_wait3A_215 : memref<1x48xi32, #tpu.memory_space<vmem>> -> memref<48xi32, #tpu.memory_space<vmem>>
        %dma_wait3A_217 = arith.constant 0 : i32
        %dma_wait3A_218 = arith.constant 0 : i32
        %dma_wait3A_219 = tpu.memref_slice %arg22[%dma_wait3A_217, %dma_wait3A_218] : memref<10112x128xf32, #tpu.memory_space<vmem_shared>> -> memref<10112x128xf32, #tpu.memory_space<vmem_shared>>
        tpu.wait_indirect_dma semaphore(%run_scoped3A_207 : memref<!tpu.dma_semaphore, #tpu.memory_space<semaphore_mem>>) src(%arg11 : memref<48x128xf32, #tpu.memory_space<vmem>>) dst(%dma_wait3A_219 : memref<10112x128xf32, #tpu.memory_space<vmem_shared>>)
        tpu.yield
      }) : () -> ()
      %add3A_167 = arith.constant 1 : i32
      %add3A_168 = arith.addi %add3A_75, %add3A_167 : i32
      %add3A_169 = arith.constant 4 : i32
      %add3A_170 = arith.addi %add3A_168, %add3A_169 : i32
      %lt3A_171 = arith.cmpi slt, %add3A_170, %select_n3A : i32
      %convert_element_type3A_172 = arith.extui %lt3A_171 : i1 to i32
      %cond3A_173 = arith.constant 0 : i32
      %cond3A_174 = arith.cmpi ne, %convert_element_type3A_172, %cond3A_173 : i32
      scf.if %cond3A_174 {
        %add3A_207 = arith.addi %select_n3A_8, %add3A_75 : i32
        %add3A_208 = arith.constant 1 : i32
        %add3A_209 = arith.addi %add3A_207, %add3A_208 : i32
        %add3A_210 = arith.constant 4 : i32
        %add3A_211 = arith.addi %add3A_209, %add3A_210 : i32
        %dma_start3A_212 = arith.constant 0 : i32
        %dma_start3A_213 = arith.constant 0 : i32
        %dma_start3A_214 = tpu.memref_slice %arg3[%dma_start3A_212, %add3A_211, %dma_start3A_213] : memref<2x6720x48xi32, #tpu.memory_space<hbm>> -> memref<2x1x48xi32, #tpu.memory_space<hbm>>
        %dma_start3A_215 = tpu.memref_squeeze %dma_start3A_214 : memref<2x1x48xi32, #tpu.memory_space<hbm>> -> memref<2x48xi32, #tpu.memory_space<hbm>>
        %dma_start3A_216 = arith.constant 0 : i32
        %dma_start3A_217 = arith.constant 0 : i32
        %dma_start3A_218 = tpu.memref_slice %arg3[%dma_start3A_216, %add3A_211, %dma_start3A_217] : memref<2x6720x48xi32, #tpu.memory_space<hbm>> -> memref<2x1x48xi32, #tpu.memory_space<hbm>>
        %dma_start3A_219 = tpu.memref_squeeze %dma_start3A_218 : memref<2x1x48xi32, #tpu.memory_space<hbm>> -> memref<2x48xi32, #tpu.memory_space<hbm>>
        tpu.enqueue_dma source(%dma_start3A_219 : memref<2x48xi32, #tpu.memory_space<hbm>>) target(%arg7 : memref<2x48xi32, #tpu.memory_space<vmem>>) target_semaphore(%arg19 : memref<!tpu.dma_semaphore, #tpu.memory_space<semaphore_mem>>)
      } else {
      }
      %dma_wait3A_175 = arith.constant 0 : i32
      %dma_wait3A_176 = arith.constant 0 : i32
      %dma_wait3A_177 = tpu.memref_slice %arg8[%dma_wait3A_175, %dma_wait3A_176] : memref<2x48xi32, #tpu.memory_space<vmem>> -> memref<1x48xi32, #tpu.memory_space<vmem>>
      %dma_wait3A_178 = tpu.memref_squeeze %dma_wait3A_177 : memref<1x48xi32, #tpu.memory_space<vmem>> -> memref<48xi32, #tpu.memory_space<vmem>>
      %dma_wait3A_179 = arith.constant 0 : i32
      %dma_wait3A_180 = arith.constant 0 : i32
      %dma_wait3A_181 = tpu.memref_slice %arg2[%dma_wait3A_179, %dma_wait3A_180] : memref<10000x128xf32, #tpu.memory_space<hbm>> -> memref<10000x128xf32, #tpu.memory_space<hbm>>
      tpu.wait_indirect_dma semaphore(%arg16 : memref<!tpu.dma_semaphore, #tpu.memory_space<semaphore_mem>>) src(%dma_wait3A_181 : memref<10000x128xf32, #tpu.memory_space<hbm>>) dst(%arg12 : memref<48x128xf32, #tpu.memory_space<vmem>>)
      %run_scoped3A_182 = arith.constant 1 : i32
      "tpu.region"() ({
        %run_scoped3A_207 = tpu.sem_alloc : memref<!tpu.dma_semaphore, #tpu.memory_space<semaphore_mem>>
        %dma_start3A_208 = arith.constant 0 : i32
        %dma_start3A_209 = tpu.memref_slice %arg8[%run_scoped3A_182, %dma_start3A_208] : memref<2x48xi32, #tpu.memory_space<vmem>> -> memref<1x48xi32, #tpu.memory_space<vmem>>
        %dma_start3A_210 = tpu.memref_squeeze %dma_start3A_209 : memref<1x48xi32, #tpu.memory_space<vmem>> -> memref<48xi32, #tpu.memory_space<vmem>>
        %dma_start3A_211 = arith.constant 0 : i32
        %dma_start3A_212 = arith.constant 0 : i32
        %dma_start3A_213 = tpu.memref_slice %arg22[%dma_start3A_211, %dma_start3A_212] : memref<10112x128xf32, #tpu.memory_space<vmem_shared>> -> memref<10112x128xf32, #tpu.memory_space<vmem_shared>>
        tpu.enqueue_indirect_dma source(%arg12 : memref<48x128xf32, #tpu.memory_space<vmem>>) target(%dma_start3A_213 : memref<10112x128xf32, #tpu.memory_space<vmem_shared>>) offsets(%dma_start3A_210 : memref<48xi32, #tpu.memory_space<vmem>>) semaphore(%run_scoped3A_207 : memref<!tpu.dma_semaphore, #tpu.memory_space<semaphore_mem>>) {add = true}
        %dma_wait3A_214 = arith.constant 0 : i32
        %dma_wait3A_215 = tpu.memref_slice %arg8[%run_scoped3A_182, %dma_wait3A_214] : memref<2x48xi32, #tpu.memory_space<vmem>> -> memref<1x48xi32, #tpu.memory_space<vmem>>
        %dma_wait3A_216 = tpu.memref_squeeze %dma_wait3A_215 : memref<1x48xi32, #tpu.memory_space<vmem>> -> memref<48xi32, #tpu.memory_space<vmem>>
        %dma_wait3A_217 = arith.constant 0 : i32
        %dma_wait3A_218 = arith.constant 0 : i32
        %dma_wait3A_219 = tpu.memref_slice %arg22[%dma_wait3A_217, %dma_wait3A_218] : memref<10112x128xf32, #tpu.memory_space<vmem_shared>> -> memref<10112x128xf32, #tpu.memory_space<vmem_shared>>
        tpu.wait_indirect_dma semaphore(%run_scoped3A_207 : memref<!tpu.dma_semaphore, #tpu.memory_space<semaphore_mem>>) src(%arg12 : memref<48x128xf32, #tpu.memory_space<vmem>>) dst(%dma_wait3A_219 : memref<10112x128xf32, #tpu.memory_space<vmem_shared>>)
        tpu.yield
      }) : () -> ()
      %add3A_183 = arith.constant 2 : i32
      %add3A_184 = arith.addi %add3A_75, %add3A_183 : i32
      %add3A_185 = arith.constant 4 : i32
      %add3A_186 = arith.addi %add3A_184, %add3A_185 : i32
      %lt3A_187 = arith.cmpi slt, %add3A_186, %select_n3A : i32
      %convert_element_type3A_188 = arith.extui %lt3A_187 : i1 to i32
      %cond3A_189 = arith.constant 0 : i32
      %cond3A_190 = arith.cmpi ne, %convert_element_type3A_188, %cond3A_189 : i32
      scf.if %cond3A_190 {
        %add3A_207 = arith.addi %select_n3A_8, %add3A_75 : i32
        %add3A_208 = arith.constant 2 : i32
        %add3A_209 = arith.addi %add3A_207, %add3A_208 : i32
        %add3A_210 = arith.constant 4 : i32
        %add3A_211 = arith.addi %add3A_209, %add3A_210 : i32
        %dma_start3A_212 = arith.constant 0 : i32
        %dma_start3A_213 = arith.constant 0 : i32
        %dma_start3A_214 = tpu.memref_slice %arg3[%dma_start3A_212, %add3A_211, %dma_start3A_213] : memref<2x6720x48xi32, #tpu.memory_space<hbm>> -> memref<2x1x48xi32, #tpu.memory_space<hbm>>
        %dma_start3A_215 = tpu.memref_squeeze %dma_start3A_214 : memref<2x1x48xi32, #tpu.memory_space<hbm>> -> memref<2x48xi32, #tpu.memory_space<hbm>>
        %dma_start3A_216 = arith.constant 0 : i32
        %dma_start3A_217 = arith.constant 0 : i32
        %dma_start3A_218 = tpu.memref_slice %arg3[%dma_start3A_216, %add3A_211, %dma_start3A_217] : memref<2x6720x48xi32, #tpu.memory_space<hbm>> -> memref<2x1x48xi32, #tpu.memory_space<hbm>>
        %dma_start3A_219 = tpu.memref_squeeze %dma_start3A_218 : memref<2x1x48xi32, #tpu.memory_space<hbm>> -> memref<2x48xi32, #tpu.memory_space<hbm>>
        tpu.enqueue_dma source(%dma_start3A_219 : memref<2x48xi32, #tpu.memory_space<hbm>>) target(%arg8 : memref<2x48xi32, #tpu.memory_space<vmem>>) target_semaphore(%arg20 : memref<!tpu.dma_semaphore, #tpu.memory_space<semaphore_mem>>)
      } else {
      }
      %dma_wait3A_191 = arith.constant 0 : i32
      %dma_wait3A_192 = arith.constant 0 : i32
      %dma_wait3A_193 = tpu.memref_slice %arg9[%dma_wait3A_191, %dma_wait3A_192] : memref<2x48xi32, #tpu.memory_space<vmem>> -> memref<1x48xi32, #tpu.memory_space<vmem>>
      %dma_wait3A_194 = tpu.memref_squeeze %dma_wait3A_193 : memref<1x48xi32, #tpu.memory_space<vmem>> -> memref<48xi32, #tpu.memory_space<vmem>>
      %dma_wait3A_195 = arith.constant 0 : i32
      %dma_wait3A_196 = arith.constant 0 : i32
      %dma_wait3A_197 = tpu.memref_slice %arg2[%dma_wait3A_195, %dma_wait3A_196] : memref<10000x128xf32, #tpu.memory_space<hbm>> -> memref<10000x128xf32, #tpu.memory_space<hbm>>
      tpu.wait_indirect_dma semaphore(%arg17 : memref<!tpu.dma_semaphore, #tpu.memory_space<semaphore_mem>>) src(%dma_wait3A_197 : memref<10000x128xf32, #tpu.memory_space<hbm>>) dst(%arg13 : memref<48x128xf32, #tpu.memory_space<vmem>>)
      %run_scoped3A_198 = arith.constant 1 : i32
      "tpu.region"() ({
        %run_scoped3A_207 = tpu.sem_alloc : memref<!tpu.dma_semaphore, #tpu.memory_space<semaphore_mem>>
        %dma_start3A_208 = arith.constant 0 : i32
        %dma_start3A_209 = tpu.memref_slice %arg9[%run_scoped3A_198, %dma_start3A_208] : memref<2x48xi32, #tpu.memory_space<vmem>> -> memref<1x48xi32, #tpu.memory_space<vmem>>
        %dma_start3A_210 = tpu.memref_squeeze %dma_start3A_209 : memref<1x48xi32, #tpu.memory_space<vmem>> -> memref<48xi32, #tpu.memory_space<vmem>>
        %dma_start3A_211 = arith.constant 0 : i32
        %dma_start3A_212 = arith.constant 0 : i32
        %dma_start3A_213 = tpu.memref_slice %arg22[%dma_start3A_211, %dma_start3A_212] : memref<10112x128xf32, #tpu.memory_space<vmem_shared>> -> memref<10112x128xf32, #tpu.memory_space<vmem_shared>>
        tpu.enqueue_indirect_dma source(%arg13 : memref<48x128xf32, #tpu.memory_space<vmem>>) target(%dma_start3A_213 : memref<10112x128xf32, #tpu.memory_space<vmem_shared>>) offsets(%dma_start3A_210 : memref<48xi32, #tpu.memory_space<vmem>>) semaphore(%run_scoped3A_207 : memref<!tpu.dma_semaphore, #tpu.memory_space<semaphore_mem>>) {add = true}
        %dma_wait3A_214 = arith.constant 0 : i32
        %dma_wait3A_215 = tpu.memref_slice %arg9[%run_scoped3A_198, %dma_wait3A_214] : memref<2x48xi32, #tpu.memory_space<vmem>> -> memref<1x48xi32, #tpu.memory_space<vmem>>
        %dma_wait3A_216 = tpu.memref_squeeze %dma_wait3A_215 : memref<1x48xi32, #tpu.memory_space<vmem>> -> memref<48xi32, #tpu.memory_space<vmem>>
        %dma_wait3A_217 = arith.constant 0 : i32
        %dma_wait3A_218 = arith.constant 0 : i32
        %dma_wait3A_219 = tpu.memref_slice %arg22[%dma_wait3A_217, %dma_wait3A_218] : memref<10112x128xf32, #tpu.memory_space<vmem_shared>> -> memref<10112x128xf32, #tpu.memory_space<vmem_shared>>
        tpu.wait_indirect_dma semaphore(%run_scoped3A_207 : memref<!tpu.dma_semaphore, #tpu.memory_space<semaphore_mem>>) src(%arg13 : memref<48x128xf32, #tpu.memory_space<vmem>>) dst(%dma_wait3A_219 : memref<10112x128xf32, #tpu.memory_space<vmem_shared>>)
        tpu.yield
      }) : () -> ()
      %add3A_199 = arith.constant 3 : i32
      %add3A_200 = arith.addi %add3A_75, %add3A_199 : i32
      %add3A_201 = arith.constant 4 : i32
      %add3A_202 = arith.addi %add3A_200, %add3A_201 : i32
      %lt3A_203 = arith.cmpi slt, %add3A_202, %select_n3A : i32
      %convert_element_type3A_204 = arith.extui %lt3A_203 : i1 to i32
      %cond3A_205 = arith.constant 0 : i32
      %cond3A_206 = arith.cmpi ne, %convert_element_type3A_204, %cond3A_205 : i32
      scf.if %cond3A_206 {
        %add3A_207 = arith.addi %select_n3A_8, %add3A_75 : i32
        %add3A_208 = arith.constant 3 : i32
        %add3A_209 = arith.addi %add3A_207, %add3A_208 : i32
        %add3A_210 = arith.constant 4 : i32
        %add3A_211 = arith.addi %add3A_209, %add3A_210 : i32
        %dma_start3A_212 = arith.constant 0 : i32
        %dma_start3A_213 = arith.constant 0 : i32
        %dma_start3A_214 = tpu.memref_slice %arg3[%dma_start3A_212, %add3A_211, %dma_start3A_213] : memref<2x6720x48xi32, #tpu.memory_space<hbm>> -> memref<2x1x48xi32, #tpu.memory_space<hbm>>
        %dma_start3A_215 = tpu.memref_squeeze %dma_start3A_214 : memref<2x1x48xi32, #tpu.memory_space<hbm>> -> memref<2x48xi32, #tpu.memory_space<hbm>>
        %dma_start3A_216 = arith.constant 0 : i32
        %dma_start3A_217 = arith.constant 0 : i32
        %dma_start3A_218 = tpu.memref_slice %arg3[%dma_start3A_216, %add3A_211, %dma_start3A_217] : memref<2x6720x48xi32, #tpu.memory_space<hbm>> -> memref<2x1x48xi32, #tpu.memory_space<hbm>>
        %dma_start3A_219 = tpu.memref_squeeze %dma_start3A_218 : memref<2x1x48xi32, #tpu.memory_space<hbm>> -> memref<2x48xi32, #tpu.memory_space<hbm>>
        tpu.enqueue_dma source(%dma_start3A_219 : memref<2x48xi32, #tpu.memory_space<hbm>>) target(%arg9 : memref<2x48xi32, #tpu.memory_space<vmem>>) target_semaphore(%arg21 : memref<!tpu.dma_semaphore, #tpu.memory_space<semaphore_mem>>)
      } else {
      }
    }
    %while3A_67 = arith.constant 1 : i32
    scf.for %while3A_73 = %while3A_65 to %while3A_61 step %while3A_67  : i32 {
      %mul3A_74 = arith.muli %while3A_73, %while3A : i32
      %add3A_75 = arith.addi %while3A_58, %mul3A_74 : i32
      %add3A_76 = arith.addi %select_n3A_8, %add3A_75 : i32
      %add3A_77 = arith.constant 0 : i32
      %add3A_78 = arith.addi %add3A_76, %add3A_77 : i32
      %dma_wait3A = arith.constant 0 : i32
      %dma_wait3A_79 = arith.constant 0 : i32
      %dma_wait3A_80 = tpu.memref_slice %arg3[%dma_wait3A, %add3A_78, %dma_wait3A_79] : memref<2x6720x48xi32, #tpu.memory_space<hbm>> -> memref<2x1x48xi32, #tpu.memory_space<hbm>>
      %dma_wait3A_81 = tpu.memref_squeeze %dma_wait3A_80 : memref<2x1x48xi32, #tpu.memory_space<hbm>> -> memref<2x48xi32, #tpu.memory_space<hbm>>
      %dma_wait3A_82 = arith.constant 0 : i32
      %dma_wait3A_83 = arith.constant 0 : i32
      %dma_wait3A_84 = tpu.memref_slice %arg3[%dma_wait3A_82, %add3A_78, %dma_wait3A_83] : memref<2x6720x48xi32, #tpu.memory_space<hbm>> -> memref<2x1x48xi32, #tpu.memory_space<hbm>>
      %dma_wait3A_85 = tpu.memref_squeeze %dma_wait3A_84 : memref<2x1x48xi32, #tpu.memory_space<hbm>> -> memref<2x48xi32, #tpu.memory_space<hbm>>
      tpu.wait_dma2 semaphore(%arg18 : memref<!tpu.dma_semaphore, #tpu.memory_space<semaphore_mem>>) src(%dma_wait3A_85 : memref<2x48xi32, #tpu.memory_space<hbm>>) dst(%arg6 : memref<2x48xi32, #tpu.memory_space<vmem>>)
      %dma_start3A_86 = arith.constant 0 : i32
      %dma_start3A_87 = arith.constant 0 : i32
      %dma_start3A_88 = tpu.memref_slice %arg6[%dma_start3A_86, %dma_start3A_87] : memref<2x48xi32, #tpu.memory_space<vmem>> -> memref<1x48xi32, #tpu.memory_space<vmem>>
      %dma_start3A_89 = tpu.memref_squeeze %dma_start3A_88 : memref<1x48xi32, #tpu.memory_space<vmem>> -> memref<48xi32, #tpu.memory_space<vmem>>
      %dma_start3A_90 = arith.constant 0 : i32
      %dma_start3A_91 = arith.constant 0 : i32
      %dma_start3A_92 = tpu.memref_slice %arg2[%dma_start3A_90, %dma_start3A_91] : memref<10000x128xf32, #tpu.memory_space<hbm>> -> memref<10000x128xf32, #tpu.memory_space<hbm>>
      tpu.enqueue_indirect_dma source(%dma_start3A_92 : memref<10000x128xf32, #tpu.memory_space<hbm>>) target(%arg10 : memref<48x128xf32, #tpu.memory_space<vmem>>) offsets(%dma_start3A_89 : memref<48xi32, #tpu.memory_space<vmem>>) semaphore(%arg14 : memref<!tpu.dma_semaphore, #tpu.memory_space<semaphore_mem>>)
      %add3A_93 = arith.addi %select_n3A_8, %add3A_75 : i32
      %add3A_94 = arith.constant 1 : i32
      %add3A_95 = arith.addi %add3A_93, %add3A_94 : i32
      %dma_wait3A_96 = arith.constant 0 : i32
      %dma_wait3A_97 = arith.constant 0 : i32
      %dma_wait3A_98 = tpu.memref_slice %arg3[%dma_wait3A_96, %add3A_95, %dma_wait3A_97] : memref<2x6720x48xi32, #tpu.memory_space<hbm>> -> memref<2x1x48xi32, #tpu.memory_space<hbm>>
      %dma_wait3A_99 = tpu.memref_squeeze %dma_wait3A_98 : memref<2x1x48xi32, #tpu.memory_space<hbm>> -> memref<2x48xi32, #tpu.memory_space<hbm>>
      %dma_wait3A_100 = arith.constant 0 : i32
      %dma_wait3A_101 = arith.constant 0 : i32
      %dma_wait3A_102 = tpu.memref_slice %arg3[%dma_wait3A_100, %add3A_95, %dma_wait3A_101] : memref<2x6720x48xi32, #tpu.memory_space<hbm>> -> memref<2x1x48xi32, #tpu.memory_space<hbm>>
      %dma_wait3A_103 = tpu.memref_squeeze %dma_wait3A_102 : memref<2x1x48xi32, #tpu.memory_space<hbm>> -> memref<2x48xi32, #tpu.memory_space<hbm>>
      tpu.wait_dma2 semaphore(%arg19 : memref<!tpu.dma_semaphore, #tpu.memory_space<semaphore_mem>>) src(%dma_wait3A_103 : memref<2x48xi32, #tpu.memory_space<hbm>>) dst(%arg7 : memref<2x48xi32, #tpu.memory_space<vmem>>)
      %dma_start3A_104 = arith.constant 0 : i32
      %dma_start3A_105 = arith.constant 0 : i32
      %dma_start3A_106 = tpu.memref_slice %arg7[%dma_start3A_104, %dma_start3A_105] : memref<2x48xi32, #tpu.memory_space<vmem>> -> memref<1x48xi32, #tpu.memory_space<vmem>>
      %dma_start3A_107 = tpu.memref_squeeze %dma_start3A_106 : memref<1x48xi32, #tpu.memory_space<vmem>> -> memref<48xi32, #tpu.memory_space<vmem>>
      %dma_start3A_108 = arith.constant 0 : i32
      %dma_start3A_109 = arith.constant 0 : i32
      %dma_start3A_110 = tpu.memref_slice %arg2[%dma_start3A_108, %dma_start3A_109] : memref<10000x128xf32, #tpu.memory_space<hbm>> -> memref<10000x128xf32, #tpu.memory_space<hbm>>
      tpu.enqueue_indirect_dma source(%dma_start3A_110 : memref<10000x128xf32, #tpu.memory_space<hbm>>) target(%arg11 : memref<48x128xf32, #tpu.memory_space<vmem>>) offsets(%dma_start3A_107 : memref<48xi32, #tpu.memory_space<vmem>>) semaphore(%arg15 : memref<!tpu.dma_semaphore, #tpu.memory_space<semaphore_mem>>)
      %add3A_111 = arith.addi %select_n3A_8, %add3A_75 : i32
      %add3A_112 = arith.constant 2 : i32
      %add3A_113 = arith.addi %add3A_111, %add3A_112 : i32
      %dma_wait3A_114 = arith.constant 0 : i32
      %dma_wait3A_115 = arith.constant 0 : i32
      %dma_wait3A_116 = tpu.memref_slice %arg3[%dma_wait3A_114, %add3A_113, %dma_wait3A_115] : memref<2x6720x48xi32, #tpu.memory_space<hbm>> -> memref<2x1x48xi32, #tpu.memory_space<hbm>>
      %dma_wait3A_117 = tpu.memref_squeeze %dma_wait3A_116 : memref<2x1x48xi32, #tpu.memory_space<hbm>> -> memref<2x48xi32, #tpu.memory_space<hbm>>
      %dma_wait3A_118 = arith.constant 0 : i32
      %dma_wait3A_119 = arith.constant 0 : i32
      %dma_wait3A_120 = tpu.memref_slice %arg3[%dma_wait3A_118, %add3A_113, %dma_wait3A_119] : memref<2x6720x48xi32, #tpu.memory_space<hbm>> -> memref<2x1x48xi32, #tpu.memory_space<hbm>>
      %dma_wait3A_121 = tpu.memref_squeeze %dma_wait3A_120 : memref<2x1x48xi32, #tpu.memory_space<hbm>> -> memref<2x48xi32, #tpu.memory_space<hbm>>
      tpu.wait_dma2 semaphore(%arg20 : memref<!tpu.dma_semaphore, #tpu.memory_space<semaphore_mem>>) src(%dma_wait3A_121 : memref<2x48xi32, #tpu.memory_space<hbm>>) dst(%arg8 : memref<2x48xi32, #tpu.memory_space<vmem>>)
      %dma_start3A_122 = arith.constant 0 : i32
      %dma_start3A_123 = arith.constant 0 : i32
      %dma_start3A_124 = tpu.memref_slice %arg8[%dma_start3A_122, %dma_start3A_123] : memref<2x48xi32, #tpu.memory_space<vmem>> -> memref<1x48xi32, #tpu.memory_space<vmem>>
      %dma_start3A_125 = tpu.memref_squeeze %dma_start3A_124 : memref<1x48xi32, #tpu.memory_space<vmem>> -> memref<48xi32, #tpu.memory_space<vmem>>
      %dma_start3A_126 = arith.constant 0 : i32
      %dma_start3A_127 = arith.constant 0 : i32
      %dma_start3A_128 = tpu.memref_slice %arg2[%dma_start3A_126, %dma_start3A_127] : memref<10000x128xf32, #tpu.memory_space<hbm>> -> memref<10000x128xf32, #tpu.memory_space<hbm>>
      tpu.enqueue_indirect_dma source(%dma_start3A_128 : memref<10000x128xf32, #tpu.memory_space<hbm>>) target(%arg12 : memref<48x128xf32, #tpu.memory_space<vmem>>) offsets(%dma_start3A_125 : memref<48xi32, #tpu.memory_space<vmem>>) semaphore(%arg16 : memref<!tpu.dma_semaphore, #tpu.memory_space<semaphore_mem>>)
      %add3A_129 = arith.addi %select_n3A_8, %add3A_75 : i32
      %add3A_130 = arith.constant 3 : i32
      %add3A_131 = arith.addi %add3A_129, %add3A_130 : i32
      %dma_wait3A_132 = arith.constant 0 : i32
      %dma_wait3A_133 = arith.constant 0 : i32
      %dma_wait3A_134 = tpu.memref_slice %arg3[%dma_wait3A_132, %add3A_131, %dma_wait3A_133] : memref<2x6720x48xi32, #tpu.memory_space<hbm>> -> memref<2x1x48xi32, #tpu.memory_space<hbm>>
      %dma_wait3A_135 = tpu.memref_squeeze %dma_wait3A_134 : memref<2x1x48xi32, #tpu.memory_space<hbm>> -> memref<2x48xi32, #tpu.memory_space<hbm>>
      %dma_wait3A_136 = arith.constant 0 : i32
      %dma_wait3A_137 = arith.constant 0 : i32
      %dma_wait3A_138 = tpu.memref_slice %arg3[%dma_wait3A_136, %add3A_131, %dma_wait3A_137] : memref<2x6720x48xi32, #tpu.memory_space<hbm>> -> memref<2x1x48xi32, #tpu.memory_space<hbm>>
      %dma_wait3A_139 = tpu.memref_squeeze %dma_wait3A_138 : memref<2x1x48xi32, #tpu.memory_space<hbm>> -> memref<2x48xi32, #tpu.memory_space<hbm>>
      tpu.wait_dma2 semaphore(%arg21 : memref<!tpu.dma_semaphore, #tpu.memory_space<semaphore_mem>>) src(%dma_wait3A_139 : memref<2x48xi32, #tpu.memory_space<hbm>>) dst(%arg9 : memref<2x48xi32, #tpu.memory_space<vmem>>)
      %dma_start3A_140 = arith.constant 0 : i32
      %dma_start3A_141 = arith.constant 0 : i32
      %dma_start3A_142 = tpu.memref_slice %arg9[%dma_start3A_140, %dma_start3A_141] : memref<2x48xi32, #tpu.memory_space<vmem>> -> memref<1x48xi32, #tpu.memory_space<vmem>>
      %dma_start3A_143 = tpu.memref_squeeze %dma_start3A_142 : memref<1x48xi32, #tpu.memory_space<vmem>> -> memref<48xi32, #tpu.memory_space<vmem>>
      %dma_start3A_144 = arith.constant 0 : i32
      %dma_start3A_145 = arith.constant 0 : i32
      %dma_start3A_146 = tpu.memref_slice %arg2[%dma_start3A_144, %dma_start3A_145] : memref<10000x128xf32, #tpu.memory_space<hbm>> -> memref<10000x128xf32, #tpu.memory_space<hbm>>
      tpu.enqueue_indirect_dma source(%dma_start3A_146 : memref<10000x128xf32, #tpu.memory_space<hbm>>) target(%arg13 : memref<48x128xf32, #tpu.memory_space<vmem>>) offsets(%dma_start3A_143 : memref<48xi32, #tpu.memory_space<vmem>>) semaphore(%arg17 : memref<!tpu.dma_semaphore, #tpu.memory_space<semaphore_mem>>)
      %dma_wait3A_147 = arith.constant 0 : i32
      %dma_wait3A_148 = arith.constant 0 : i32
      %dma_wait3A_149 = tpu.memref_slice %arg6[%dma_wait3A_147, %dma_wait3A_148] : memref<2x48xi32, #tpu.memory_space<vmem>> -> memref<1x48xi32, #tpu.memory_space<vmem>>
      %dma_wait3A_150 = tpu.memref_squeeze %dma_wait3A_149 : memref<1x48xi32, #tpu.memory_space<vmem>> -> memref<48xi32, #tpu.memory_space<vmem>>
      %dma_wait3A_151 = arith.constant 0 : i32
      %dma_wait3A_152 = arith.constant 0 : i32
      %dma_wait3A_153 = tpu.memref_slice %arg2[%dma_wait3A_151, %dma_wait3A_152] : memref<10000x128xf32, #tpu.memory_space<hbm>> -> memref<10000x128xf32, #tpu.memory_space<hbm>>
      tpu.wait_indirect_dma semaphore(%arg14 : memref<!tpu.dma_semaphore, #tpu.memory_space<semaphore_mem>>) src(%dma_wait3A_153 : memref<10000x128xf32, #tpu.memory_space<hbm>>) dst(%arg10 : memref<48x128xf32, #tpu.memory_space<vmem>>)
      %run_scoped3A = arith.constant 1 : i32
      "tpu.region"() ({
        %run_scoped3A_207 = tpu.sem_alloc : memref<!tpu.dma_semaphore, #tpu.memory_space<semaphore_mem>>
        %dma_start3A_208 = arith.constant 0 : i32
        %dma_start3A_209 = tpu.memref_slice %arg6[%run_scoped3A, %dma_start3A_208] : memref<2x48xi32, #tpu.memory_space<vmem>> -> memref<1x48xi32, #tpu.memory_space<vmem>>
        %dma_start3A_210 = tpu.memref_squeeze %dma_start3A_209 : memref<1x48xi32, #tpu.memory_space<vmem>> -> memref<48xi32, #tpu.memory_space<vmem>>
        %dma_start3A_211 = arith.constant 0 : i32
        %dma_start3A_212 = arith.constant 0 : i32
        %dma_start3A_213 = tpu.memref_slice %arg22[%dma_start3A_211, %dma_start3A_212] : memref<10112x128xf32, #tpu.memory_space<vmem_shared>> -> memref<10112x128xf32, #tpu.memory_space<vmem_shared>>
        tpu.enqueue_indirect_dma source(%arg10 : memref<48x128xf32, #tpu.memory_space<vmem>>) target(%dma_start3A_213 : memref<10112x128xf32, #tpu.memory_space<vmem_shared>>) offsets(%dma_start3A_210 : memref<48xi32, #tpu.memory_space<vmem>>) semaphore(%run_scoped3A_207 : memref<!tpu.dma_semaphore, #tpu.memory_space<semaphore_mem>>) {add = true}
        %dma_wait3A_214 = arith.constant 0 : i32
        %dma_wait3A_215 = tpu.memref_slice %arg6[%run_scoped3A, %dma_wait3A_214] : memref<2x48xi32, #tpu.memory_space<vmem>> -> memref<1x48xi32, #tpu.memory_space<vmem>>
        %dma_wait3A_216 = tpu.memref_squeeze %dma_wait3A_215 : memref<1x48xi32, #tpu.memory_space<vmem>> -> memref<48xi32, #tpu.memory_space<vmem>>
        %dma_wait3A_217 = arith.constant 0 : i32
        %dma_wait3A_218 = arith.constant 0 : i32
        %dma_wait3A_219 = tpu.memref_slice %arg22[%dma_wait3A_217, %dma_wait3A_218] : memref<10112x128xf32, #tpu.memory_space<vmem_shared>> -> memref<10112x128xf32, #tpu.memory_space<vmem_shared>>
        tpu.wait_indirect_dma semaphore(%run_scoped3A_207 : memref<!tpu.dma_semaphore, #tpu.memory_space<semaphore_mem>>) src(%arg10 : memref<48x128xf32, #tpu.memory_space<vmem>>) dst(%dma_wait3A_219 : memref<10112x128xf32, #tpu.memory_space<vmem_shared>>)
        tpu.yield
      }) : () -> ()
      %add3A_154 = arith.constant 0 : i32
      %add3A_155 = arith.addi %add3A_75, %add3A_154 : i32
      %add3A_156 = arith.constant 4 : i32
      %add3A_157 = arith.addi %add3A_155, %add3A_156 : i32
      %lt3A = arith.cmpi slt, %add3A_157, %select_n3A : i32
      %convert_element_type3A = arith.extui %lt3A : i1 to i32
      %cond3A = arith.constant 0 : i32
      %cond3A_158 = arith.cmpi ne, %convert_element_type3A, %cond3A : i32
      scf.if %cond3A_158 {
        %add3A_207 = arith.addi %select_n3A_8, %add3A_75 : i32
        %add3A_208 = arith.constant 0 : i32
        %add3A_209 = arith.addi %add3A_207, %add3A_208 : i32
        %add3A_210 = arith.constant 4 : i32
        %add3A_211 = arith.addi %add3A_209, %add3A_210 : i32
        %dma_start3A_212 = arith.constant 0 : i32
        %dma_start3A_213 = arith.constant 0 : i32
        %dma_start3A_214 = tpu.memref_slice %arg3[%dma_start3A_212, %add3A_211, %dma_start3A_213] : memref<2x6720x48xi32, #tpu.memory_space<hbm>> -> memref<2x1x48xi32, #tpu.memory_space<hbm>>
        %dma_start3A_215 = tpu.memref_squeeze %dma_start3A_214 : memref<2x1x48xi32, #tpu.memory_space<hbm>> -> memref<2x48xi32, #tpu.memory_space<hbm>>
        %dma_start3A_216 = arith.constant 0 : i32
        %dma_start3A_217 = arith.constant 0 : i32
        %dma_start3A_218 = tpu.memref_slice %arg3[%dma_start3A_216, %add3A_211, %dma_start3A_217] : memref<2x6720x48xi32, #tpu.memory_space<hbm>> -> memref<2x1x48xi32, #tpu.memory_space<hbm>>
        %dma_start3A_219 = tpu.memref_squeeze %dma_start3A_218 : memref<2x1x48xi32, #tpu.memory_space<hbm>> -> memref<2x48xi32, #tpu.memory_space<hbm>>
        tpu.enqueue_dma source(%dma_start3A_219 : memref<2x48xi32, #tpu.memory_space<hbm>>) target(%arg6 : memref<2x48xi32, #tpu.memory_space<vmem>>) target_semaphore(%arg18 : memref<!tpu.dma_semaphore, #tpu.memory_space<semaphore_mem>>)
      } else {
      }
      %dma_wait3A_159 = arith.constant 0 : i32
      %dma_wait3A_160 = arith.constant 0 : i32
      %dma_wait3A_161 = tpu.memref_slice %arg7[%dma_wait3A_159, %dma_wait3A_160] : memref<2x48xi32, #tpu.memory_space<vmem>> -> memref<1x48xi32, #tpu.memory_space<vmem>>
      %dma_wait3A_162 = tpu.memref_squeeze %dma_wait3A_161 : memref<1x48xi32, #tpu.memory_space<vmem>> -> memref<48xi32, #tpu.memory_space<vmem>>
      %dma_wait3A_163 = arith.constant 0 : i32
      %dma_wait3A_164 = arith.constant 0 : i32
      %dma_wait3A_165 = tpu.memref_slice %arg2[%dma_wait3A_163, %dma_wait3A_164] : memref<10000x128xf32, #tpu.memory_space<hbm>> -> memref<10000x128xf32, #tpu.memory_space<hbm>>
      tpu.wait_indirect_dma semaphore(%arg15 : memref<!tpu.dma_semaphore, #tpu.memory_space<semaphore_mem>>) src(%dma_wait3A_165 : memref<10000x128xf32, #tpu.memory_space<hbm>>) dst(%arg11 : memref<48x128xf32, #tpu.memory_space<vmem>>)
      %run_scoped3A_166 = arith.constant 1 : i32
      "tpu.region"() ({
        %run_scoped3A_207 = tpu.sem_alloc : memref<!tpu.dma_semaphore, #tpu.memory_space<semaphore_mem>>
        %dma_start3A_208 = arith.constant 0 : i32
        %dma_start3A_209 = tpu.memref_slice %arg7[%run_scoped3A_166, %dma_start3A_208] : memref<2x48xi32, #tpu.memory_space<vmem>> -> memref<1x48xi32, #tpu.memory_space<vmem>>
        %dma_start3A_210 = tpu.memref_squeeze %dma_start3A_209 : memref<1x48xi32, #tpu.memory_space<vmem>> -> memref<48xi32, #tpu.memory_space<vmem>>
        %dma_start3A_211 = arith.constant 0 : i32
        %dma_start3A_212 = arith.constant 0 : i32
        %dma_start3A_213 = tpu.memref_slice %arg22[%dma_start3A_211, %dma_start3A_212] : memref<10112x128xf32, #tpu.memory_space<vmem_shared>> -> memref<10112x128xf32, #tpu.memory_space<vmem_shared>>
        tpu.enqueue_indirect_dma source(%arg11 : memref<48x128xf32, #tpu.memory_space<vmem>>) target(%dma_start3A_213 : memref<10112x128xf32, #tpu.memory_space<vmem_shared>>) offsets(%dma_start3A_210 : memref<48xi32, #tpu.memory_space<vmem>>) semaphore(%run_scoped3A_207 : memref<!tpu.dma_semaphore, #tpu.memory_space<semaphore_mem>>) {add = true}
        %dma_wait3A_214 = arith.constant 0 : i32
        %dma_wait3A_215 = tpu.memref_slice %arg7[%run_scoped3A_166, %dma_wait3A_214] : memref<2x48xi32, #tpu.memory_space<vmem>> -> memref<1x48xi32, #tpu.memory_space<vmem>>
        %dma_wait3A_216 = tpu.memref_squeeze %dma_wait3A_215 : memref<1x48xi32, #tpu.memory_space<vmem>> -> memref<48xi32, #tpu.memory_space<vmem>>
        %dma_wait3A_217 = arith.constant 0 : i32
        %dma_wait3A_218 = arith.constant 0 : i32
        %dma_wait3A_219 = tpu.memref_slice %arg22[%dma_wait3A_217, %dma_wait3A_218] : memref<10112x128xf32, #tpu.memory_space<vmem_shared>> -> memref<10112x128xf32, #tpu.memory_space<vmem_shared>>
        tpu.wait_indirect_dma semaphore(%run_scoped3A_207 : memref<!tpu.dma_semaphore, #tpu.memory_space<semaphore_mem>>) src(%arg11 : memref<48x128xf32, #tpu.memory_space<vmem>>) dst(%dma_wait3A_219 : memref<10112x128xf32, #tpu.memory_space<vmem_shared>>)
        tpu.yield
      }) : () -> ()
      %add3A_167 = arith.constant 1 : i32
      %add3A_168 = arith.addi %add3A_75, %add3A_167 : i32
      %add3A_169 = arith.constant 4 : i32
      %add3A_170 = arith.addi %add3A_168, %add3A_169 : i32
      %lt3A_171 = arith.cmpi slt, %add3A_170, %select_n3A : i32
      %convert_element_type3A_172 = arith.extui %lt3A_171 : i1 to i32
      %cond3A_173 = arith.constant 0 : i32
      %cond3A_174 = arith.cmpi ne, %convert_element_type3A_172, %cond3A_173 : i32
      scf.if %cond3A_174 {
        %add3A_207 = arith.addi %select_n3A_8, %add3A_75 : i32
        %add3A_208 = arith.constant 1 : i32
        %add3A_209 = arith.addi %add3A_207, %add3A_208 : i32
        %add3A_210 = arith.constant 4 : i32
        %add3A_211 = arith.addi %add3A_209, %add3A_210 : i32
        %dma_start3A_212 = arith.constant 0 : i32
        %dma_start3A_213 = arith.constant 0 : i32
        %dma_start3A_214 = tpu.memref_slice %arg3[%dma_start3A_212, %add3A_211, %dma_start3A_213] : memref<2x6720x48xi32, #tpu.memory_space<hbm>> -> memref<2x1x48xi32, #tpu.memory_space<hbm>>
        %dma_start3A_215 = tpu.memref_squeeze %dma_start3A_214 : memref<2x1x48xi32, #tpu.memory_space<hbm>> -> memref<2x48xi32, #tpu.memory_space<hbm>>
        %dma_start3A_216 = arith.constant 0 : i32
        %dma_start3A_217 = arith.constant 0 : i32
        %dma_start3A_218 = tpu.memref_slice %arg3[%dma_start3A_216, %add3A_211, %dma_start3A_217] : memref<2x6720x48xi32, #tpu.memory_space<hbm>> -> memref<2x1x48xi32, #tpu.memory_space<hbm>>
        %dma_start3A_219 = tpu.memref_squeeze %dma_start3A_218 : memref<2x1x48xi32, #tpu.memory_space<hbm>> -> memref<2x48xi32, #tpu.memory_space<hbm>>
        tpu.enqueue_dma source(%dma_start3A_219 : memref<2x48xi32, #tpu.memory_space<hbm>>) target(%arg7 : memref<2x48xi32, #tpu.memory_space<vmem>>) target_semaphore(%arg19 : memref<!tpu.dma_semaphore, #tpu.memory_space<semaphore_mem>>)
      } else {
      }
      %dma_wait3A_175 = arith.constant 0 : i32
      %dma_wait3A_176 = arith.constant 0 : i32
      %dma_wait3A_177 = tpu.memref_slice %arg8[%dma_wait3A_175, %dma_wait3A_176] : memref<2x48xi32, #tpu.memory_space<vmem>> -> memref<1x48xi32, #tpu.memory_space<vmem>>
      %dma_wait3A_178 = tpu.memref_squeeze %dma_wait3A_177 : memref<1x48xi32, #tpu.memory_space<vmem>> -> memref<48xi32, #tpu.memory_space<vmem>>
      %dma_wait3A_179 = arith.constant 0 : i32
      %dma_wait3A_180 = arith.constant 0 : i32
      %dma_wait3A_181 = tpu.memref_slice %arg2[%dma_wait3A_179, %dma_wait3A_180] : memref<10000x128xf32, #tpu.memory_space<hbm>> -> memref<10000x128xf32, #tpu.memory_space<hbm>>
      tpu.wait_indirect_dma semaphore(%arg16 : memref<!tpu.dma_semaphore, #tpu.memory_space<semaphore_mem>>) src(%dma_wait3A_181 : memref<10000x128xf32, #tpu.memory_space<hbm>>) dst(%arg12 : memref<48x128xf32, #tpu.memory_space<vmem>>)
      %run_scoped3A_182 = arith.constant 1 : i32
      "tpu.region"() ({
        %run_scoped3A_207 = tpu.sem_alloc : memref<!tpu.dma_semaphore, #tpu.memory_space<semaphore_mem>>
        %dma_start3A_208 = arith.constant 0 : i32
        %dma_start3A_209 = tpu.memref_slice %arg8[%run_scoped3A_182, %dma_start3A_208] : memref<2x48xi32, #tpu.memory_space<vmem>> -> memref<1x48xi32, #tpu.memory_space<vmem>>
        %dma_start3A_210 = tpu.memref_squeeze %dma_start3A_209 : memref<1x48xi32, #tpu.memory_space<vmem>> -> memref<48xi32, #tpu.memory_space<vmem>>
        %dma_start3A_211 = arith.constant 0 : i32
        %dma_start3A_212 = arith.constant 0 : i32
        %dma_start3A_213 = tpu.memref_slice %arg22[%dma_start3A_211, %dma_start3A_212] : memref<10112x128xf32, #tpu.memory_space<vmem_shared>> -> memref<10112x128xf32, #tpu.memory_space<vmem_shared>>
        tpu.enqueue_indirect_dma source(%arg12 : memref<48x128xf32, #tpu.memory_space<vmem>>) target(%dma_start3A_213 : memref<10112x128xf32, #tpu.memory_space<vmem_shared>>) offsets(%dma_start3A_210 : memref<48xi32, #tpu.memory_space<vmem>>) semaphore(%run_scoped3A_207 : memref<!tpu.dma_semaphore, #tpu.memory_space<semaphore_mem>>) {add = true}
        %dma_wait3A_214 = arith.constant 0 : i32
        %dma_wait3A_215 = tpu.memref_slice %arg8[%run_scoped3A_182, %dma_wait3A_214] : memref<2x48xi32, #tpu.memory_space<vmem>> -> memref<1x48xi32, #tpu.memory_space<vmem>>
        %dma_wait3A_216 = tpu.memref_squeeze %dma_wait3A_215 : memref<1x48xi32, #tpu.memory_space<vmem>> -> memref<48xi32, #tpu.memory_space<vmem>>
        %dma_wait3A_217 = arith.constant 0 : i32
        %dma_wait3A_218 = arith.constant 0 : i32
        %dma_wait3A_219 = tpu.memref_slice %arg22[%dma_wait3A_217, %dma_wait3A_218] : memref<10112x128xf32, #tpu.memory_space<vmem_shared>> -> memref<10112x128xf32, #tpu.memory_space<vmem_shared>>
        tpu.wait_indirect_dma semaphore(%run_scoped3A_207 : memref<!tpu.dma_semaphore, #tpu.memory_space<semaphore_mem>>) src(%arg12 : memref<48x128xf32, #tpu.memory_space<vmem>>) dst(%dma_wait3A_219 : memref<10112x128xf32, #tpu.memory_space<vmem_shared>>)
        tpu.yield
      }) : () -> ()
      %add3A_183 = arith.constant 2 : i32
      %add3A_184 = arith.addi %add3A_75, %add3A_183 : i32
      %add3A_185 = arith.constant 4 : i32
      %add3A_186 = arith.addi %add3A_184, %add3A_185 : i32
      %lt3A_187 = arith.cmpi slt, %add3A_186, %select_n3A : i32
      %convert_element_type3A_188 = arith.extui %lt3A_187 : i1 to i32
      %cond3A_189 = arith.constant 0 : i32
      %cond3A_190 = arith.cmpi ne, %convert_element_type3A_188, %cond3A_189 : i32
      scf.if %cond3A_190 {
        %add3A_207 = arith.addi %select_n3A_8, %add3A_75 : i32
        %add3A_208 = arith.constant 2 : i32
        %add3A_209 = arith.addi %add3A_207, %add3A_208 : i32
        %add3A_210 = arith.constant 4 : i32
        %add3A_211 = arith.addi %add3A_209, %add3A_210 : i32
        %dma_start3A_212 = arith.constant 0 : i32
        %dma_start3A_213 = arith.constant 0 : i32
        %dma_start3A_214 = tpu.memref_slice %arg3[%dma_start3A_212, %add3A_211, %dma_start3A_213] : memref<2x6720x48xi32, #tpu.memory_space<hbm>> -> memref<2x1x48xi32, #tpu.memory_space<hbm>>
        %dma_start3A_215 = tpu.memref_squeeze %dma_start3A_214 : memref<2x1x48xi32, #tpu.memory_space<hbm>> -> memref<2x48xi32, #tpu.memory_space<hbm>>
        %dma_start3A_216 = arith.constant 0 : i32
        %dma_start3A_217 = arith.constant 0 : i32
        %dma_start3A_218 = tpu.memref_slice %arg3[%dma_start3A_216, %add3A_211, %dma_start3A_217] : memref<2x6720x48xi32, #tpu.memory_space<hbm>> -> memref<2x1x48xi32, #tpu.memory_space<hbm>>
        %dma_start3A_219 = tpu.memref_squeeze %dma_start3A_218 : memref<2x1x48xi32, #tpu.memory_space<hbm>> -> memref<2x48xi32, #tpu.memory_space<hbm>>
        tpu.enqueue_dma source(%dma_start3A_219 : memref<2x48xi32, #tpu.memory_space<hbm>>) target(%arg8 : memref<2x48xi32, #tpu.memory_space<vmem>>) target_semaphore(%arg20 : memref<!tpu.dma_semaphore, #tpu.memory_space<semaphore_mem>>)
      } else {
      }
      %dma_wait3A_191 = arith.constant 0 : i32
      %dma_wait3A_192 = arith.constant 0 : i32
      %dma_wait3A_193 = tpu.memref_slice %arg9[%dma_wait3A_191, %dma_wait3A_192] : memref<2x48xi32, #tpu.memory_space<vmem>> -> memref<1x48xi32, #tpu.memory_space<vmem>>
      %dma_wait3A_194 = tpu.memref_squeeze %dma_wait3A_193 : memref<1x48xi32, #tpu.memory_space<vmem>> -> memref<48xi32, #tpu.memory_space<vmem>>
      %dma_wait3A_195 = arith.constant 0 : i32
      %dma_wait3A_196 = arith.constant 0 : i32
      %dma_wait3A_197 = tpu.memref_slice %arg2[%dma_wait3A_195, %dma_wait3A_196] : memref<10000x128xf32, #tpu.memory_space<hbm>> -> memref<10000x128xf32, #tpu.memory_space<hbm>>
      tpu.wait_indirect_dma semaphore(%arg17 : memref<!tpu.dma_semaphore, #tpu.memory_space<semaphore_mem>>) src(%dma_wait3A_197 : memref<10000x128xf32, #tpu.memory_space<hbm>>) dst(%arg13 : memref<48x128xf32, #tpu.memory_space<vmem>>)
      %run_scoped3A_198 = arith.constant 1 : i32
      "tpu.region"() ({
        %run_scoped3A_207 = tpu.sem_alloc : memref<!tpu.dma_semaphore, #tpu.memory_space<semaphore_mem>>
        %dma_start3A_208 = arith.constant 0 : i32
        %dma_start3A_209 = tpu.memref_slice %arg9[%run_scoped3A_198, %dma_start3A_208] : memref<2x48xi32, #tpu.memory_space<vmem>> -> memref<1x48xi32, #tpu.memory_space<vmem>>
        %dma_start3A_210 = tpu.memref_squeeze %dma_start3A_209 : memref<1x48xi32, #tpu.memory_space<vmem>> -> memref<48xi32, #tpu.memory_space<vmem>>
        %dma_start3A_211 = arith.constant 0 : i32
        %dma_start3A_212 = arith.constant 0 : i32
        %dma_start3A_213 = tpu.memref_slice %arg22[%dma_start3A_211, %dma_start3A_212] : memref<10112x128xf32, #tpu.memory_space<vmem_shared>> -> memref<10112x128xf32, #tpu.memory_space<vmem_shared>>
        tpu.enqueue_indirect_dma source(%arg13 : memref<48x128xf32, #tpu.memory_space<vmem>>) target(%dma_start3A_213 : memref<10112x128xf32, #tpu.memory_space<vmem_shared>>) offsets(%dma_start3A_210 : memref<48xi32, #tpu.memory_space<vmem>>) semaphore(%run_scoped3A_207 : memref<!tpu.dma_semaphore, #tpu.memory_space<semaphore_mem>>) {add = true}
        %dma_wait3A_214 = arith.constant 0 : i32
        %dma_wait3A_215 = tpu.memref_slice %arg9[%run_scoped3A_198, %dma_wait3A_214] : memref<2x48xi32, #tpu.memory_space<vmem>> -> memref<1x48xi32, #tpu.memory_space<vmem>>
        %dma_wait3A_216 = tpu.memref_squeeze %dma_wait3A_215 : memref<1x48xi32, #tpu.memory_space<vmem>> -> memref<48xi32, #tpu.memory_space<vmem>>
        %dma_wait3A_217 = arith.constant 0 : i32
        %dma_wait3A_218 = arith.constant 0 : i32
        %dma_wait3A_219 = tpu.memref_slice %arg22[%dma_wait3A_217, %dma_wait3A_218] : memref<10112x128xf32, #tpu.memory_space<vmem_shared>> -> memref<10112x128xf32, #tpu.memory_space<vmem_shared>>
        tpu.wait_indirect_dma semaphore(%run_scoped3A_207 : memref<!tpu.dma_semaphore, #tpu.memory_space<semaphore_mem>>) src(%arg13 : memref<48x128xf32, #tpu.memory_space<vmem>>) dst(%dma_wait3A_219 : memref<10112x128xf32, #tpu.memory_space<vmem_shared>>)
        tpu.yield
      }) : () -> ()
      %add3A_199 = arith.constant 3 : i32
      %add3A_200 = arith.addi %add3A_75, %add3A_199 : i32
      %add3A_201 = arith.constant 4 : i32
      %add3A_202 = arith.addi %add3A_200, %add3A_201 : i32
      %lt3A_203 = arith.cmpi slt, %add3A_202, %select_n3A : i32
      %convert_element_type3A_204 = arith.extui %lt3A_203 : i1 to i32
      %cond3A_205 = arith.constant 0 : i32
      %cond3A_206 = arith.cmpi ne, %convert_element_type3A_204, %cond3A_205 : i32
      scf.if %cond3A_206 {
        %add3A_207 = arith.addi %select_n3A_8, %add3A_75 : i32
        %add3A_208 = arith.constant 3 : i32
        %add3A_209 = arith.addi %add3A_207, %add3A_208 : i32
        %add3A_210 = arith.constant 4 : i32
        %add3A_211 = arith.addi %add3A_209, %add3A_210 : i32
        %dma_start3A_212 = arith.constant 0 : i32
        %dma_start3A_213 = arith.constant 0 : i32
        %dma_start3A_214 = tpu.memref_slice %arg3[%dma_start3A_212, %add3A_211, %dma_start3A_213] : memref<2x6720x48xi32, #tpu.memory_space<hbm>> -> memref<2x1x48xi32, #tpu.memory_space<hbm>>
        %dma_start3A_215 = tpu.memref_squeeze %dma_start3A_214 : memref<2x1x48xi32, #tpu.memory_space<hbm>> -> memref<2x48xi32, #tpu.memory_space<hbm>>
        %dma_start3A_216 = arith.constant 0 : i32
        %dma_start3A_217 = arith.constant 0 : i32
        %dma_start3A_218 = tpu.memref_slice %arg3[%dma_start3A_216, %add3A_211, %dma_start3A_217] : memref<2x6720x48xi32, #tpu.memory_space<hbm>> -> memref<2x1x48xi32, #tpu.memory_space<hbm>>
        %dma_start3A_219 = tpu.memref_squeeze %dma_start3A_218 : memref<2x1x48xi32, #tpu.memory_space<hbm>> -> memref<2x48xi32, #tpu.memory_space<hbm>>
        tpu.enqueue_dma source(%dma_start3A_219 : memref<2x48xi32, #tpu.memory_space<hbm>>) target(%arg9 : memref<2x48xi32, #tpu.memory_space<vmem>>) target_semaphore(%arg21 : memref<!tpu.dma_semaphore, #tpu.memory_space<semaphore_mem>>)
      } else {
      }
    }
    %barrier3A_68 = arith.constant 0 : index
    tpu.barrier barrier_id(%barrier3A_68)
    %mul3A_69 = arith.constant 632 : i32
    %mul3A_70 = arith.muli %arg1, %mul3A_69 : i32
    %mul3A_71 = arith.constant 632 : i32
    %mul3A_72 = arith.muli %arg1, %mul3A_71 : i32
    "tpu.region"() ({
      %run_scoped3A = tpu.sem_alloc : memref<!tpu.dma_semaphore, #tpu.memory_space<semaphore_mem>>
      %dma_start3A_73 = arith.constant 0 : i32
      %dma_start3A_74 = tpu.memref_slice %arg5[%arg0, %mul3A_72, %dma_start3A_73] : memref<2x10112x128xf32, #tpu.memory_space<hbm>> -> memref<1x632x128xf32, #tpu.memory_space<hbm>>
      %dma_start3A_75 = tpu.memref_squeeze %dma_start3A_74 : memref<1x632x128xf32, #tpu.memory_space<hbm>> -> memref<632x128xf32, #tpu.memory_space<hbm>>
      %dma_start3A_76 = arith.constant 0 : i32
      %dma_start3A_77 = tpu.memref_slice %arg22[%mul3A_70, %dma_start3A_76] : memref<10112x128xf32, #tpu.memory_space<vmem_shared>> -> memref<632x128xf32, #tpu.memory_space<vmem_shared>>
      tpu.enqueue_dma source(%dma_start3A_77 : memref<632x128xf32, #tpu.memory_space<vmem_shared>>) target(%dma_start3A_75 : memref<632x128xf32, #tpu.memory_space<hbm>>) target_semaphore(%run_scoped3A : memref<!tpu.dma_semaphore, #tpu.memory_space<semaphore_mem>>)
      %dma_wait3A = arith.constant 0 : i32
      %dma_wait3A_78 = tpu.memref_slice %arg5[%arg0, %mul3A_72, %dma_wait3A] : memref<2x10112x128xf32, #tpu.memory_space<hbm>> -> memref<1x632x128xf32, #tpu.memory_space<hbm>>
      %dma_wait3A_79 = tpu.memref_squeeze %dma_wait3A_78 : memref<1x632x128xf32, #tpu.memory_space<hbm>> -> memref<632x128xf32, #tpu.memory_space<hbm>>
      %dma_wait3A_80 = arith.constant 0 : i32
      %dma_wait3A_81 = tpu.memref_slice %arg22[%mul3A_70, %dma_wait3A_80] : memref<10112x128xf32, #tpu.memory_space<vmem_shared>> -> memref<632x128xf32, #tpu.memory_space<vmem_shared>>
      tpu.wait_dma2 semaphore(%run_scoped3A : memref<!tpu.dma_semaphore, #tpu.memory_space<semaphore_mem>>) src(%dma_wait3A_81 : memref<632x128xf32, #tpu.memory_space<vmem_shared>>) dst(%dma_wait3A_79 : memref<632x128xf32, #tpu.memory_space<hbm>>)
      tpu.yield
    }) : () -> ()
    return
  }
}

#map = affine_map<(d0, d1) -> (0, 0)>
#map1 = affine_map<(d0, d1) -> (0, 0, 0)>
module attributes {stable_mosaic.version = 14 : i64} {
  func.func @_agg_sc_body(%arg0: i32, %arg1: i32, %arg2: memref<10000x128xf32, #tpu.memory_space<hbm>>, %arg3: memref<2x6720x48xi32, #tpu.memory_space<hbm>>, %arg4: memref<10112x128xf32, #tpu.memory_space<hbm>>, %arg5: memref<2x10112x128xf32, #tpu.memory_space<hbm>>, %arg6: memref<2x48xi32, #tpu.memory_space<vmem>>, %arg7: memref<2x48xi32, #tpu.memory_space<vmem>>, %arg8: memref<2x48xi32, #tpu.memory_space<vmem>>, %arg9: memref<2x48xi32, #tpu.memory_space<vmem>>, %arg10: memref<48x128xf32, #tpu.memory_space<vmem>>, %arg11: memref<48x128xf32, #tpu.memory_space<vmem>>, %arg12: memref<48x128xf32, #tpu.memory_space<vmem>>, %arg13: memref<48x128xf32, #tpu.memory_space<vmem>>, %arg14: memref<!tpu.dma_semaphore, #tpu.memory_space<semaphore_mem>>, %arg15: memref<!tpu.dma_semaphore, #tpu.memory_space<semaphore_mem>>, %arg16: memref<!tpu.dma_semaphore, #tpu.memory_space<semaphore_mem>>, %arg17: memref<!tpu.dma_semaphore, #tpu.memory_space<semaphore_mem>>, %arg18: memref<!tpu.dma_semaphore, #tpu.memory_space<semaphore_mem>>, %arg19: memref<!tpu.dma_semaphore, #tpu.memory_space<semaphore_mem>>, %arg20: memref<!tpu.dma_semaphore, #tpu.memory_space<semaphore_mem>>, %arg21: memref<!tpu.dma_semaphore, #tpu.memory_space<semaphore_mem>>, %arg22: memref<10112x128xf32, #tpu.memory_space<vmem_shared>>) attributes {dimension_semantics = [#tpu.dimension_semantics<core_parallel>, #tpu.dimension_semantics<subcore_parallel>], iteration_bounds = array<i64: 2, 16>, scalar_prefetch = 0 : i64, scratch_operands = 17 : i64, tpu.core_type = #tpu.core_type<sc_vector_subcore>, window_params = [{transform_indices = #map}, {transform_indices = #map1}, {transform_indices = #map}, {transform_indices = #map1}]} {
    %eq3A = arith.constant 0 : i32
    %eq3A_0 = arith.cmpi eq, %arg0, %eq3A : i32
    %jit3A = arith.constant 300 : i32
    %jit3A_1 = arith.constant 120 : i32
    %select_n3A = arith.select %eq3A_0, %jit3A, %jit3A_1 : i32
    %eq3A_2 = arith.constant 0 : i32
    %eq3A_3 = arith.cmpi eq, %arg0, %eq3A_2 : i32
    %mul3A = arith.constant 300 : i32
    %mul3A_4 = arith.muli %arg1, %mul3A : i32
    %mul3A_5 = arith.constant 120 : i32
    %mul3A_6 = arith.muli %arg1, %mul3A_5 : i32
    %add3A = arith.constant 4800 : i32
    %add3A_7 = arith.addi %add3A, %mul3A_6 : i32
    %select_n3A_8 = arith.select %eq3A_3, %mul3A_4, %add3A_7 : i32
    %add3A_9 = arith.constant 0 : i32
    %add3A_10 = arith.addi %select_n3A_8, %add3A_9 : i32
    %dma_start3A = arith.constant 0 : i32
    %dma_start3A_11 = arith.constant 0 : i32
    %dma_start3A_12 = tpu.memref_slice %arg3[%dma_start3A, %add3A_10, %dma_start3A_11] : memref<2x6720x48xi32, #tpu.memory_space<hbm>> -> memref<2x1x48xi32, #tpu.memory_space<hbm>>
    %dma_start3A_13 = tpu.memref_squeeze %dma_start3A_12 : memref<2x1x48xi32, #tpu.memory_space<hbm>> -> memref<2x48xi32, #tpu.memory_space<hbm>>
    %dma_start3A_14 = arith.constant 0 : i32
    %dma_start3A_15 = arith.constant 0 : i32
    %dma_start3A_16 = tpu.memref_slice %arg3[%dma_start3A_14, %add3A_10, %dma_start3A_15] : memref<2x6720x48xi32, #tpu.memory_space<hbm>> -> memref<2x1x48xi32, #tpu.memory_space<hbm>>
    %dma_start3A_17 = tpu.memref_squeeze %dma_start3A_16 : memref<2x1x48xi32, #tpu.memory_space<hbm>> -> memref<2x48xi32, #tpu.memory_space<hbm>>
    tpu.enqueue_dma source(%dma_start3A_17 : memref<2x48xi32, #tpu.memory_space<hbm>>) target(%arg6 : memref<2x48xi32, #tpu.memory_space<vmem>>) target_semaphore(%arg18 : memref<!tpu.dma_semaphore, #tpu.memory_space<semaphore_mem>>)
    %add3A_18 = arith.constant 1 : i32
    %add3A_19 = arith.addi %select_n3A_8, %add3A_18 : i32
    %dma_start3A_20 = arith.constant 0 : i32
    %dma_start3A_21 = arith.constant 0 : i32
    %dma_start3A_22 = tpu.memref_slice %arg3[%dma_start3A_20, %add3A_19, %dma_start3A_21] : memref<2x6720x48xi32, #tpu.memory_space<hbm>> -> memref<2x1x48xi32, #tpu.memory_space<hbm>>
    %dma_start3A_23 = tpu.memref_squeeze %dma_start3A_22 : memref<2x1x48xi32, #tpu.memory_space<hbm>> -> memref<2x48xi32, #tpu.memory_space<hbm>>
    %dma_start3A_24 = arith.constant 0 : i32
    %dma_start3A_25 = arith.constant 0 : i32
    %dma_start3A_26 = tpu.memref_slice %arg3[%dma_start3A_24, %add3A_19, %dma_start3A_25] : memref<2x6720x48xi32, #tpu.memory_space<hbm>> -> memref<2x1x48xi32, #tpu.memory_space<hbm>>
    %dma_start3A_27 = tpu.memref_squeeze %dma_start3A_26 : memref<2x1x48xi32, #tpu.memory_space<hbm>> -> memref<2x48xi32, #tpu.memory_space<hbm>>
    tpu.enqueue_dma source(%dma_start3A_27 : memref<2x48xi32, #tpu.memory_space<hbm>>) target(%arg7 : memref<2x48xi32, #tpu.memory_space<vmem>>) target_semaphore(%arg19 : memref<!tpu.dma_semaphore, #tpu.memory_space<semaphore_mem>>)
    %add3A_28 = arith.constant 2 : i32
    %add3A_29 = arith.addi %select_n3A_8, %add3A_28 : i32
    %dma_start3A_30 = arith.constant 0 : i32
    %dma_start3A_31 = arith.constant 0 : i32
    %dma_start3A_32 = tpu.memref_slice %arg3[%dma_start3A_30, %add3A_29, %dma_start3A_31] : memref<2x6720x48xi32, #tpu.memory_space<hbm>> -> memref<2x1x48xi32, #tpu.memory_space<hbm>>
    %dma_start3A_33 = tpu.memref_squeeze %dma_start3A_32 : memref<2x1x48xi32, #tpu.memory_space<hbm>> -> memref<2x48xi32, #tpu.memory_space<hbm>>
    %dma_start3A_34 = arith.constant 0 : i32
    %dma_start3A_35 = arith.constant 0 : i32
    %dma_start3A_36 = tpu.memref_slice %arg3[%dma_start3A_34, %add3A_29, %dma_start3A_35] : memref<2x6720x48xi32, #tpu.memory_space<hbm>> -> memref<2x1x48xi32, #tpu.memory_space<hbm>>
    %dma_start3A_37 = tpu.memref_squeeze %dma_start3A_36 : memref<2x1x48xi32, #tpu.memory_space<hbm>> -> memref<2x48xi32, #tpu.memory_space<hbm>>
    tpu.enqueue_dma source(%dma_start3A_37 : memref<2x48xi32, #tpu.memory_space<hbm>>) target(%arg8 : memref<2x48xi32, #tpu.memory_space<vmem>>) target_semaphore(%arg20 : memref<!tpu.dma_semaphore, #tpu.memory_space<semaphore_mem>>)
    %add3A_38 = arith.constant 3 : i32
    %add3A_39 = arith.addi %select_n3A_8, %add3A_38 : i32
    %dma_start3A_40 = arith.constant 0 : i32
    %dma_start3A_41 = arith.constant 0 : i32
    %dma_start3A_42 = tpu.memref_slice %arg3[%dma_start3A_40, %add3A_39, %dma_start3A_41] : memref<2x6720x48xi32, #tpu.memory_space<hbm>> -> memref<2x1x48xi32, #tpu.memory_space<hbm>>
    %dma_start3A_43 = tpu.memref_squeeze %dma_start3A_42 : memref<2x1x48xi32, #tpu.memory_space<hbm>> -> memref<2x48xi32, #tpu.memory_space<hbm>>
    %dma_start3A_44 = arith.constant 0 : i32
    %dma_start3A_45 = arith.constant 0 : i32
    %dma_start3A_46 = tpu.memref_slice %arg3[%dma_start3A_44, %add3A_39, %dma_start3A_45] : memref<2x6720x48xi32, #tpu.memory_space<hbm>> -> memref<2x1x48xi32, #tpu.memory_space<hbm>>
    %dma_start3A_47 = tpu.memref_squeeze %dma_start3A_46 : memref<2x1x48xi32, #tpu.memory_space<hbm>> -> memref<2x48xi32, #tpu.memory_space<hbm>>
    tpu.enqueue_dma source(%dma_start3A_47 : memref<2x48xi32, #tpu.memory_space<hbm>>) target(%arg9 : memref<2x48xi32, #tpu.memory_space<vmem>>) target_semaphore(%arg21 : memref<!tpu.dma_semaphore, #tpu.memory_space<semaphore_mem>>)
    %mul3A_48 = arith.constant 632 : i32
    %mul3A_49 = arith.muli %arg1, %mul3A_48 : i32
    %mul3A_50 = arith.constant 632 : i32
    %mul3A_51 = arith.muli %arg1, %mul3A_50 : i32
    "tpu.region"() ({
      %run_scoped3A = tpu.sem_alloc : memref<!tpu.dma_semaphore, #tpu.memory_space<semaphore_mem>>
      %dma_start3A_73 = arith.constant 0 : i32
      %dma_start3A_74 = tpu.memref_slice %arg22[%mul3A_51, %dma_start3A_73] : memref<10112x128xf32, #tpu.memory_space<vmem_shared>> -> memref<632x128xf32, #tpu.memory_space<vmem_shared>>
      %dma_start3A_75 = arith.constant 0 : i32
      %dma_start3A_76 = tpu.memref_slice %arg4[%mul3A_49, %dma_start3A_75] : memref<10112x128xf32, #tpu.memory_space<hbm>> -> memref<632x128xf32, #tpu.memory_space<hbm>>
      tpu.enqueue_dma source(%dma_start3A_76 : memref<632x128xf32, #tpu.memory_space<hbm>>) target(%dma_start3A_74 : memref<632x128xf32, #tpu.memory_space<vmem_shared>>) target_semaphore(%run_scoped3A : memref<!tpu.dma_semaphore, #tpu.memory_space<semaphore_mem>>)
      %dma_wait3A = arith.constant 0 : i32
      %dma_wait3A_77 = tpu.memref_slice %arg22[%mul3A_51, %dma_wait3A] : memref<10112x128xf32, #tpu.memory_space<vmem_shared>> -> memref<632x128xf32, #tpu.memory_space<vmem_shared>>
      %dma_wait3A_78 = arith.constant 0 : i32
      %dma_wait3A_79 = tpu.memref_slice %arg4[%mul3A_49, %dma_wait3A_78] : memref<10112x128xf32, #tpu.memory_space<hbm>> -> memref<632x128xf32, #tpu.memory_space<hbm>>
      tpu.wait_dma2 semaphore(%run_scoped3A : memref<!tpu.dma_semaphore, #tpu.memory_space<semaphore_mem>>) src(%dma_wait3A_79 : memref<632x128xf32, #tpu.memory_space<hbm>>) dst(%dma_wait3A_77 : memref<632x128xf32, #tpu.memory_space<vmem_shared>>)
      tpu.yield
    }) : () -> ()
    %barrier3A = arith.constant 0 : index
    tpu.barrier barrier_id(%barrier3A)
    %sub3A = arith.constant 0 : i32
    %sub3A_52 = arith.subi %select_n3A, %sub3A : i32
    %sub3A_53 = arith.constant 4 : i32
    %sub3A_54 = arith.constant 1 : i32
    %sub3A_55 = arith.subi %sub3A_53, %sub3A_54 : i32
    %add3A_56 = arith.addi %sub3A_52, %sub3A_55 : i32
    %div3A = arith.constant 4 : i32
    %div3A_57 = arith.divsi %add3A_56, %div3A : i32
    %while3A = arith.constant 4 : i32
    %while3A_58 = arith.constant 0 : i32
    %while3A_59 = arith.constant 0 : i32
    %while3A_60 = arith.subi %div3A_57, %while3A_59 : i32
    %while3A_61 = arith.addi %while3A_59, %while3A_60 : i32
    %while3A_62 = arith.constant 1 : i32
    %while3A_63 = arith.divsi %while3A_60, %while3A_62 : i32
    %while3A_64 = arith.muli %while3A_63, %while3A_62 : i32
    %while3A_65 = arith.addi %while3A_59, %while3A_64 : i32
    %while3A_66 = arith.constant 1 : i32
    scf.for %while3A_73 = %while3A_59 to %while3A_65 step %while3A_66  : i32 {
      %mul3A_74 = arith.muli %while3A_73, %while3A : i32
      %add3A_75 = arith.addi %while3A_58, %mul3A_74 : i32
      %add3A_76 = arith.addi %select_n3A_8, %add3A_75 : i32
      %add3A_77 = arith.constant 0 : i32
      %add3A_78 = arith.addi %add3A_76, %add3A_77 : i32
      %dma_wait3A = arith.constant 0 : i32
      %dma_wait3A_79 = arith.constant 0 : i32
      %dma_wait3A_80 = tpu.memref_slice %arg3[%dma_wait3A, %add3A_78, %dma_wait3A_79] : memref<2x6720x48xi32, #tpu.memory_space<hbm>> -> memref<2x1x48xi32, #tpu.memory_space<hbm>>
      %dma_wait3A_81 = tpu.memref_squeeze %dma_wait3A_80 : memref<2x1x48xi32, #tpu.memory_space<hbm>> -> memref<2x48xi32, #tpu.memory_space<hbm>>
      %dma_wait3A_82 = arith.constant 0 : i32
      %dma_wait3A_83 = arith.constant 0 : i32
      %dma_wait3A_84 = tpu.memref_slice %arg3[%dma_wait3A_82, %add3A_78, %dma_wait3A_83] : memref<2x6720x48xi32, #tpu.memory_space<hbm>> -> memref<2x1x48xi32, #tpu.memory_space<hbm>>
      %dma_wait3A_85 = tpu.memref_squeeze %dma_wait3A_84 : memref<2x1x48xi32, #tpu.memory_space<hbm>> -> memref<2x48xi32, #tpu.memory_space<hbm>>
      tpu.wait_dma2 semaphore(%arg18 : memref<!tpu.dma_semaphore, #tpu.memory_space<semaphore_mem>>) src(%dma_wait3A_85 : memref<2x48xi32, #tpu.memory_space<hbm>>) dst(%arg6 : memref<2x48xi32, #tpu.memory_space<vmem>>)
      %dma_start3A_86 = arith.constant 0 : i32
      %dma_start3A_87 = arith.constant 0 : i32
      %dma_start3A_88 = tpu.memref_slice %arg6[%dma_start3A_86, %dma_start3A_87] : memref<2x48xi32, #tpu.memory_space<vmem>> -> memref<1x48xi32, #tpu.memory_space<vmem>>
      %dma_start3A_89 = tpu.memref_squeeze %dma_start3A_88 : memref<1x48xi32, #tpu.memory_space<vmem>> -> memref<48xi32, #tpu.memory_space<vmem>>
      %dma_start3A_90 = arith.constant 0 : i32
      %dma_start3A_91 = arith.constant 0 : i32
      %dma_start3A_92 = tpu.memref_slice %arg2[%dma_start3A_90, %dma_start3A_91] : memref<10000x128xf32, #tpu.memory_space<hbm>> -> memref<10000x128xf32, #tpu.memory_space<hbm>>
      tpu.enqueue_indirect_dma source(%dma_start3A_92 : memref<10000x128xf32, #tpu.memory_space<hbm>>) target(%arg10 : memref<48x128xf32, #tpu.memory_space<vmem>>) offsets(%dma_start3A_89 : memref<48xi32, #tpu.memory_space<vmem>>) semaphore(%arg14 : memref<!tpu.dma_semaphore, #tpu.memory_space<semaphore_mem>>)
      %add3A_93 = arith.addi %select_n3A_8, %add3A_75 : i32
      %add3A_94 = arith.constant 1 : i32
      %add3A_95 = arith.addi %add3A_93, %add3A_94 : i32
      %dma_wait3A_96 = arith.constant 0 : i32
      %dma_wait3A_97 = arith.constant 0 : i32
      %dma_wait3A_98 = tpu.memref_slice %arg3[%dma_wait3A_96, %add3A_95, %dma_wait3A_97] : memref<2x6720x48xi32, #tpu.memory_space<hbm>> -> memref<2x1x48xi32, #tpu.memory_space<hbm>>
      %dma_wait3A_99 = tpu.memref_squeeze %dma_wait3A_98 : memref<2x1x48xi32, #tpu.memory_space<hbm>> -> memref<2x48xi32, #tpu.memory_space<hbm>>
      %dma_wait3A_100 = arith.constant 0 : i32
      %dma_wait3A_101 = arith.constant 0 : i32
      %dma_wait3A_102 = tpu.memref_slice %arg3[%dma_wait3A_100, %add3A_95, %dma_wait3A_101] : memref<2x6720x48xi32, #tpu.memory_space<hbm>> -> memref<2x1x48xi32, #tpu.memory_space<hbm>>
      %dma_wait3A_103 = tpu.memref_squeeze %dma_wait3A_102 : memref<2x1x48xi32, #tpu.memory_space<hbm>> -> memref<2x48xi32, #tpu.memory_space<hbm>>
      tpu.wait_dma2 semaphore(%arg19 : memref<!tpu.dma_semaphore, #tpu.memory_space<semaphore_mem>>) src(%dma_wait3A_103 : memref<2x48xi32, #tpu.memory_space<hbm>>) dst(%arg7 : memref<2x48xi32, #tpu.memory_space<vmem>>)
      %dma_start3A_104 = arith.constant 0 : i32
      %dma_start3A_105 = arith.constant 0 : i32
      %dma_start3A_106 = tpu.memref_slice %arg7[%dma_start3A_104, %dma_start3A_105] : memref<2x48xi32, #tpu.memory_space<vmem>> -> memref<1x48xi32, #tpu.memory_space<vmem>>
      %dma_start3A_107 = tpu.memref_squeeze %dma_start3A_106 : memref<1x48xi32, #tpu.memory_space<vmem>> -> memref<48xi32, #tpu.memory_space<vmem>>
      %dma_start3A_108 = arith.constant 0 : i32
      %dma_start3A_109 = arith.constant 0 : i32
      %dma_start3A_110 = tpu.memref_slice %arg2[%dma_start3A_108, %dma_start3A_109] : memref<10000x128xf32, #tpu.memory_space<hbm>> -> memref<10000x128xf32, #tpu.memory_space<hbm>>
      tpu.enqueue_indirect_dma source(%dma_start3A_110 : memref<10000x128xf32, #tpu.memory_space<hbm>>) target(%arg11 : memref<48x128xf32, #tpu.memory_space<vmem>>) offsets(%dma_start3A_107 : memref<48xi32, #tpu.memory_space<vmem>>) semaphore(%arg15 : memref<!tpu.dma_semaphore, #tpu.memory_space<semaphore_mem>>)
      %add3A_111 = arith.addi %select_n3A_8, %add3A_75 : i32
      %add3A_112 = arith.constant 2 : i32
      %add3A_113 = arith.addi %add3A_111, %add3A_112 : i32
      %dma_wait3A_114 = arith.constant 0 : i32
      %dma_wait3A_115 = arith.constant 0 : i32
      %dma_wait3A_116 = tpu.memref_slice %arg3[%dma_wait3A_114, %add3A_113, %dma_wait3A_115] : memref<2x6720x48xi32, #tpu.memory_space<hbm>> -> memref<2x1x48xi32, #tpu.memory_space<hbm>>
      %dma_wait3A_117 = tpu.memref_squeeze %dma_wait3A_116 : memref<2x1x48xi32, #tpu.memory_space<hbm>> -> memref<2x48xi32, #tpu.memory_space<hbm>>
      %dma_wait3A_118 = arith.constant 0 : i32
      %dma_wait3A_119 = arith.constant 0 : i32
      %dma_wait3A_120 = tpu.memref_slice %arg3[%dma_wait3A_118, %add3A_113, %dma_wait3A_119] : memref<2x6720x48xi32, #tpu.memory_space<hbm>> -> memref<2x1x48xi32, #tpu.memory_space<hbm>>
      %dma_wait3A_121 = tpu.memref_squeeze %dma_wait3A_120 : memref<2x1x48xi32, #tpu.memory_space<hbm>> -> memref<2x48xi32, #tpu.memory_space<hbm>>
      tpu.wait_dma2 semaphore(%arg20 : memref<!tpu.dma_semaphore, #tpu.memory_space<semaphore_mem>>) src(%dma_wait3A_121 : memref<2x48xi32, #tpu.memory_space<hbm>>) dst(%arg8 : memref<2x48xi32, #tpu.memory_space<vmem>>)
      %dma_start3A_122 = arith.constant 0 : i32
      %dma_start3A_123 = arith.constant 0 : i32
      %dma_start3A_124 = tpu.memref_slice %arg8[%dma_start3A_122, %dma_start3A_123] : memref<2x48xi32, #tpu.memory_space<vmem>> -> memref<1x48xi32, #tpu.memory_space<vmem>>
      %dma_start3A_125 = tpu.memref_squeeze %dma_start3A_124 : memref<1x48xi32, #tpu.memory_space<vmem>> -> memref<48xi32, #tpu.memory_space<vmem>>
      %dma_start3A_126 = arith.constant 0 : i32
      %dma_start3A_127 = arith.constant 0 : i32
      %dma_start3A_128 = tpu.memref_slice %arg2[%dma_start3A_126, %dma_start3A_127] : memref<10000x128xf32, #tpu.memory_space<hbm>> -> memref<10000x128xf32, #tpu.memory_space<hbm>>
      tpu.enqueue_indirect_dma source(%dma_start3A_128 : memref<10000x128xf32, #tpu.memory_space<hbm>>) target(%arg12 : memref<48x128xf32, #tpu.memory_space<vmem>>) offsets(%dma_start3A_125 : memref<48xi32, #tpu.memory_space<vmem>>) semaphore(%arg16 : memref<!tpu.dma_semaphore, #tpu.memory_space<semaphore_mem>>)
      %add3A_129 = arith.addi %select_n3A_8, %add3A_75 : i32
      %add3A_130 = arith.constant 3 : i32
      %add3A_131 = arith.addi %add3A_129, %add3A_130 : i32
      %dma_wait3A_132 = arith.constant 0 : i32
      %dma_wait3A_133 = arith.constant 0 : i32
      %dma_wait3A_134 = tpu.memref_slice %arg3[%dma_wait3A_132, %add3A_131, %dma_wait3A_133] : memref<2x6720x48xi32, #tpu.memory_space<hbm>> -> memref<2x1x48xi32, #tpu.memory_space<hbm>>
      %dma_wait3A_135 = tpu.memref_squeeze %dma_wait3A_134 : memref<2x1x48xi32, #tpu.memory_space<hbm>> -> memref<2x48xi32, #tpu.memory_space<hbm>>
      %dma_wait3A_136 = arith.constant 0 : i32
      %dma_wait3A_137 = arith.constant 0 : i32
      %dma_wait3A_138 = tpu.memref_slice %arg3[%dma_wait3A_136, %add3A_131, %dma_wait3A_137] : memref<2x6720x48xi32, #tpu.memory_space<hbm>> -> memref<2x1x48xi32, #tpu.memory_space<hbm>>
      %dma_wait3A_139 = tpu.memref_squeeze %dma_wait3A_138 : memref<2x1x48xi32, #tpu.memory_space<hbm>> -> memref<2x48xi32, #tpu.memory_space<hbm>>
      tpu.wait_dma2 semaphore(%arg21 : memref<!tpu.dma_semaphore, #tpu.memory_space<semaphore_mem>>) src(%dma_wait3A_139 : memref<2x48xi32, #tpu.memory_space<hbm>>) dst(%arg9 : memref<2x48xi32, #tpu.memory_space<vmem>>)
      %dma_start3A_140 = arith.constant 0 : i32
      %dma_start3A_141 = arith.constant 0 : i32
      %dma_start3A_142 = tpu.memref_slice %arg9[%dma_start3A_140, %dma_start3A_141] : memref<2x48xi32, #tpu.memory_space<vmem>> -> memref<1x48xi32, #tpu.memory_space<vmem>>
      %dma_start3A_143 = tpu.memref_squeeze %dma_start3A_142 : memref<1x48xi32, #tpu.memory_space<vmem>> -> memref<48xi32, #tpu.memory_space<vmem>>
      %dma_start3A_144 = arith.constant 0 : i32
      %dma_start3A_145 = arith.constant 0 : i32
      %dma_start3A_146 = tpu.memref_slice %arg2[%dma_start3A_144, %dma_start3A_145] : memref<10000x128xf32, #tpu.memory_space<hbm>> -> memref<10000x128xf32, #tpu.memory_space<hbm>>
      tpu.enqueue_indirect_dma source(%dma_start3A_146 : memref<10000x128xf32, #tpu.memory_space<hbm>>) target(%arg13 : memref<48x128xf32, #tpu.memory_space<vmem>>) offsets(%dma_start3A_143 : memref<48xi32, #tpu.memory_space<vmem>>) semaphore(%arg17 : memref<!tpu.dma_semaphore, #tpu.memory_space<semaphore_mem>>)
      %dma_wait3A_147 = arith.constant 0 : i32
      %dma_wait3A_148 = arith.constant 0 : i32
      %dma_wait3A_149 = tpu.memref_slice %arg6[%dma_wait3A_147, %dma_wait3A_148] : memref<2x48xi32, #tpu.memory_space<vmem>> -> memref<1x48xi32, #tpu.memory_space<vmem>>
      %dma_wait3A_150 = tpu.memref_squeeze %dma_wait3A_149 : memref<1x48xi32, #tpu.memory_space<vmem>> -> memref<48xi32, #tpu.memory_space<vmem>>
      %dma_wait3A_151 = arith.constant 0 : i32
      %dma_wait3A_152 = arith.constant 0 : i32
      %dma_wait3A_153 = tpu.memref_slice %arg2[%dma_wait3A_151, %dma_wait3A_152] : memref<10000x128xf32, #tpu.memory_space<hbm>> -> memref<10000x128xf32, #tpu.memory_space<hbm>>
      tpu.wait_indirect_dma semaphore(%arg14 : memref<!tpu.dma_semaphore, #tpu.memory_space<semaphore_mem>>) src(%dma_wait3A_153 : memref<10000x128xf32, #tpu.memory_space<hbm>>) dst(%arg10 : memref<48x128xf32, #tpu.memory_space<vmem>>)
      %run_scoped3A = arith.constant 1 : i32
      "tpu.region"() ({
        %run_scoped3A_207 = tpu.sem_alloc : memref<!tpu.dma_semaphore, #tpu.memory_space<semaphore_mem>>
        %dma_start3A_208 = arith.constant 0 : i32
        %dma_start3A_209 = tpu.memref_slice %arg6[%run_scoped3A, %dma_start3A_208] : memref<2x48xi32, #tpu.memory_space<vmem>> -> memref<1x48xi32, #tpu.memory_space<vmem>>
        %dma_start3A_210 = tpu.memref_squeeze %dma_start3A_209 : memref<1x48xi32, #tpu.memory_space<vmem>> -> memref<48xi32, #tpu.memory_space<vmem>>
        %dma_start3A_211 = arith.constant 0 : i32
        %dma_start3A_212 = arith.constant 0 : i32
        %dma_start3A_213 = tpu.memref_slice %arg22[%dma_start3A_211, %dma_start3A_212] : memref<10112x128xf32, #tpu.memory_space<vmem_shared>> -> memref<10112x128xf32, #tpu.memory_space<vmem_shared>>
        tpu.enqueue_indirect_dma source(%arg10 : memref<48x128xf32, #tpu.memory_space<vmem>>) target(%dma_start3A_213 : memref<10112x128xf32, #tpu.memory_space<vmem_shared>>) offsets(%dma_start3A_210 : memref<48xi32, #tpu.memory_space<vmem>>) semaphore(%run_scoped3A_207 : memref<!tpu.dma_semaphore, #tpu.memory_space<semaphore_mem>>) {add = true}
        %dma_wait3A_214 = arith.constant 0 : i32
        %dma_wait3A_215 = tpu.memref_slice %arg6[%run_scoped3A, %dma_wait3A_214] : memref<2x48xi32, #tpu.memory_space<vmem>> -> memref<1x48xi32, #tpu.memory_space<vmem>>
        %dma_wait3A_216 = tpu.memref_squeeze %dma_wait3A_215 : memref<1x48xi32, #tpu.memory_space<vmem>> -> memref<48xi32, #tpu.memory_space<vmem>>
        %dma_wait3A_217 = arith.constant 0 : i32
        %dma_wait3A_218 = arith.constant 0 : i32
        %dma_wait3A_219 = tpu.memref_slice %arg22[%dma_wait3A_217, %dma_wait3A_218] : memref<10112x128xf32, #tpu.memory_space<vmem_shared>> -> memref<10112x128xf32, #tpu.memory_space<vmem_shared>>
        tpu.wait_indirect_dma semaphore(%run_scoped3A_207 : memref<!tpu.dma_semaphore, #tpu.memory_space<semaphore_mem>>) src(%arg10 : memref<48x128xf32, #tpu.memory_space<vmem>>) dst(%dma_wait3A_219 : memref<10112x128xf32, #tpu.memory_space<vmem_shared>>)
        tpu.yield
      }) : () -> ()
      %add3A_154 = arith.constant 0 : i32
      %add3A_155 = arith.addi %add3A_75, %add3A_154 : i32
      %add3A_156 = arith.constant 4 : i32
      %add3A_157 = arith.addi %add3A_155, %add3A_156 : i32
      %lt3A = arith.cmpi slt, %add3A_157, %select_n3A : i32
      %convert_element_type3A = arith.extui %lt3A : i1 to i32
      %cond3A = arith.constant 0 : i32
      %cond3A_158 = arith.cmpi ne, %convert_element_type3A, %cond3A : i32
      scf.if %cond3A_158 {
        %add3A_207 = arith.addi %select_n3A_8, %add3A_75 : i32
        %add3A_208 = arith.constant 0 : i32
        %add3A_209 = arith.addi %add3A_207, %add3A_208 : i32
        %add3A_210 = arith.constant 4 : i32
        %add3A_211 = arith.addi %add3A_209, %add3A_210 : i32
        %dma_start3A_212 = arith.constant 0 : i32
        %dma_start3A_213 = arith.constant 0 : i32
        %dma_start3A_214 = tpu.memref_slice %arg3[%dma_start3A_212, %add3A_211, %dma_start3A_213] : memref<2x6720x48xi32, #tpu.memory_space<hbm>> -> memref<2x1x48xi32, #tpu.memory_space<hbm>>
        %dma_start3A_215 = tpu.memref_squeeze %dma_start3A_214 : memref<2x1x48xi32, #tpu.memory_space<hbm>> -> memref<2x48xi32, #tpu.memory_space<hbm>>
        %dma_start3A_216 = arith.constant 0 : i32
        %dma_start3A_217 = arith.constant 0 : i32
        %dma_start3A_218 = tpu.memref_slice %arg3[%dma_start3A_216, %add3A_211, %dma_start3A_217] : memref<2x6720x48xi32, #tpu.memory_space<hbm>> -> memref<2x1x48xi32, #tpu.memory_space<hbm>>
        %dma_start3A_219 = tpu.memref_squeeze %dma_start3A_218 : memref<2x1x48xi32, #tpu.memory_space<hbm>> -> memref<2x48xi32, #tpu.memory_space<hbm>>
        tpu.enqueue_dma source(%dma_start3A_219 : memref<2x48xi32, #tpu.memory_space<hbm>>) target(%arg6 : memref<2x48xi32, #tpu.memory_space<vmem>>) target_semaphore(%arg18 : memref<!tpu.dma_semaphore, #tpu.memory_space<semaphore_mem>>)
      } else {
      }
      %dma_wait3A_159 = arith.constant 0 : i32
      %dma_wait3A_160 = arith.constant 0 : i32
      %dma_wait3A_161 = tpu.memref_slice %arg7[%dma_wait3A_159, %dma_wait3A_160] : memref<2x48xi32, #tpu.memory_space<vmem>> -> memref<1x48xi32, #tpu.memory_space<vmem>>
      %dma_wait3A_162 = tpu.memref_squeeze %dma_wait3A_161 : memref<1x48xi32, #tpu.memory_space<vmem>> -> memref<48xi32, #tpu.memory_space<vmem>>
      %dma_wait3A_163 = arith.constant 0 : i32
      %dma_wait3A_164 = arith.constant 0 : i32
      %dma_wait3A_165 = tpu.memref_slice %arg2[%dma_wait3A_163, %dma_wait3A_164] : memref<10000x128xf32, #tpu.memory_space<hbm>> -> memref<10000x128xf32, #tpu.memory_space<hbm>>
      tpu.wait_indirect_dma semaphore(%arg15 : memref<!tpu.dma_semaphore, #tpu.memory_space<semaphore_mem>>) src(%dma_wait3A_165 : memref<10000x128xf32, #tpu.memory_space<hbm>>) dst(%arg11 : memref<48x128xf32, #tpu.memory_space<vmem>>)
      %run_scoped3A_166 = arith.constant 1 : i32
      "tpu.region"() ({
        %run_scoped3A_207 = tpu.sem_alloc : memref<!tpu.dma_semaphore, #tpu.memory_space<semaphore_mem>>
        %dma_start3A_208 = arith.constant 0 : i32
        %dma_start3A_209 = tpu.memref_slice %arg7[%run_scoped3A_166, %dma_start3A_208] : memref<2x48xi32, #tpu.memory_space<vmem>> -> memref<1x48xi32, #tpu.memory_space<vmem>>
        %dma_start3A_210 = tpu.memref_squeeze %dma_start3A_209 : memref<1x48xi32, #tpu.memory_space<vmem>> -> memref<48xi32, #tpu.memory_space<vmem>>
        %dma_start3A_211 = arith.constant 0 : i32
        %dma_start3A_212 = arith.constant 0 : i32
        %dma_start3A_213 = tpu.memref_slice %arg22[%dma_start3A_211, %dma_start3A_212] : memref<10112x128xf32, #tpu.memory_space<vmem_shared>> -> memref<10112x128xf32, #tpu.memory_space<vmem_shared>>
        tpu.enqueue_indirect_dma source(%arg11 : memref<48x128xf32, #tpu.memory_space<vmem>>) target(%dma_start3A_213 : memref<10112x128xf32, #tpu.memory_space<vmem_shared>>) offsets(%dma_start3A_210 : memref<48xi32, #tpu.memory_space<vmem>>) semaphore(%run_scoped3A_207 : memref<!tpu.dma_semaphore, #tpu.memory_space<semaphore_mem>>) {add = true}
        %dma_wait3A_214 = arith.constant 0 : i32
        %dma_wait3A_215 = tpu.memref_slice %arg7[%run_scoped3A_166, %dma_wait3A_214] : memref<2x48xi32, #tpu.memory_space<vmem>> -> memref<1x48xi32, #tpu.memory_space<vmem>>
        %dma_wait3A_216 = tpu.memref_squeeze %dma_wait3A_215 : memref<1x48xi32, #tpu.memory_space<vmem>> -> memref<48xi32, #tpu.memory_space<vmem>>
        %dma_wait3A_217 = arith.constant 0 : i32
        %dma_wait3A_218 = arith.constant 0 : i32
        %dma_wait3A_219 = tpu.memref_slice %arg22[%dma_wait3A_217, %dma_wait3A_218] : memref<10112x128xf32, #tpu.memory_space<vmem_shared>> -> memref<10112x128xf32, #tpu.memory_space<vmem_shared>>
        tpu.wait_indirect_dma semaphore(%run_scoped3A_207 : memref<!tpu.dma_semaphore, #tpu.memory_space<semaphore_mem>>) src(%arg11 : memref<48x128xf32, #tpu.memory_space<vmem>>) dst(%dma_wait3A_219 : memref<10112x128xf32, #tpu.memory_space<vmem_shared>>)
        tpu.yield
      }) : () -> ()
      %add3A_167 = arith.constant 1 : i32
      %add3A_168 = arith.addi %add3A_75, %add3A_167 : i32
      %add3A_169 = arith.constant 4 : i32
      %add3A_170 = arith.addi %add3A_168, %add3A_169 : i32
      %lt3A_171 = arith.cmpi slt, %add3A_170, %select_n3A : i32
      %convert_element_type3A_172 = arith.extui %lt3A_171 : i1 to i32
      %cond3A_173 = arith.constant 0 : i32
      %cond3A_174 = arith.cmpi ne, %convert_element_type3A_172, %cond3A_173 : i32
      scf.if %cond3A_174 {
        %add3A_207 = arith.addi %select_n3A_8, %add3A_75 : i32
        %add3A_208 = arith.constant 1 : i32
        %add3A_209 = arith.addi %add3A_207, %add3A_208 : i32
        %add3A_210 = arith.constant 4 : i32
        %add3A_211 = arith.addi %add3A_209, %add3A_210 : i32
        %dma_start3A_212 = arith.constant 0 : i32
        %dma_start3A_213 = arith.constant 0 : i32
        %dma_start3A_214 = tpu.memref_slice %arg3[%dma_start3A_212, %add3A_211, %dma_start3A_213] : memref<2x6720x48xi32, #tpu.memory_space<hbm>> -> memref<2x1x48xi32, #tpu.memory_space<hbm>>
        %dma_start3A_215 = tpu.memref_squeeze %dma_start3A_214 : memref<2x1x48xi32, #tpu.memory_space<hbm>> -> memref<2x48xi32, #tpu.memory_space<hbm>>
        %dma_start3A_216 = arith.constant 0 : i32
        %dma_start3A_217 = arith.constant 0 : i32
        %dma_start3A_218 = tpu.memref_slice %arg3[%dma_start3A_216, %add3A_211, %dma_start3A_217] : memref<2x6720x48xi32, #tpu.memory_space<hbm>> -> memref<2x1x48xi32, #tpu.memory_space<hbm>>
        %dma_start3A_219 = tpu.memref_squeeze %dma_start3A_218 : memref<2x1x48xi32, #tpu.memory_space<hbm>> -> memref<2x48xi32, #tpu.memory_space<hbm>>
        tpu.enqueue_dma source(%dma_start3A_219 : memref<2x48xi32, #tpu.memory_space<hbm>>) target(%arg7 : memref<2x48xi32, #tpu.memory_space<vmem>>) target_semaphore(%arg19 : memref<!tpu.dma_semaphore, #tpu.memory_space<semaphore_mem>>)
      } else {
      }
      %dma_wait3A_175 = arith.constant 0 : i32
      %dma_wait3A_176 = arith.constant 0 : i32
      %dma_wait3A_177 = tpu.memref_slice %arg8[%dma_wait3A_175, %dma_wait3A_176] : memref<2x48xi32, #tpu.memory_space<vmem>> -> memref<1x48xi32, #tpu.memory_space<vmem>>
      %dma_wait3A_178 = tpu.memref_squeeze %dma_wait3A_177 : memref<1x48xi32, #tpu.memory_space<vmem>> -> memref<48xi32, #tpu.memory_space<vmem>>
      %dma_wait3A_179 = arith.constant 0 : i32
      %dma_wait3A_180 = arith.constant 0 : i32
      %dma_wait3A_181 = tpu.memref_slice %arg2[%dma_wait3A_179, %dma_wait3A_180] : memref<10000x128xf32, #tpu.memory_space<hbm>> -> memref<10000x128xf32, #tpu.memory_space<hbm>>
      tpu.wait_indirect_dma semaphore(%arg16 : memref<!tpu.dma_semaphore, #tpu.memory_space<semaphore_mem>>) src(%dma_wait3A_181 : memref<10000x128xf32, #tpu.memory_space<hbm>>) dst(%arg12 : memref<48x128xf32, #tpu.memory_space<vmem>>)
      %run_scoped3A_182 = arith.constant 1 : i32
      "tpu.region"() ({
        %run_scoped3A_207 = tpu.sem_alloc : memref<!tpu.dma_semaphore, #tpu.memory_space<semaphore_mem>>
        %dma_start3A_208 = arith.constant 0 : i32
        %dma_start3A_209 = tpu.memref_slice %arg8[%run_scoped3A_182, %dma_start3A_208] : memref<2x48xi32, #tpu.memory_space<vmem>> -> memref<1x48xi32, #tpu.memory_space<vmem>>
        %dma_start3A_210 = tpu.memref_squeeze %dma_start3A_209 : memref<1x48xi32, #tpu.memory_space<vmem>> -> memref<48xi32, #tpu.memory_space<vmem>>
        %dma_start3A_211 = arith.constant 0 : i32
        %dma_start3A_212 = arith.constant 0 : i32
        %dma_start3A_213 = tpu.memref_slice %arg22[%dma_start3A_211, %dma_start3A_212] : memref<10112x128xf32, #tpu.memory_space<vmem_shared>> -> memref<10112x128xf32, #tpu.memory_space<vmem_shared>>
        tpu.enqueue_indirect_dma source(%arg12 : memref<48x128xf32, #tpu.memory_space<vmem>>) target(%dma_start3A_213 : memref<10112x128xf32, #tpu.memory_space<vmem_shared>>) offsets(%dma_start3A_210 : memref<48xi32, #tpu.memory_space<vmem>>) semaphore(%run_scoped3A_207 : memref<!tpu.dma_semaphore, #tpu.memory_space<semaphore_mem>>) {add = true}
        %dma_wait3A_214 = arith.constant 0 : i32
        %dma_wait3A_215 = tpu.memref_slice %arg8[%run_scoped3A_182, %dma_wait3A_214] : memref<2x48xi32, #tpu.memory_space<vmem>> -> memref<1x48xi32, #tpu.memory_space<vmem>>
        %dma_wait3A_216 = tpu.memref_squeeze %dma_wait3A_215 : memref<1x48xi32, #tpu.memory_space<vmem>> -> memref<48xi32, #tpu.memory_space<vmem>>
        %dma_wait3A_217 = arith.constant 0 : i32
        %dma_wait3A_218 = arith.constant 0 : i32
        %dma_wait3A_219 = tpu.memref_slice %arg22[%dma_wait3A_217, %dma_wait3A_218] : memref<10112x128xf32, #tpu.memory_space<vmem_shared>> -> memref<10112x128xf32, #tpu.memory_space<vmem_shared>>
        tpu.wait_indirect_dma semaphore(%run_scoped3A_207 : memref<!tpu.dma_semaphore, #tpu.memory_space<semaphore_mem>>) src(%arg12 : memref<48x128xf32, #tpu.memory_space<vmem>>) dst(%dma_wait3A_219 : memref<10112x128xf32, #tpu.memory_space<vmem_shared>>)
        tpu.yield
      }) : () -> ()
      %add3A_183 = arith.constant 2 : i32
      %add3A_184 = arith.addi %add3A_75, %add3A_183 : i32
      %add3A_185 = arith.constant 4 : i32
      %add3A_186 = arith.addi %add3A_184, %add3A_185 : i32
      %lt3A_187 = arith.cmpi slt, %add3A_186, %select_n3A : i32
      %convert_element_type3A_188 = arith.extui %lt3A_187 : i1 to i32
      %cond3A_189 = arith.constant 0 : i32
      %cond3A_190 = arith.cmpi ne, %convert_element_type3A_188, %cond3A_189 : i32
      scf.if %cond3A_190 {
        %add3A_207 = arith.addi %select_n3A_8, %add3A_75 : i32
        %add3A_208 = arith.constant 2 : i32
        %add3A_209 = arith.addi %add3A_207, %add3A_208 : i32
        %add3A_210 = arith.constant 4 : i32
        %add3A_211 = arith.addi %add3A_209, %add3A_210 : i32
        %dma_start3A_212 = arith.constant 0 : i32
        %dma_start3A_213 = arith.constant 0 : i32
        %dma_start3A_214 = tpu.memref_slice %arg3[%dma_start3A_212, %add3A_211, %dma_start3A_213] : memref<2x6720x48xi32, #tpu.memory_space<hbm>> -> memref<2x1x48xi32, #tpu.memory_space<hbm>>
        %dma_start3A_215 = tpu.memref_squeeze %dma_start3A_214 : memref<2x1x48xi32, #tpu.memory_space<hbm>> -> memref<2x48xi32, #tpu.memory_space<hbm>>
        %dma_start3A_216 = arith.constant 0 : i32
        %dma_start3A_217 = arith.constant 0 : i32
        %dma_start3A_218 = tpu.memref_slice %arg3[%dma_start3A_216, %add3A_211, %dma_start3A_217] : memref<2x6720x48xi32, #tpu.memory_space<hbm>> -> memref<2x1x48xi32, #tpu.memory_space<hbm>>
        %dma_start3A_219 = tpu.memref_squeeze %dma_start3A_218 : memref<2x1x48xi32, #tpu.memory_space<hbm>> -> memref<2x48xi32, #tpu.memory_space<hbm>>
        tpu.enqueue_dma source(%dma_start3A_219 : memref<2x48xi32, #tpu.memory_space<hbm>>) target(%arg8 : memref<2x48xi32, #tpu.memory_space<vmem>>) target_semaphore(%arg20 : memref<!tpu.dma_semaphore, #tpu.memory_space<semaphore_mem>>)
      } else {
      }
      %dma_wait3A_191 = arith.constant 0 : i32
      %dma_wait3A_192 = arith.constant 0 : i32
      %dma_wait3A_193 = tpu.memref_slice %arg9[%dma_wait3A_191, %dma_wait3A_192] : memref<2x48xi32, #tpu.memory_space<vmem>> -> memref<1x48xi32, #tpu.memory_space<vmem>>
      %dma_wait3A_194 = tpu.memref_squeeze %dma_wait3A_193 : memref<1x48xi32, #tpu.memory_space<vmem>> -> memref<48xi32, #tpu.memory_space<vmem>>
      %dma_wait3A_195 = arith.constant 0 : i32
      %dma_wait3A_196 = arith.constant 0 : i32
      %dma_wait3A_197 = tpu.memref_slice %arg2[%dma_wait3A_195, %dma_wait3A_196] : memref<10000x128xf32, #tpu.memory_space<hbm>> -> memref<10000x128xf32, #tpu.memory_space<hbm>>
      tpu.wait_indirect_dma semaphore(%arg17 : memref<!tpu.dma_semaphore, #tpu.memory_space<semaphore_mem>>) src(%dma_wait3A_197 : memref<10000x128xf32, #tpu.memory_space<hbm>>) dst(%arg13 : memref<48x128xf32, #tpu.memory_space<vmem>>)
      %run_scoped3A_198 = arith.constant 1 : i32
      "tpu.region"() ({
        %run_scoped3A_207 = tpu.sem_alloc : memref<!tpu.dma_semaphore, #tpu.memory_space<semaphore_mem>>
        %dma_start3A_208 = arith.constant 0 : i32
        %dma_start3A_209 = tpu.memref_slice %arg9[%run_scoped3A_198, %dma_start3A_208] : memref<2x48xi32, #tpu.memory_space<vmem>> -> memref<1x48xi32, #tpu.memory_space<vmem>>
        %dma_start3A_210 = tpu.memref_squeeze %dma_start3A_209 : memref<1x48xi32, #tpu.memory_space<vmem>> -> memref<48xi32, #tpu.memory_space<vmem>>
        %dma_start3A_211 = arith.constant 0 : i32
        %dma_start3A_212 = arith.constant 0 : i32
        %dma_start3A_213 = tpu.memref_slice %arg22[%dma_start3A_211, %dma_start3A_212] : memref<10112x128xf32, #tpu.memory_space<vmem_shared>> -> memref<10112x128xf32, #tpu.memory_space<vmem_shared>>
        tpu.enqueue_indirect_dma source(%arg13 : memref<48x128xf32, #tpu.memory_space<vmem>>) target(%dma_start3A_213 : memref<10112x128xf32, #tpu.memory_space<vmem_shared>>) offsets(%dma_start3A_210 : memref<48xi32, #tpu.memory_space<vmem>>) semaphore(%run_scoped3A_207 : memref<!tpu.dma_semaphore, #tpu.memory_space<semaphore_mem>>) {add = true}
        %dma_wait3A_214 = arith.constant 0 : i32
        %dma_wait3A_215 = tpu.memref_slice %arg9[%run_scoped3A_198, %dma_wait3A_214] : memref<2x48xi32, #tpu.memory_space<vmem>> -> memref<1x48xi32, #tpu.memory_space<vmem>>
        %dma_wait3A_216 = tpu.memref_squeeze %dma_wait3A_215 : memref<1x48xi32, #tpu.memory_space<vmem>> -> memref<48xi32, #tpu.memory_space<vmem>>
        %dma_wait3A_217 = arith.constant 0 : i32
        %dma_wait3A_218 = arith.constant 0 : i32
        %dma_wait3A_219 = tpu.memref_slice %arg22[%dma_wait3A_217, %dma_wait3A_218] : memref<10112x128xf32, #tpu.memory_space<vmem_shared>> -> memref<10112x128xf32, #tpu.memory_space<vmem_shared>>
        tpu.wait_indirect_dma semaphore(%run_scoped3A_207 : memref<!tpu.dma_semaphore, #tpu.memory_space<semaphore_mem>>) src(%arg13 : memref<48x128xf32, #tpu.memory_space<vmem>>) dst(%dma_wait3A_219 : memref<10112x128xf32, #tpu.memory_space<vmem_shared>>)
        tpu.yield
      }) : () -> ()
      %add3A_199 = arith.constant 3 : i32
      %add3A_200 = arith.addi %add3A_75, %add3A_199 : i32
      %add3A_201 = arith.constant 4 : i32
      %add3A_202 = arith.addi %add3A_200, %add3A_201 : i32
      %lt3A_203 = arith.cmpi slt, %add3A_202, %select_n3A : i32
      %convert_element_type3A_204 = arith.extui %lt3A_203 : i1 to i32
      %cond3A_205 = arith.constant 0 : i32
      %cond3A_206 = arith.cmpi ne, %convert_element_type3A_204, %cond3A_205 : i32
      scf.if %cond3A_206 {
        %add3A_207 = arith.addi %select_n3A_8, %add3A_75 : i32
        %add3A_208 = arith.constant 3 : i32
        %add3A_209 = arith.addi %add3A_207, %add3A_208 : i32
        %add3A_210 = arith.constant 4 : i32
        %add3A_211 = arith.addi %add3A_209, %add3A_210 : i32
        %dma_start3A_212 = arith.constant 0 : i32
        %dma_start3A_213 = arith.constant 0 : i32
        %dma_start3A_214 = tpu.memref_slice %arg3[%dma_start3A_212, %add3A_211, %dma_start3A_213] : memref<2x6720x48xi32, #tpu.memory_space<hbm>> -> memref<2x1x48xi32, #tpu.memory_space<hbm>>
        %dma_start3A_215 = tpu.memref_squeeze %dma_start3A_214 : memref<2x1x48xi32, #tpu.memory_space<hbm>> -> memref<2x48xi32, #tpu.memory_space<hbm>>
        %dma_start3A_216 = arith.constant 0 : i32
        %dma_start3A_217 = arith.constant 0 : i32
        %dma_start3A_218 = tpu.memref_slice %arg3[%dma_start3A_216, %add3A_211, %dma_start3A_217] : memref<2x6720x48xi32, #tpu.memory_space<hbm>> -> memref<2x1x48xi32, #tpu.memory_space<hbm>>
        %dma_start3A_219 = tpu.memref_squeeze %dma_start3A_218 : memref<2x1x48xi32, #tpu.memory_space<hbm>> -> memref<2x48xi32, #tpu.memory_space<hbm>>
        tpu.enqueue_dma source(%dma_start3A_219 : memref<2x48xi32, #tpu.memory_space<hbm>>) target(%arg9 : memref<2x48xi32, #tpu.memory_space<vmem>>) target_semaphore(%arg21 : memref<!tpu.dma_semaphore, #tpu.memory_space<semaphore_mem>>)
      } else {
      }
    }
    %while3A_67 = arith.constant 1 : i32
    scf.for %while3A_73 = %while3A_65 to %while3A_61 step %while3A_67  : i32 {
      %mul3A_74 = arith.muli %while3A_73, %while3A : i32
      %add3A_75 = arith.addi %while3A_58, %mul3A_74 : i32
      %add3A_76 = arith.addi %select_n3A_8, %add3A_75 : i32
      %add3A_77 = arith.constant 0 : i32
      %add3A_78 = arith.addi %add3A_76, %add3A_77 : i32
      %dma_wait3A = arith.constant 0 : i32
      %dma_wait3A_79 = arith.constant 0 : i32
      %dma_wait3A_80 = tpu.memref_slice %arg3[%dma_wait3A, %add3A_78, %dma_wait3A_79] : memref<2x6720x48xi32, #tpu.memory_space<hbm>> -> memref<2x1x48xi32, #tpu.memory_space<hbm>>
      %dma_wait3A_81 = tpu.memref_squeeze %dma_wait3A_80 : memref<2x1x48xi32, #tpu.memory_space<hbm>> -> memref<2x48xi32, #tpu.memory_space<hbm>>
      %dma_wait3A_82 = arith.constant 0 : i32
      %dma_wait3A_83 = arith.constant 0 : i32
      %dma_wait3A_84 = tpu.memref_slice %arg3[%dma_wait3A_82, %add3A_78, %dma_wait3A_83] : memref<2x6720x48xi32, #tpu.memory_space<hbm>> -> memref<2x1x48xi32, #tpu.memory_space<hbm>>
      %dma_wait3A_85 = tpu.memref_squeeze %dma_wait3A_84 : memref<2x1x48xi32, #tpu.memory_space<hbm>> -> memref<2x48xi32, #tpu.memory_space<hbm>>
      tpu.wait_dma2 semaphore(%arg18 : memref<!tpu.dma_semaphore, #tpu.memory_space<semaphore_mem>>) src(%dma_wait3A_85 : memref<2x48xi32, #tpu.memory_space<hbm>>) dst(%arg6 : memref<2x48xi32, #tpu.memory_space<vmem>>)
      %dma_start3A_86 = arith.constant 0 : i32
      %dma_start3A_87 = arith.constant 0 : i32
      %dma_start3A_88 = tpu.memref_slice %arg6[%dma_start3A_86, %dma_start3A_87] : memref<2x48xi32, #tpu.memory_space<vmem>> -> memref<1x48xi32, #tpu.memory_space<vmem>>
      %dma_start3A_89 = tpu.memref_squeeze %dma_start3A_88 : memref<1x48xi32, #tpu.memory_space<vmem>> -> memref<48xi32, #tpu.memory_space<vmem>>
      %dma_start3A_90 = arith.constant 0 : i32
      %dma_start3A_91 = arith.constant 0 : i32
      %dma_start3A_92 = tpu.memref_slice %arg2[%dma_start3A_90, %dma_start3A_91] : memref<10000x128xf32, #tpu.memory_space<hbm>> -> memref<10000x128xf32, #tpu.memory_space<hbm>>
      tpu.enqueue_indirect_dma source(%dma_start3A_92 : memref<10000x128xf32, #tpu.memory_space<hbm>>) target(%arg10 : memref<48x128xf32, #tpu.memory_space<vmem>>) offsets(%dma_start3A_89 : memref<48xi32, #tpu.memory_space<vmem>>) semaphore(%arg14 : memref<!tpu.dma_semaphore, #tpu.memory_space<semaphore_mem>>)
      %add3A_93 = arith.addi %select_n3A_8, %add3A_75 : i32
      %add3A_94 = arith.constant 1 : i32
      %add3A_95 = arith.addi %add3A_93, %add3A_94 : i32
      %dma_wait3A_96 = arith.constant 0 : i32
      %dma_wait3A_97 = arith.constant 0 : i32
      %dma_wait3A_98 = tpu.memref_slice %arg3[%dma_wait3A_96, %add3A_95, %dma_wait3A_97] : memref<2x6720x48xi32, #tpu.memory_space<hbm>> -> memref<2x1x48xi32, #tpu.memory_space<hbm>>
      %dma_wait3A_99 = tpu.memref_squeeze %dma_wait3A_98 : memref<2x1x48xi32, #tpu.memory_space<hbm>> -> memref<2x48xi32, #tpu.memory_space<hbm>>
      %dma_wait3A_100 = arith.constant 0 : i32
      %dma_wait3A_101 = arith.constant 0 : i32
      %dma_wait3A_102 = tpu.memref_slice %arg3[%dma_wait3A_100, %add3A_95, %dma_wait3A_101] : memref<2x6720x48xi32, #tpu.memory_space<hbm>> -> memref<2x1x48xi32, #tpu.memory_space<hbm>>
      %dma_wait3A_103 = tpu.memref_squeeze %dma_wait3A_102 : memref<2x1x48xi32, #tpu.memory_space<hbm>> -> memref<2x48xi32, #tpu.memory_space<hbm>>
      tpu.wait_dma2 semaphore(%arg19 : memref<!tpu.dma_semaphore, #tpu.memory_space<semaphore_mem>>) src(%dma_wait3A_103 : memref<2x48xi32, #tpu.memory_space<hbm>>) dst(%arg7 : memref<2x48xi32, #tpu.memory_space<vmem>>)
      %dma_start3A_104 = arith.constant 0 : i32
      %dma_start3A_105 = arith.constant 0 : i32
      %dma_start3A_106 = tpu.memref_slice %arg7[%dma_start3A_104, %dma_start3A_105] : memref<2x48xi32, #tpu.memory_space<vmem>> -> memref<1x48xi32, #tpu.memory_space<vmem>>
      %dma_start3A_107 = tpu.memref_squeeze %dma_start3A_106 : memref<1x48xi32, #tpu.memory_space<vmem>> -> memref<48xi32, #tpu.memory_space<vmem>>
      %dma_start3A_108 = arith.constant 0 : i32
      %dma_start3A_109 = arith.constant 0 : i32
      %dma_start3A_110 = tpu.memref_slice %arg2[%dma_start3A_108, %dma_start3A_109] : memref<10000x128xf32, #tpu.memory_space<hbm>> -> memref<10000x128xf32, #tpu.memory_space<hbm>>
      tpu.enqueue_indirect_dma source(%dma_start3A_110 : memref<10000x128xf32, #tpu.memory_space<hbm>>) target(%arg11 : memref<48x128xf32, #tpu.memory_space<vmem>>) offsets(%dma_start3A_107 : memref<48xi32, #tpu.memory_space<vmem>>) semaphore(%arg15 : memref<!tpu.dma_semaphore, #tpu.memory_space<semaphore_mem>>)
      %add3A_111 = arith.addi %select_n3A_8, %add3A_75 : i32
      %add3A_112 = arith.constant 2 : i32
      %add3A_113 = arith.addi %add3A_111, %add3A_112 : i32
      %dma_wait3A_114 = arith.constant 0 : i32
      %dma_wait3A_115 = arith.constant 0 : i32
      %dma_wait3A_116 = tpu.memref_slice %arg3[%dma_wait3A_114, %add3A_113, %dma_wait3A_115] : memref<2x6720x48xi32, #tpu.memory_space<hbm>> -> memref<2x1x48xi32, #tpu.memory_space<hbm>>
      %dma_wait3A_117 = tpu.memref_squeeze %dma_wait3A_116 : memref<2x1x48xi32, #tpu.memory_space<hbm>> -> memref<2x48xi32, #tpu.memory_space<hbm>>
      %dma_wait3A_118 = arith.constant 0 : i32
      %dma_wait3A_119 = arith.constant 0 : i32
      %dma_wait3A_120 = tpu.memref_slice %arg3[%dma_wait3A_118, %add3A_113, %dma_wait3A_119] : memref<2x6720x48xi32, #tpu.memory_space<hbm>> -> memref<2x1x48xi32, #tpu.memory_space<hbm>>
      %dma_wait3A_121 = tpu.memref_squeeze %dma_wait3A_120 : memref<2x1x48xi32, #tpu.memory_space<hbm>> -> memref<2x48xi32, #tpu.memory_space<hbm>>
      tpu.wait_dma2 semaphore(%arg20 : memref<!tpu.dma_semaphore, #tpu.memory_space<semaphore_mem>>) src(%dma_wait3A_121 : memref<2x48xi32, #tpu.memory_space<hbm>>) dst(%arg8 : memref<2x48xi32, #tpu.memory_space<vmem>>)
      %dma_start3A_122 = arith.constant 0 : i32
      %dma_start3A_123 = arith.constant 0 : i32
      %dma_start3A_124 = tpu.memref_slice %arg8[%dma_start3A_122, %dma_start3A_123] : memref<2x48xi32, #tpu.memory_space<vmem>> -> memref<1x48xi32, #tpu.memory_space<vmem>>
      %dma_start3A_125 = tpu.memref_squeeze %dma_start3A_124 : memref<1x48xi32, #tpu.memory_space<vmem>> -> memref<48xi32, #tpu.memory_space<vmem>>
      %dma_start3A_126 = arith.constant 0 : i32
      %dma_start3A_127 = arith.constant 0 : i32
      %dma_start3A_128 = tpu.memref_slice %arg2[%dma_start3A_126, %dma_start3A_127] : memref<10000x128xf32, #tpu.memory_space<hbm>> -> memref<10000x128xf32, #tpu.memory_space<hbm>>
      tpu.enqueue_indirect_dma source(%dma_start3A_128 : memref<10000x128xf32, #tpu.memory_space<hbm>>) target(%arg12 : memref<48x128xf32, #tpu.memory_space<vmem>>) offsets(%dma_start3A_125 : memref<48xi32, #tpu.memory_space<vmem>>) semaphore(%arg16 : memref<!tpu.dma_semaphore, #tpu.memory_space<semaphore_mem>>)
      %add3A_129 = arith.addi %select_n3A_8, %add3A_75 : i32
      %add3A_130 = arith.constant 3 : i32
      %add3A_131 = arith.addi %add3A_129, %add3A_130 : i32
      %dma_wait3A_132 = arith.constant 0 : i32
      %dma_wait3A_133 = arith.constant 0 : i32
      %dma_wait3A_134 = tpu.memref_slice %arg3[%dma_wait3A_132, %add3A_131, %dma_wait3A_133] : memref<2x6720x48xi32, #tpu.memory_space<hbm>> -> memref<2x1x48xi32, #tpu.memory_space<hbm>>
      %dma_wait3A_135 = tpu.memref_squeeze %dma_wait3A_134 : memref<2x1x48xi32, #tpu.memory_space<hbm>> -> memref<2x48xi32, #tpu.memory_space<hbm>>
      %dma_wait3A_136 = arith.constant 0 : i32
      %dma_wait3A_137 = arith.constant 0 : i32
      %dma_wait3A_138 = tpu.memref_slice %arg3[%dma_wait3A_136, %add3A_131, %dma_wait3A_137] : memref<2x6720x48xi32, #tpu.memory_space<hbm>> -> memref<2x1x48xi32, #tpu.memory_space<hbm>>
      %dma_wait3A_139 = tpu.memref_squeeze %dma_wait3A_138 : memref<2x1x48xi32, #tpu.memory_space<hbm>> -> memref<2x48xi32, #tpu.memory_space<hbm>>
      tpu.wait_dma2 semaphore(%arg21 : memref<!tpu.dma_semaphore, #tpu.memory_space<semaphore_mem>>) src(%dma_wait3A_139 : memref<2x48xi32, #tpu.memory_space<hbm>>) dst(%arg9 : memref<2x48xi32, #tpu.memory_space<vmem>>)
      %dma_start3A_140 = arith.constant 0 : i32
      %dma_start3A_141 = arith.constant 0 : i32
      %dma_start3A_142 = tpu.memref_slice %arg9[%dma_start3A_140, %dma_start3A_141] : memref<2x48xi32, #tpu.memory_space<vmem>> -> memref<1x48xi32, #tpu.memory_space<vmem>>
      %dma_start3A_143 = tpu.memref_squeeze %dma_start3A_142 : memref<1x48xi32, #tpu.memory_space<vmem>> -> memref<48xi32, #tpu.memory_space<vmem>>
      %dma_start3A_144 = arith.constant 0 : i32
      %dma_start3A_145 = arith.constant 0 : i32
      %dma_start3A_146 = tpu.memref_slice %arg2[%dma_start3A_144, %dma_start3A_145] : memref<10000x128xf32, #tpu.memory_space<hbm>> -> memref<10000x128xf32, #tpu.memory_space<hbm>>
      tpu.enqueue_indirect_dma source(%dma_start3A_146 : memref<10000x128xf32, #tpu.memory_space<hbm>>) target(%arg13 : memref<48x128xf32, #tpu.memory_space<vmem>>) offsets(%dma_start3A_143 : memref<48xi32, #tpu.memory_space<vmem>>) semaphore(%arg17 : memref<!tpu.dma_semaphore, #tpu.memory_space<semaphore_mem>>)
      %dma_wait3A_147 = arith.constant 0 : i32
      %dma_wait3A_148 = arith.constant 0 : i32
      %dma_wait3A_149 = tpu.memref_slice %arg6[%dma_wait3A_147, %dma_wait3A_148] : memref<2x48xi32, #tpu.memory_space<vmem>> -> memref<1x48xi32, #tpu.memory_space<vmem>>
      %dma_wait3A_150 = tpu.memref_squeeze %dma_wait3A_149 : memref<1x48xi32, #tpu.memory_space<vmem>> -> memref<48xi32, #tpu.memory_space<vmem>>
      %dma_wait3A_151 = arith.constant 0 : i32
      %dma_wait3A_152 = arith.constant 0 : i32
      %dma_wait3A_153 = tpu.memref_slice %arg2[%dma_wait3A_151, %dma_wait3A_152] : memref<10000x128xf32, #tpu.memory_space<hbm>> -> memref<10000x128xf32, #tpu.memory_space<hbm>>
      tpu.wait_indirect_dma semaphore(%arg14 : memref<!tpu.dma_semaphore, #tpu.memory_space<semaphore_mem>>) src(%dma_wait3A_153 : memref<10000x128xf32, #tpu.memory_space<hbm>>) dst(%arg10 : memref<48x128xf32, #tpu.memory_space<vmem>>)
      %run_scoped3A = arith.constant 1 : i32
      "tpu.region"() ({
        %run_scoped3A_207 = tpu.sem_alloc : memref<!tpu.dma_semaphore, #tpu.memory_space<semaphore_mem>>
        %dma_start3A_208 = arith.constant 0 : i32
        %dma_start3A_209 = tpu.memref_slice %arg6[%run_scoped3A, %dma_start3A_208] : memref<2x48xi32, #tpu.memory_space<vmem>> -> memref<1x48xi32, #tpu.memory_space<vmem>>
        %dma_start3A_210 = tpu.memref_squeeze %dma_start3A_209 : memref<1x48xi32, #tpu.memory_space<vmem>> -> memref<48xi32, #tpu.memory_space<vmem>>
        %dma_start3A_211 = arith.constant 0 : i32
        %dma_start3A_212 = arith.constant 0 : i32
        %dma_start3A_213 = tpu.memref_slice %arg22[%dma_start3A_211, %dma_start3A_212] : memref<10112x128xf32, #tpu.memory_space<vmem_shared>> -> memref<10112x128xf32, #tpu.memory_space<vmem_shared>>
        tpu.enqueue_indirect_dma source(%arg10 : memref<48x128xf32, #tpu.memory_space<vmem>>) target(%dma_start3A_213 : memref<10112x128xf32, #tpu.memory_space<vmem_shared>>) offsets(%dma_start3A_210 : memref<48xi32, #tpu.memory_space<vmem>>) semaphore(%run_scoped3A_207 : memref<!tpu.dma_semaphore, #tpu.memory_space<semaphore_mem>>) {add = true}
        %dma_wait3A_214 = arith.constant 0 : i32
        %dma_wait3A_215 = tpu.memref_slice %arg6[%run_scoped3A, %dma_wait3A_214] : memref<2x48xi32, #tpu.memory_space<vmem>> -> memref<1x48xi32, #tpu.memory_space<vmem>>
        %dma_wait3A_216 = tpu.memref_squeeze %dma_wait3A_215 : memref<1x48xi32, #tpu.memory_space<vmem>> -> memref<48xi32, #tpu.memory_space<vmem>>
        %dma_wait3A_217 = arith.constant 0 : i32
        %dma_wait3A_218 = arith.constant 0 : i32
        %dma_wait3A_219 = tpu.memref_slice %arg22[%dma_wait3A_217, %dma_wait3A_218] : memref<10112x128xf32, #tpu.memory_space<vmem_shared>> -> memref<10112x128xf32, #tpu.memory_space<vmem_shared>>
        tpu.wait_indirect_dma semaphore(%run_scoped3A_207 : memref<!tpu.dma_semaphore, #tpu.memory_space<semaphore_mem>>) src(%arg10 : memref<48x128xf32, #tpu.memory_space<vmem>>) dst(%dma_wait3A_219 : memref<10112x128xf32, #tpu.memory_space<vmem_shared>>)
        tpu.yield
      }) : () -> ()
      %add3A_154 = arith.constant 0 : i32
      %add3A_155 = arith.addi %add3A_75, %add3A_154 : i32
      %add3A_156 = arith.constant 4 : i32
      %add3A_157 = arith.addi %add3A_155, %add3A_156 : i32
      %lt3A = arith.cmpi slt, %add3A_157, %select_n3A : i32
      %convert_element_type3A = arith.extui %lt3A : i1 to i32
      %cond3A = arith.constant 0 : i32
      %cond3A_158 = arith.cmpi ne, %convert_element_type3A, %cond3A : i32
      scf.if %cond3A_158 {
        %add3A_207 = arith.addi %select_n3A_8, %add3A_75 : i32
        %add3A_208 = arith.constant 0 : i32
        %add3A_209 = arith.addi %add3A_207, %add3A_208 : i32
        %add3A_210 = arith.constant 4 : i32
        %add3A_211 = arith.addi %add3A_209, %add3A_210 : i32
        %dma_start3A_212 = arith.constant 0 : i32
        %dma_start3A_213 = arith.constant 0 : i32
        %dma_start3A_214 = tpu.memref_slice %arg3[%dma_start3A_212, %add3A_211, %dma_start3A_213] : memref<2x6720x48xi32, #tpu.memory_space<hbm>> -> memref<2x1x48xi32, #tpu.memory_space<hbm>>
        %dma_start3A_215 = tpu.memref_squeeze %dma_start3A_214 : memref<2x1x48xi32, #tpu.memory_space<hbm>> -> memref<2x48xi32, #tpu.memory_space<hbm>>
        %dma_start3A_216 = arith.constant 0 : i32
        %dma_start3A_217 = arith.constant 0 : i32
        %dma_start3A_218 = tpu.memref_slice %arg3[%dma_start3A_216, %add3A_211, %dma_start3A_217] : memref<2x6720x48xi32, #tpu.memory_space<hbm>> -> memref<2x1x48xi32, #tpu.memory_space<hbm>>
        %dma_start3A_219 = tpu.memref_squeeze %dma_start3A_218 : memref<2x1x48xi32, #tpu.memory_space<hbm>> -> memref<2x48xi32, #tpu.memory_space<hbm>>
        tpu.enqueue_dma source(%dma_start3A_219 : memref<2x48xi32, #tpu.memory_space<hbm>>) target(%arg6 : memref<2x48xi32, #tpu.memory_space<vmem>>) target_semaphore(%arg18 : memref<!tpu.dma_semaphore, #tpu.memory_space<semaphore_mem>>)
      } else {
      }
      %dma_wait3A_159 = arith.constant 0 : i32
      %dma_wait3A_160 = arith.constant 0 : i32
      %dma_wait3A_161 = tpu.memref_slice %arg7[%dma_wait3A_159, %dma_wait3A_160] : memref<2x48xi32, #tpu.memory_space<vmem>> -> memref<1x48xi32, #tpu.memory_space<vmem>>
      %dma_wait3A_162 = tpu.memref_squeeze %dma_wait3A_161 : memref<1x48xi32, #tpu.memory_space<vmem>> -> memref<48xi32, #tpu.memory_space<vmem>>
      %dma_wait3A_163 = arith.constant 0 : i32
      %dma_wait3A_164 = arith.constant 0 : i32
      %dma_wait3A_165 = tpu.memref_slice %arg2[%dma_wait3A_163, %dma_wait3A_164] : memref<10000x128xf32, #tpu.memory_space<hbm>> -> memref<10000x128xf32, #tpu.memory_space<hbm>>
      tpu.wait_indirect_dma semaphore(%arg15 : memref<!tpu.dma_semaphore, #tpu.memory_space<semaphore_mem>>) src(%dma_wait3A_165 : memref<10000x128xf32, #tpu.memory_space<hbm>>) dst(%arg11 : memref<48x128xf32, #tpu.memory_space<vmem>>)
      %run_scoped3A_166 = arith.constant 1 : i32
      "tpu.region"() ({
        %run_scoped3A_207 = tpu.sem_alloc : memref<!tpu.dma_semaphore, #tpu.memory_space<semaphore_mem>>
        %dma_start3A_208 = arith.constant 0 : i32
        %dma_start3A_209 = tpu.memref_slice %arg7[%run_scoped3A_166, %dma_start3A_208] : memref<2x48xi32, #tpu.memory_space<vmem>> -> memref<1x48xi32, #tpu.memory_space<vmem>>
        %dma_start3A_210 = tpu.memref_squeeze %dma_start3A_209 : memref<1x48xi32, #tpu.memory_space<vmem>> -> memref<48xi32, #tpu.memory_space<vmem>>
        %dma_start3A_211 = arith.constant 0 : i32
        %dma_start3A_212 = arith.constant 0 : i32
        %dma_start3A_213 = tpu.memref_slice %arg22[%dma_start3A_211, %dma_start3A_212] : memref<10112x128xf32, #tpu.memory_space<vmem_shared>> -> memref<10112x128xf32, #tpu.memory_space<vmem_shared>>
        tpu.enqueue_indirect_dma source(%arg11 : memref<48x128xf32, #tpu.memory_space<vmem>>) target(%dma_start3A_213 : memref<10112x128xf32, #tpu.memory_space<vmem_shared>>) offsets(%dma_start3A_210 : memref<48xi32, #tpu.memory_space<vmem>>) semaphore(%run_scoped3A_207 : memref<!tpu.dma_semaphore, #tpu.memory_space<semaphore_mem>>) {add = true}
        %dma_wait3A_214 = arith.constant 0 : i32
        %dma_wait3A_215 = tpu.memref_slice %arg7[%run_scoped3A_166, %dma_wait3A_214] : memref<2x48xi32, #tpu.memory_space<vmem>> -> memref<1x48xi32, #tpu.memory_space<vmem>>
        %dma_wait3A_216 = tpu.memref_squeeze %dma_wait3A_215 : memref<1x48xi32, #tpu.memory_space<vmem>> -> memref<48xi32, #tpu.memory_space<vmem>>
        %dma_wait3A_217 = arith.constant 0 : i32
        %dma_wait3A_218 = arith.constant 0 : i32
        %dma_wait3A_219 = tpu.memref_slice %arg22[%dma_wait3A_217, %dma_wait3A_218] : memref<10112x128xf32, #tpu.memory_space<vmem_shared>> -> memref<10112x128xf32, #tpu.memory_space<vmem_shared>>
        tpu.wait_indirect_dma semaphore(%run_scoped3A_207 : memref<!tpu.dma_semaphore, #tpu.memory_space<semaphore_mem>>) src(%arg11 : memref<48x128xf32, #tpu.memory_space<vmem>>) dst(%dma_wait3A_219 : memref<10112x128xf32, #tpu.memory_space<vmem_shared>>)
        tpu.yield
      }) : () -> ()
      %add3A_167 = arith.constant 1 : i32
      %add3A_168 = arith.addi %add3A_75, %add3A_167 : i32
      %add3A_169 = arith.constant 4 : i32
      %add3A_170 = arith.addi %add3A_168, %add3A_169 : i32
      %lt3A_171 = arith.cmpi slt, %add3A_170, %select_n3A : i32
      %convert_element_type3A_172 = arith.extui %lt3A_171 : i1 to i32
      %cond3A_173 = arith.constant 0 : i32
      %cond3A_174 = arith.cmpi ne, %convert_element_type3A_172, %cond3A_173 : i32
      scf.if %cond3A_174 {
        %add3A_207 = arith.addi %select_n3A_8, %add3A_75 : i32
        %add3A_208 = arith.constant 1 : i32
        %add3A_209 = arith.addi %add3A_207, %add3A_208 : i32
        %add3A_210 = arith.constant 4 : i32
        %add3A_211 = arith.addi %add3A_209, %add3A_210 : i32
        %dma_start3A_212 = arith.constant 0 : i32
        %dma_start3A_213 = arith.constant 0 : i32
        %dma_start3A_214 = tpu.memref_slice %arg3[%dma_start3A_212, %add3A_211, %dma_start3A_213] : memref<2x6720x48xi32, #tpu.memory_space<hbm>> -> memref<2x1x48xi32, #tpu.memory_space<hbm>>
        %dma_start3A_215 = tpu.memref_squeeze %dma_start3A_214 : memref<2x1x48xi32, #tpu.memory_space<hbm>> -> memref<2x48xi32, #tpu.memory_space<hbm>>
        %dma_start3A_216 = arith.constant 0 : i32
        %dma_start3A_217 = arith.constant 0 : i32
        %dma_start3A_218 = tpu.memref_slice %arg3[%dma_start3A_216, %add3A_211, %dma_start3A_217] : memref<2x6720x48xi32, #tpu.memory_space<hbm>> -> memref<2x1x48xi32, #tpu.memory_space<hbm>>
        %dma_start3A_219 = tpu.memref_squeeze %dma_start3A_218 : memref<2x1x48xi32, #tpu.memory_space<hbm>> -> memref<2x48xi32, #tpu.memory_space<hbm>>
        tpu.enqueue_dma source(%dma_start3A_219 : memref<2x48xi32, #tpu.memory_space<hbm>>) target(%arg7 : memref<2x48xi32, #tpu.memory_space<vmem>>) target_semaphore(%arg19 : memref<!tpu.dma_semaphore, #tpu.memory_space<semaphore_mem>>)
      } else {
      }
      %dma_wait3A_175 = arith.constant 0 : i32
      %dma_wait3A_176 = arith.constant 0 : i32
      %dma_wait3A_177 = tpu.memref_slice %arg8[%dma_wait3A_175, %dma_wait3A_176] : memref<2x48xi32, #tpu.memory_space<vmem>> -> memref<1x48xi32, #tpu.memory_space<vmem>>
      %dma_wait3A_178 = tpu.memref_squeeze %dma_wait3A_177 : memref<1x48xi32, #tpu.memory_space<vmem>> -> memref<48xi32, #tpu.memory_space<vmem>>
      %dma_wait3A_179 = arith.constant 0 : i32
      %dma_wait3A_180 = arith.constant 0 : i32
      %dma_wait3A_181 = tpu.memref_slice %arg2[%dma_wait3A_179, %dma_wait3A_180] : memref<10000x128xf32, #tpu.memory_space<hbm>> -> memref<10000x128xf32, #tpu.memory_space<hbm>>
      tpu.wait_indirect_dma semaphore(%arg16 : memref<!tpu.dma_semaphore, #tpu.memory_space<semaphore_mem>>) src(%dma_wait3A_181 : memref<10000x128xf32, #tpu.memory_space<hbm>>) dst(%arg12 : memref<48x128xf32, #tpu.memory_space<vmem>>)
      %run_scoped3A_182 = arith.constant 1 : i32
      "tpu.region"() ({
        %run_scoped3A_207 = tpu.sem_alloc : memref<!tpu.dma_semaphore, #tpu.memory_space<semaphore_mem>>
        %dma_start3A_208 = arith.constant 0 : i32
        %dma_start3A_209 = tpu.memref_slice %arg8[%run_scoped3A_182, %dma_start3A_208] : memref<2x48xi32, #tpu.memory_space<vmem>> -> memref<1x48xi32, #tpu.memory_space<vmem>>
        %dma_start3A_210 = tpu.memref_squeeze %dma_start3A_209 : memref<1x48xi32, #tpu.memory_space<vmem>> -> memref<48xi32, #tpu.memory_space<vmem>>
        %dma_start3A_211 = arith.constant 0 : i32
        %dma_start3A_212 = arith.constant 0 : i32
        %dma_start3A_213 = tpu.memref_slice %arg22[%dma_start3A_211, %dma_start3A_212] : memref<10112x128xf32, #tpu.memory_space<vmem_shared>> -> memref<10112x128xf32, #tpu.memory_space<vmem_shared>>
        tpu.enqueue_indirect_dma source(%arg12 : memref<48x128xf32, #tpu.memory_space<vmem>>) target(%dma_start3A_213 : memref<10112x128xf32, #tpu.memory_space<vmem_shared>>) offsets(%dma_start3A_210 : memref<48xi32, #tpu.memory_space<vmem>>) semaphore(%run_scoped3A_207 : memref<!tpu.dma_semaphore, #tpu.memory_space<semaphore_mem>>) {add = true}
        %dma_wait3A_214 = arith.constant 0 : i32
        %dma_wait3A_215 = tpu.memref_slice %arg8[%run_scoped3A_182, %dma_wait3A_214] : memref<2x48xi32, #tpu.memory_space<vmem>> -> memref<1x48xi32, #tpu.memory_space<vmem>>
        %dma_wait3A_216 = tpu.memref_squeeze %dma_wait3A_215 : memref<1x48xi32, #tpu.memory_space<vmem>> -> memref<48xi32, #tpu.memory_space<vmem>>
        %dma_wait3A_217 = arith.constant 0 : i32
        %dma_wait3A_218 = arith.constant 0 : i32
        %dma_wait3A_219 = tpu.memref_slice %arg22[%dma_wait3A_217, %dma_wait3A_218] : memref<10112x128xf32, #tpu.memory_space<vmem_shared>> -> memref<10112x128xf32, #tpu.memory_space<vmem_shared>>
        tpu.wait_indirect_dma semaphore(%run_scoped3A_207 : memref<!tpu.dma_semaphore, #tpu.memory_space<semaphore_mem>>) src(%arg12 : memref<48x128xf32, #tpu.memory_space<vmem>>) dst(%dma_wait3A_219 : memref<10112x128xf32, #tpu.memory_space<vmem_shared>>)
        tpu.yield
      }) : () -> ()
      %add3A_183 = arith.constant 2 : i32
      %add3A_184 = arith.addi %add3A_75, %add3A_183 : i32
      %add3A_185 = arith.constant 4 : i32
      %add3A_186 = arith.addi %add3A_184, %add3A_185 : i32
      %lt3A_187 = arith.cmpi slt, %add3A_186, %select_n3A : i32
      %convert_element_type3A_188 = arith.extui %lt3A_187 : i1 to i32
      %cond3A_189 = arith.constant 0 : i32
      %cond3A_190 = arith.cmpi ne, %convert_element_type3A_188, %cond3A_189 : i32
      scf.if %cond3A_190 {
        %add3A_207 = arith.addi %select_n3A_8, %add3A_75 : i32
        %add3A_208 = arith.constant 2 : i32
        %add3A_209 = arith.addi %add3A_207, %add3A_208 : i32
        %add3A_210 = arith.constant 4 : i32
        %add3A_211 = arith.addi %add3A_209, %add3A_210 : i32
        %dma_start3A_212 = arith.constant 0 : i32
        %dma_start3A_213 = arith.constant 0 : i32
        %dma_start3A_214 = tpu.memref_slice %arg3[%dma_start3A_212, %add3A_211, %dma_start3A_213] : memref<2x6720x48xi32, #tpu.memory_space<hbm>> -> memref<2x1x48xi32, #tpu.memory_space<hbm>>
        %dma_start3A_215 = tpu.memref_squeeze %dma_start3A_214 : memref<2x1x48xi32, #tpu.memory_space<hbm>> -> memref<2x48xi32, #tpu.memory_space<hbm>>
        %dma_start3A_216 = arith.constant 0 : i32
        %dma_start3A_217 = arith.constant 0 : i32
        %dma_start3A_218 = tpu.memref_slice %arg3[%dma_start3A_216, %add3A_211, %dma_start3A_217] : memref<2x6720x48xi32, #tpu.memory_space<hbm>> -> memref<2x1x48xi32, #tpu.memory_space<hbm>>
        %dma_start3A_219 = tpu.memref_squeeze %dma_start3A_218 : memref<2x1x48xi32, #tpu.memory_space<hbm>> -> memref<2x48xi32, #tpu.memory_space<hbm>>
        tpu.enqueue_dma source(%dma_start3A_219 : memref<2x48xi32, #tpu.memory_space<hbm>>) target(%arg8 : memref<2x48xi32, #tpu.memory_space<vmem>>) target_semaphore(%arg20 : memref<!tpu.dma_semaphore, #tpu.memory_space<semaphore_mem>>)
      } else {
      }
      %dma_wait3A_191 = arith.constant 0 : i32
      %dma_wait3A_192 = arith.constant 0 : i32
      %dma_wait3A_193 = tpu.memref_slice %arg9[%dma_wait3A_191, %dma_wait3A_192] : memref<2x48xi32, #tpu.memory_space<vmem>> -> memref<1x48xi32, #tpu.memory_space<vmem>>
      %dma_wait3A_194 = tpu.memref_squeeze %dma_wait3A_193 : memref<1x48xi32, #tpu.memory_space<vmem>> -> memref<48xi32, #tpu.memory_space<vmem>>
      %dma_wait3A_195 = arith.constant 0 : i32
      %dma_wait3A_196 = arith.constant 0 : i32
      %dma_wait3A_197 = tpu.memref_slice %arg2[%dma_wait3A_195, %dma_wait3A_196] : memref<10000x128xf32, #tpu.memory_space<hbm>> -> memref<10000x128xf32, #tpu.memory_space<hbm>>
      tpu.wait_indirect_dma semaphore(%arg17 : memref<!tpu.dma_semaphore, #tpu.memory_space<semaphore_mem>>) src(%dma_wait3A_197 : memref<10000x128xf32, #tpu.memory_space<hbm>>) dst(%arg13 : memref<48x128xf32, #tpu.memory_space<vmem>>)
      %run_scoped3A_198 = arith.constant 1 : i32
      "tpu.region"() ({
        %run_scoped3A_207 = tpu.sem_alloc : memref<!tpu.dma_semaphore, #tpu.memory_space<semaphore_mem>>
        %dma_start3A_208 = arith.constant 0 : i32
        %dma_start3A_209 = tpu.memref_slice %arg9[%run_scoped3A_198, %dma_start3A_208] : memref<2x48xi32, #tpu.memory_space<vmem>> -> memref<1x48xi32, #tpu.memory_space<vmem>>
        %dma_start3A_210 = tpu.memref_squeeze %dma_start3A_209 : memref<1x48xi32, #tpu.memory_space<vmem>> -> memref<48xi32, #tpu.memory_space<vmem>>
        %dma_start3A_211 = arith.constant 0 : i32
        %dma_start3A_212 = arith.constant 0 : i32
        %dma_start3A_213 = tpu.memref_slice %arg22[%dma_start3A_211, %dma_start3A_212] : memref<10112x128xf32, #tpu.memory_space<vmem_shared>> -> memref<10112x128xf32, #tpu.memory_space<vmem_shared>>
        tpu.enqueue_indirect_dma source(%arg13 : memref<48x128xf32, #tpu.memory_space<vmem>>) target(%dma_start3A_213 : memref<10112x128xf32, #tpu.memory_space<vmem_shared>>) offsets(%dma_start3A_210 : memref<48xi32, #tpu.memory_space<vmem>>) semaphore(%run_scoped3A_207 : memref<!tpu.dma_semaphore, #tpu.memory_space<semaphore_mem>>) {add = true}
        %dma_wait3A_214 = arith.constant 0 : i32
        %dma_wait3A_215 = tpu.memref_slice %arg9[%run_scoped3A_198, %dma_wait3A_214] : memref<2x48xi32, #tpu.memory_space<vmem>> -> memref<1x48xi32, #tpu.memory_space<vmem>>
        %dma_wait3A_216 = tpu.memref_squeeze %dma_wait3A_215 : memref<1x48xi32, #tpu.memory_space<vmem>> -> memref<48xi32, #tpu.memory_space<vmem>>
        %dma_wait3A_217 = arith.constant 0 : i32
        %dma_wait3A_218 = arith.constant 0 : i32
        %dma_wait3A_219 = tpu.memref_slice %arg22[%dma_wait3A_217, %dma_wait3A_218] : memref<10112x128xf32, #tpu.memory_space<vmem_shared>> -> memref<10112x128xf32, #tpu.memory_space<vmem_shared>>
        tpu.wait_indirect_dma semaphore(%run_scoped3A_207 : memref<!tpu.dma_semaphore, #tpu.memory_space<semaphore_mem>>) src(%arg13 : memref<48x128xf32, #tpu.memory_space<vmem>>) dst(%dma_wait3A_219 : memref<10112x128xf32, #tpu.memory_space<vmem_shared>>)
        tpu.yield
      }) : () -> ()
      %add3A_199 = arith.constant 3 : i32
      %add3A_200 = arith.addi %add3A_75, %add3A_199 : i32
      %add3A_201 = arith.constant 4 : i32
      %add3A_202 = arith.addi %add3A_200, %add3A_201 : i32
      %lt3A_203 = arith.cmpi slt, %add3A_202, %select_n3A : i32
      %convert_element_type3A_204 = arith.extui %lt3A_203 : i1 to i32
      %cond3A_205 = arith.constant 0 : i32
      %cond3A_206 = arith.cmpi ne, %convert_element_type3A_204, %cond3A_205 : i32
      scf.if %cond3A_206 {
        %add3A_207 = arith.addi %select_n3A_8, %add3A_75 : i32
        %add3A_208 = arith.constant 3 : i32
        %add3A_209 = arith.addi %add3A_207, %add3A_208 : i32
        %add3A_210 = arith.constant 4 : i32
        %add3A_211 = arith.addi %add3A_209, %add3A_210 : i32
        %dma_start3A_212 = arith.constant 0 : i32
        %dma_start3A_213 = arith.constant 0 : i32
        %dma_start3A_214 = tpu.memref_slice %arg3[%dma_start3A_212, %add3A_211, %dma_start3A_213] : memref<2x6720x48xi32, #tpu.memory_space<hbm>> -> memref<2x1x48xi32, #tpu.memory_space<hbm>>
        %dma_start3A_215 = tpu.memref_squeeze %dma_start3A_214 : memref<2x1x48xi32, #tpu.memory_space<hbm>> -> memref<2x48xi32, #tpu.memory_space<hbm>>
        %dma_start3A_216 = arith.constant 0 : i32
        %dma_start3A_217 = arith.constant 0 : i32
        %dma_start3A_218 = tpu.memref_slice %arg3[%dma_start3A_216, %add3A_211, %dma_start3A_217] : memref<2x6720x48xi32, #tpu.memory_space<hbm>> -> memref<2x1x48xi32, #tpu.memory_space<hbm>>
        %dma_start3A_219 = tpu.memref_squeeze %dma_start3A_218 : memref<2x1x48xi32, #tpu.memory_space<hbm>> -> memref<2x48xi32, #tpu.memory_space<hbm>>
        tpu.enqueue_dma source(%dma_start3A_219 : memref<2x48xi32, #tpu.memory_space<hbm>>) target(%arg9 : memref<2x48xi32, #tpu.memory_space<vmem>>) target_semaphore(%arg21 : memref<!tpu.dma_semaphore, #tpu.memory_space<semaphore_mem>>)
      } else {
      }
    }
    %barrier3A_68 = arith.constant 0 : index
    tpu.barrier barrier_id(%barrier3A_68)
    %mul3A_69 = arith.constant 632 : i32
    %mul3A_70 = arith.muli %arg1, %mul3A_69 : i32
    %mul3A_71 = arith.constant 632 : i32
    %mul3A_72 = arith.muli %arg1, %mul3A_71 : i32
    "tpu.region"() ({
      %run_scoped3A = tpu.sem_alloc : memref<!tpu.dma_semaphore, #tpu.memory_space<semaphore_mem>>
      %dma_start3A_73 = arith.constant 0 : i32
      %dma_start3A_74 = tpu.memref_slice %arg5[%arg0, %mul3A_72, %dma_start3A_73] : memref<2x10112x128xf32, #tpu.memory_space<hbm>> -> memref<1x632x128xf32, #tpu.memory_space<hbm>>
      %dma_start3A_75 = tpu.memref_squeeze %dma_start3A_74 : memref<1x632x128xf32, #tpu.memory_space<hbm>> -> memref<632x128xf32, #tpu.memory_space<hbm>>
      %dma_start3A_76 = arith.constant 0 : i32
      %dma_start3A_77 = tpu.memref_slice %arg22[%mul3A_70, %dma_start3A_76] : memref<10112x128xf32, #tpu.memory_space<vmem_shared>> -> memref<632x128xf32, #tpu.memory_space<vmem_shared>>
      tpu.enqueue_dma source(%dma_start3A_77 : memref<632x128xf32, #tpu.memory_space<vmem_shared>>) target(%dma_start3A_75 : memref<632x128xf32, #tpu.memory_space<hbm>>) target_semaphore(%run_scoped3A : memref<!tpu.dma_semaphore, #tpu.memory_space<semaphore_mem>>)
      %dma_wait3A = arith.constant 0 : i32
      %dma_wait3A_78 = tpu.memref_slice %arg5[%arg0, %mul3A_72, %dma_wait3A] : memref<2x10112x128xf32, #tpu.memory_space<hbm>> -> memref<1x632x128xf32, #tpu.memory_space<hbm>>
      %dma_wait3A_79 = tpu.memref_squeeze %dma_wait3A_78 : memref<1x632x128xf32, #tpu.memory_space<hbm>> -> memref<632x128xf32, #tpu.memory_space<hbm>>
      %dma_wait3A_80 = arith.constant 0 : i32
      %dma_wait3A_81 = tpu.memref_slice %arg22[%mul3A_70, %dma_wait3A_80] : memref<10112x128xf32, #tpu.memory_space<vmem_shared>> -> memref<632x128xf32, #tpu.memory_space<vmem_shared>>
      tpu.wait_dma2 semaphore(%run_scoped3A : memref<!tpu.dma_semaphore, #tpu.memory_space<semaphore_mem>>) src(%dma_wait3A_81 : memref<632x128xf32, #tpu.memory_space<vmem_shared>>) dst(%dma_wait3A_79 : memref<632x128xf32, #tpu.memory_space<hbm>>)
      tpu.yield
    }) : () -> ()
    return
  }
}

module attributes {stable_mosaic.version = 14 : i64} {
  func.func @_mm1_body(%arg0: i32, %arg1: memref<1000x128xf32, #tpu.memory_space<vmem>>, %arg2: memref<128x128xf32, #tpu.memory_space<vmem>>, %arg3: memref<2x1000x128xf32, #tpu.memory_space<vmem>>, %arg4: memref<1000x128xf32, #tpu.memory_space<vmem>>) attributes {dimension_semantics = [#tpu.dimension_semantics<arbitrary>], iteration_bounds = array<i64: 10>, scalar_prefetch = 0 : i64, scratch_operands = 0 : i64, tpu.core_type = #tpu.core_type<tc>, window_params = [{transform_indices = @transform_0, window_bounds = array<i64: 1000, 128>}, {pipeline_mode = #tpu.pipeline_mode<synchronous>, transform_indices = @transform_1, window_bounds = array<i64: 128, 128>}, {transform_indices = @transform_2, window_bounds = array<i64: 2, 1000, 128>}, {transform_indices = @transform_3, window_bounds = array<i64: 1000, 128>}]} {
    %get3A = arith.constant 0 : index
    %get3A_0 = arith.constant 0 : index
    %get3A_1 = arith.constant 0 : index
    %get3A_2 = vector.load %arg3[%get3A, %get3A_0, %get3A_1] : memref<2x1000x128xf32, #tpu.memory_space<vmem>>, vector<2x1000x128xf32>
    %slice3A = vector.extract_strided_slice %get3A_2 {offsets = [0, 0, 0], sizes = [1, 1000, 1], strides = [1, 1, 1]} : vector<2x1000x128xf32> to vector<1x1000x1xf32>
    %squeeze3A = vector.shape_cast %slice3A : vector<1x1000x1xf32> to vector<1000x1xf32>
    %slice3A_3 = vector.extract_strided_slice %get3A_2 {offsets = [1, 0, 0], sizes = [1, 1000, 1], strides = [1, 1, 1]} : vector<2x1000x128xf32> to vector<1x1000x1xf32>
    %squeeze3A_4 = vector.shape_cast %slice3A_3 : vector<1x1000x1xf32> to vector<1000x1xf32>
    %add3A = arith.addf %squeeze3A, %squeeze3A_4 : vector<1000x1xf32>
    %add3A_5 = arith.constant 1.000000e+00 : f32
    %add3A_6 = vector.broadcast %add3A_5 : f32 to vector<1000x1xf32>
    %add3A_7 = arith.addf %add3A, %add3A_6 : vector<1000x1xf32>
    %rsqrt3A = math.rsqrt %add3A_7 : vector<1000x1xf32>
    %get3A_8 = arith.constant 0 : index
    %get3A_9 = arith.constant 0 : index
    %get3A_10 = vector.load %arg1[%get3A_8, %get3A_9] : memref<1000x128xf32, #tpu.memory_space<vmem>>, vector<1000x128xf32>
    %get3A_11 = arith.constant 0 : index
    %get3A_12 = arith.constant 0 : index
    %get3A_13 = vector.load %arg2[%get3A_11, %get3A_12] : memref<128x128xf32, #tpu.memory_space<vmem>>, vector<128x128xf32>
    %dot_general3A = arith.constant dense<0.000000e+00> : vector<1000x128xf32>
    %dot_general3A_14 = tpu.matmul %get3A_10, %get3A_13, %dot_general3A {dimension_numbers = #tpu.dot_dimension_numbers<[1], [0], [0], [1], [0, 0, 1, 1], [], []>, transpose_lhs_hint = false} : vector<1000x128xf32>, vector<128x128xf32>, vector<1000x128xf32> -> vector<1000x128xf32>
    %mul3A = vector.broadcast %rsqrt3A : vector<1000x1xf32> to vector<1000x128xf32>
    %mul3A_15 = arith.mulf %dot_general3A_14, %mul3A : vector<1000x128xf32>
    %swap3A = arith.constant 0 : index
    %swap3A_16 = arith.constant 0 : index
    %swap3A_17 = vector.load %arg4[%swap3A, %swap3A_16] : memref<1000x128xf32, #tpu.memory_space<vmem>>, vector<1000x128xf32>
    tpu.vector_store %arg4[%swap3A, %swap3A_16], %mul3A_15 {strides = array<i32>} : memref<1000x128xf32, #tpu.memory_space<vmem>>, vector<1000x128xf32>,
    return
  }
  func.func @transform_0(%arg0: i32) -> (i32, i32) {
    %c0_i32 = arith.constant 0 : i32
    %c0_i32_0 = arith.constant 0 : i32
    return %arg0, %c0_i32 : i32, i32
  }
  func.func @transform_1(%arg0: i32) -> (i32, i32) {
    %c0_i32 = arith.constant 0 : i32
    %c0_i32_0 = arith.constant 0 : i32
    %c0_i32_1 = arith.constant 0 : i32
    return %c0_i32, %c0_i32_0 : i32, i32
  }
  func.func @transform_2(%arg0: i32) -> (i32, i32, i32) {
    %c0_i32 = arith.constant 0 : i32
    %c0_i32_0 = arith.constant 0 : i32
    %c0_i32_1 = arith.constant 0 : i32
    return %c0_i32, %arg0, %c0_i32_0 : i32, i32, i32
  }
  func.func @transform_3(%arg0: i32) -> (i32, i32) {
    %c0_i32 = arith.constant 0 : i32
    %c0_i32_0 = arith.constant 0 : i32
    return %arg0, %c0_i32 : i32, i32
  }
}

module attributes {stable_mosaic.version = 14 : i64} {
  func.func @_mid_body(%arg0: i32, %arg1: memref<2x1000x128xf32, #tpu.memory_space<vmem>>, %arg2: memref<1000x128xf32, #tpu.memory_space<vmem>>, %arg3: memref<2x1000x128xf32, #tpu.memory_space<vmem>>, %arg4: memref<1x128xf32, #tpu.memory_space<vmem>>, %arg5: memref<128x128xf32, #tpu.memory_space<vmem>>, %arg6: memref<1000x128xf32, #tpu.memory_space<vmem>>) attributes {dimension_semantics = [#tpu.dimension_semantics<arbitrary>], iteration_bounds = array<i64: 10>, scalar_prefetch = 0 : i64, scratch_operands = 0 : i64, tpu.core_type = #tpu.core_type<tc>, window_params = [{transform_indices = @transform_0, window_bounds = array<i64: 2, 1000, 128>}, {transform_indices = @transform_1, window_bounds = array<i64: 1000, 128>}, {transform_indices = @transform_2, window_bounds = array<i64: 2, 1000, 128>}, {pipeline_mode = #tpu.pipeline_mode<synchronous>, transform_indices = @transform_3, window_bounds = array<i64: 1, 128>}, {pipeline_mode = #tpu.pipeline_mode<synchronous>, transform_indices = @transform_4, window_bounds = array<i64: 128, 128>}, {transform_indices = @transform_5, window_bounds = array<i64: 1000, 128>}]} {
    %get3A = arith.constant 0 : index
    %get3A_0 = arith.constant 0 : index
    %get3A_1 = arith.constant 0 : index
    %get3A_2 = vector.load %arg3[%get3A, %get3A_0, %get3A_1] : memref<2x1000x128xf32, #tpu.memory_space<vmem>>, vector<2x1000x128xf32>
    %slice3A = vector.extract_strided_slice %get3A_2 {offsets = [0, 0, 0], sizes = [1, 1000, 1], strides = [1, 1, 1]} : vector<2x1000x128xf32> to vector<1x1000x1xf32>
    %squeeze3A = vector.shape_cast %slice3A : vector<1x1000x1xf32> to vector<1000x1xf32>
    %slice3A_3 = vector.extract_strided_slice %get3A_2 {offsets = [1, 0, 0], sizes = [1, 1000, 1], strides = [1, 1, 1]} : vector<2x1000x128xf32> to vector<1x1000x1xf32>
    %squeeze3A_4 = vector.shape_cast %slice3A_3 : vector<1x1000x1xf32> to vector<1000x1xf32>
    %add3A = arith.addf %squeeze3A, %squeeze3A_4 : vector<1000x1xf32>
    %add3A_5 = arith.constant 1.000000e+00 : f32
    %add3A_6 = vector.broadcast %add3A_5 : f32 to vector<1000x1xf32>
    %add3A_7 = arith.addf %add3A, %add3A_6 : vector<1000x1xf32>
    %rsqrt3A = math.rsqrt %add3A_7 : vector<1000x1xf32>
    %get3A_8 = arith.constant 0 : index
    %get3A_9 = arith.constant 0 : index
    %get3A_10 = arith.constant 0 : index
    %get3A_11 = vector.load %arg1[%get3A_8, %get3A_9, %get3A_10] : memref<2x1000x128xf32, #tpu.memory_space<vmem>>, vector<1x1000x128xf32>
    %get3A_12 = vector.shape_cast %get3A_11 : vector<1x1000x128xf32> to vector<1000x128xf32>
    %get3A_13 = arith.constant 1 : index
    %get3A_14 = arith.constant 0 : index
    %get3A_15 = arith.constant 0 : index
    %get3A_16 = vector.load %arg1[%get3A_13, %get3A_14, %get3A_15] : memref<2x1000x128xf32, #tpu.memory_space<vmem>>, vector<1x1000x128xf32>
    %get3A_17 = vector.shape_cast %get3A_16 : vector<1x1000x128xf32> to vector<1000x128xf32>
    %add3A_18 = arith.addf %get3A_12, %get3A_17 : vector<1000x128xf32>
    %get3A_19 = arith.constant 0 : index
    %get3A_20 = arith.constant 0 : index
    %get3A_21 = vector.load %arg2[%get3A_19, %get3A_20] : memref<1000x128xf32, #tpu.memory_space<vmem>>, vector<1000x128xf32>
    %add3A_22 = arith.addf %add3A_18, %get3A_21 : vector<1000x128xf32>
    %mul3A = vector.broadcast %rsqrt3A : vector<1000x1xf32> to vector<1000x128xf32>
    %mul3A_23 = arith.mulf %mul3A, %add3A_22 : vector<1000x128xf32>
    %get3A_24 = arith.constant 0 : index
    %get3A_25 = arith.constant 0 : index
    %get3A_26 = vector.load %arg4[%get3A_24, %get3A_25] : memref<1x128xf32, #tpu.memory_space<vmem>>, vector<1x128xf32>
    %add3A_27 = vector.broadcast %get3A_26 : vector<1x128xf32> to vector<1000x128xf32>
    %add3A_28 = arith.addf %mul3A_23, %add3A_27 : vector<1000x128xf32>
    %max3A = arith.constant 0.000000e+00 : f32
    %max3A_29 = vector.broadcast %max3A : f32 to vector<1000x128xf32>
    %max3A_30 = arith.maximumf %add3A_28, %max3A_29 : vector<1000x128xf32>
    %get3A_31 = arith.constant 0 : index
    %get3A_32 = arith.constant 0 : index
    %get3A_33 = vector.load %arg5[%get3A_31, %get3A_32] : memref<128x128xf32, #tpu.memory_space<vmem>>, vector<128x128xf32>
    %dot_general3A = arith.constant dense<0.000000e+00> : vector<1000x128xf32>
    %dot_general3A_34 = tpu.matmul %max3A_30, %get3A_33, %dot_general3A {dimension_numbers = #tpu.dot_dimension_numbers<[1], [0], [0], [1], [0, 0, 1, 1], [], []>, transpose_lhs_hint = false} : vector<1000x128xf32>, vector<128x128xf32>, vector<1000x128xf32> -> vector<1000x128xf32>
    %mul3A_35 = vector.broadcast %rsqrt3A : vector<1000x1xf32> to vector<1000x128xf32>
    %mul3A_36 = arith.mulf %mul3A_35, %dot_general3A_34 : vector<1000x128xf32>
    %swap3A = arith.constant 0 : index
    %swap3A_37 = arith.constant 0 : index
    %swap3A_38 = vector.load %arg6[%swap3A, %swap3A_37] : memref<1000x128xf32, #tpu.memory_space<vmem>>, vector<1000x128xf32>
    tpu.vector_store %arg6[%swap3A, %swap3A_37], %mul3A_36 {strides = array<i32>} : memref<1000x128xf32, #tpu.memory_space<vmem>>, vector<1000x128xf32>,
    return
  }
  func.func @transform_0(%arg0: i32) -> (i32, i32, i32) {
    %c0_i32 = arith.constant 0 : i32
    %c0_i32_0 = arith.constant 0 : i32
    %c0_i32_1 = arith.constant 0 : i32
    return %c0_i32, %arg0, %c0_i32_0 : i32, i32, i32
  }
  func.func @transform_1(%arg0: i32) -> (i32, i32) {
    %c0_i32 = arith.constant 0 : i32
    %c0_i32_0 = arith.constant 0 : i32
    return %arg0, %c0_i32 : i32, i32
  }
  func.func @transform_2(%arg0: i32) -> (i32, i32, i32) {
    %c0_i32 = arith.constant 0 : i32
    %c0_i32_0 = arith.constant 0 : i32
    %c0_i32_1 = arith.constant 0 : i32
    return %c0_i32, %arg0, %c0_i32_0 : i32, i32, i32
  }
  func.func @transform_3(%arg0: i32) -> (i32, i32) {
    %c0_i32 = arith.constant 0 : i32
    %c0_i32_0 = arith.constant 0 : i32
    %c0_i32_1 = arith.constant 0 : i32
    return %c0_i32, %c0_i32_0 : i32, i32
  }
  func.func @transform_4(%arg0: i32) -> (i32, i32) {
    %c0_i32 = arith.constant 0 : i32
    %c0_i32_0 = arith.constant 0 : i32
    %c0_i32_1 = arith.constant 0 : i32
    return %c0_i32, %c0_i32_0 : i32, i32
  }
  func.func @transform_5(%arg0: i32) -> (i32, i32) {
    %c0_i32 = arith.constant 0 : i32
    %c0_i32_0 = arith.constant 0 : i32
    return %arg0, %c0_i32 : i32, i32
  }
}

module attributes {stable_mosaic.version = 14 : i64} {
  func.func @_fin_body(%arg0: i32, %arg1: memref<2x1000x128xf32, #tpu.memory_space<vmem>>, %arg2: memref<1000x128xf32, #tpu.memory_space<vmem>>, %arg3: memref<2x1000x128xf32, #tpu.memory_space<vmem>>, %arg4: memref<1x128xf32, #tpu.memory_space<vmem>>, %arg5: memref<1000x128xf32, #tpu.memory_space<vmem>>) attributes {dimension_semantics = [#tpu.dimension_semantics<arbitrary>], iteration_bounds = array<i64: 10>, scalar_prefetch = 0 : i64, scratch_operands = 0 : i64, tpu.core_type = #tpu.core_type<tc>, window_params = [{transform_indices = @transform_0, window_bounds = array<i64: 2, 1000, 128>}, {transform_indices = @transform_1, window_bounds = array<i64: 1000, 128>}, {transform_indices = @transform_2, window_bounds = array<i64: 2, 1000, 128>}, {pipeline_mode = #tpu.pipeline_mode<synchronous>, transform_indices = @transform_3, window_bounds = array<i64: 1, 128>}, {transform_indices = @transform_4, window_bounds = array<i64: 1000, 128>}]} {
    %get3A = arith.constant 0 : index
    %get3A_0 = arith.constant 0 : index
    %get3A_1 = arith.constant 0 : index
    %get3A_2 = vector.load %arg3[%get3A, %get3A_0, %get3A_1] : memref<2x1000x128xf32, #tpu.memory_space<vmem>>, vector<2x1000x128xf32>
    %slice3A = vector.extract_strided_slice %get3A_2 {offsets = [0, 0, 0], sizes = [1, 1000, 1], strides = [1, 1, 1]} : vector<2x1000x128xf32> to vector<1x1000x1xf32>
    %squeeze3A = vector.shape_cast %slice3A : vector<1x1000x1xf32> to vector<1000x1xf32>
    %slice3A_3 = vector.extract_strided_slice %get3A_2 {offsets = [1, 0, 0], sizes = [1, 1000, 1], strides = [1, 1, 1]} : vector<2x1000x128xf32> to vector<1x1000x1xf32>
    %squeeze3A_4 = vector.shape_cast %slice3A_3 : vector<1x1000x1xf32> to vector<1000x1xf32>
    %add3A = arith.addf %squeeze3A, %squeeze3A_4 : vector<1000x1xf32>
    %add3A_5 = arith.constant 1.000000e+00 : f32
    %add3A_6 = vector.broadcast %add3A_5 : f32 to vector<1000x1xf32>
    %add3A_7 = arith.addf %add3A, %add3A_6 : vector<1000x1xf32>
    %rsqrt3A = math.rsqrt %add3A_7 : vector<1000x1xf32>
    %get3A_8 = arith.constant 0 : index
    %get3A_9 = arith.constant 0 : index
    %get3A_10 = arith.constant 0 : index
    %get3A_11 = vector.load %arg1[%get3A_8, %get3A_9, %get3A_10] : memref<2x1000x128xf32, #tpu.memory_space<vmem>>, vector<1x1000x128xf32>
    %get3A_12 = vector.shape_cast %get3A_11 : vector<1x1000x128xf32> to vector<1000x128xf32>
    %get3A_13 = arith.constant 1 : index
    %get3A_14 = arith.constant 0 : index
    %get3A_15 = arith.constant 0 : index
    %get3A_16 = vector.load %arg1[%get3A_13, %get3A_14, %get3A_15] : memref<2x1000x128xf32, #tpu.memory_space<vmem>>, vector<1x1000x128xf32>
    %get3A_17 = vector.shape_cast %get3A_16 : vector<1x1000x128xf32> to vector<1000x128xf32>
    %add3A_18 = arith.addf %get3A_12, %get3A_17 : vector<1000x128xf32>
    %get3A_19 = arith.constant 0 : index
    %get3A_20 = arith.constant 0 : index
    %get3A_21 = vector.load %arg2[%get3A_19, %get3A_20] : memref<1000x128xf32, #tpu.memory_space<vmem>>, vector<1000x128xf32>
    %add3A_22 = arith.addf %add3A_18, %get3A_21 : vector<1000x128xf32>
    %mul3A = vector.broadcast %rsqrt3A : vector<1000x1xf32> to vector<1000x128xf32>
    %mul3A_23 = arith.mulf %mul3A, %add3A_22 : vector<1000x128xf32>
    %get3A_24 = arith.constant 0 : index
    %get3A_25 = arith.constant 0 : index
    %get3A_26 = vector.load %arg4[%get3A_24, %get3A_25] : memref<1x128xf32, #tpu.memory_space<vmem>>, vector<1x128xf32>
    %add3A_27 = vector.broadcast %get3A_26 : vector<1x128xf32> to vector<1000x128xf32>
    %add3A_28 = arith.addf %mul3A_23, %add3A_27 : vector<1000x128xf32>
    %swap3A = arith.constant 0 : index
    %swap3A_29 = arith.constant 0 : index
    %swap3A_30 = vector.load %arg5[%swap3A, %swap3A_29] : memref<1000x128xf32, #tpu.memory_space<vmem>>, vector<1000x128xf32>
    tpu.vector_store %arg5[%swap3A, %swap3A_29], %add3A_28 {strides = array<i32>} : memref<1000x128xf32, #tpu.memory_space<vmem>>, vector<1000x128xf32>,
    return
  }
  func.func @transform_0(%arg0: i32) -> (i32, i32, i32) {
    %c0_i32 = arith.constant 0 : i32
    %c0_i32_0 = arith.constant 0 : i32
    %c0_i32_1 = arith.constant 0 : i32
    return %c0_i32, %arg0, %c0_i32_0 : i32, i32, i32
  }
  func.func @transform_1(%arg0: i32) -> (i32, i32) {
    %c0_i32 = arith.constant 0 : i32
    %c0_i32_0 = arith.constant 0 : i32
    return %arg0, %c0_i32 : i32, i32
  }
  func.func @transform_2(%arg0: i32) -> (i32, i32, i32) {
    %c0_i32 = arith.constant 0 : i32
    %c0_i32_0 = arith.constant 0 : i32
    %c0_i32_1 = arith.constant 0 : i32
    return %c0_i32, %arg0, %c0_i32_0 : i32, i32, i32
  }
  func.func @transform_3(%arg0: i32) -> (i32, i32) {
    %c0_i32 = arith.constant 0 : i32
    %c0_i32_0 = arith.constant 0 : i32
    %c0_i32_1 = arith.constant 0 : i32
    return %c0_i32, %c0_i32_0 : i32, i32
  }
  func.func @transform_4(%arg0: i32) -> (i32, i32) {
    %c0_i32 = arith.constant 0 : i32
    %c0_i32_0 = arith.constant 0 : i32
    return %arg0, %c0_i32 : i32, i32
  }
}

</mosaic_0001>

<sc_bundles>
// kernel: kernel.11.cloned.1.call-start
scs
__scs_entry_jumppad:
0x0: {  	(pc) =	sbr.rel $0x88, $3  }
0x1: {  	(tag) =	ssettag $0x0;
	lr =	simm.s32 $0x1  }
0x2: {  	[smem:$0x3F9B] =	sst lr;
	_ =	strace $0xD0000000  }
0x3: {  	_ = 	snop  }
0x4: {  	_ = 	snop  }
0x5: {  	_ = 	snop  }
0x6: {  	_ = 	snop  }
0x7: {  	_ = 	snop  }
__scs_overlays_trampoline_lowered:
0x8: {  	[smem:$0x3FAA] =	sst s0  }
0x9: {  	[smem:$0x3FAB] =	sst s1  }
0xa: {  	[smem:$0x3FAC] =	sst s2  }
0xb: {  	[smem:$0x3FAD] =	sst s3  }
0xc: {  	[smem:$0x3FAE] =	sst s4  }
0xd: {  	[smem:$0x3FAF] =	sst s5  }
0xe: {  	[smem:$0x3FB0] =	sst s6  }
0xf: {  	[smem:$0x3FB1] =	sst s7  }
0x10: {  	[smem:$0x3FB2] =	sst s8  }
0x11: {  	[smem:$0x3FB3] =	sst s9;
	s0 =	simm.s32 @!p0 $0x0  }
0x12: {  	s1 =	sld [smem:$0x3F99];
	s0 =	simm.s32 @p0 $0x1  }
0x13: {  	[smem:$0x3FB4] =	sst s0;
	s0 =	simm.s32 @!p1 $0x0  }
0x14: {  	s2 =	sld [smem:$0x3F98];
	s0 =	simm.s32 @p1 $0x1  }
0x15: {  	[smem:$0x3FB5] =	sst s0;
	s0 =	simm.s32 @!p2 $0x0  }
0x16: {  	s3 =	sld [smem:$0x3FDB];
	s0 =	simm.s32 @p2 $0x1  }
0x17: {  	s4 =	simm.s32 $0x1BF5;
	[smem:$0x3FB7] =	sst s0  }
0x18: {  	s0 =	sld [smem:$0x3F9A];
	_ =	swait.ge [sflag:s4], $0x0  }
0x19: {  	s7 =	sld [smem:$0x3F9B]  }
0x1a: {  	s8 =	sadd.s32 $0xFFFFE003, lr  }
0x1b: {  	s9 =	sadd.s32 $0xFFFFFEF7, lr;
	s5 =	simm.s32 $0xFFFFFFFF;
	p2 =	slt.u32 s8, $0xFFFFF086  }
0x1c: {  	p1 =	slt.u32 s9, $0xF7A;
	s5 =	simm.s32 @!p2 $0x0  }
0x1d: {  	s5 =	simm.s32 @p1 $0x1;
	p0 =	seq.s32 s7, s2  }
0x1e: {  	s7 =	smul.u32 @!p0 $0xF7A, s2;
	p2 =	seq.s32 @!p0 s5, $0x0  }
0x1f: {  	s9 =	smul.u32 $0xF7A, s1;
	s8 =	simm.s32 @!p0 $0x1BF5;
	p2 =	por !p2, p0  }
0x20: {  	[sflag:s8] =	ssyncset.s32 @!p0 $0xFFFFF086;
	s6 =	sadd.s32 @!p0 s3, s7;
	s7 =	simm.s32 @!p0 $0x108  }
0x21: {  	s3 =	sadd.s32 s3, s9;
	s6 =	sadd.s32 @!p0 $0x88, s6;
	s7 =	simm.s32 @p2 $0x1082  }
0x22: {  	[simem:s7], [sflag:s8] =	dma.local @!p0 [hbm:s6], $0xF7A  }
0x23: {  	s9 =	sor.u32 $0xD0000000, s2;
	s6 =	simm.s32 $0x108;
	_ =	swait.ge @!p0 [sflag:s8], $0x0  }
0x24: {  	s3 =	sadd.s32 $0x88, s3;
	s6 =	simm.s32 @!p1 $0x1082;
	[sflag:s4] =	ssyncset.s32 $0xFFFFF086  }
0x25: {  	[simem:s6], [sflag:s4] =	dma.local [hbm:s3], $0xF7A  }
0x26: {  	[smem:$0x3F9B] =	sst s1;
	(tag) =	ssettag s2;
	_ =	strace s9  }
0x27: {  	s1 =	sld [smem:$0x3FAB]  }
0x28: {  	s2 =	sld [smem:$0x3FAC]  }
0x29: {  	s4 =	sld [smem:$0x3FAE]  }
0x2a: {  	p0 =	seq.s32 s5, $0x0;
	s5 =	sld [smem:$0x3FAF]  }
0x2b: {  	s6 =	sld [smem:$0x3FB0]  }
0x2c: {  	s7 =	sld [smem:$0x3FB1]  }
0x2d: {  	s3 =	simm.s32 $0x108;
	s8 =	sld [smem:$0x3FB2]  }
0x2e: {  	s3 =	simm.s32 @!p0 $0x1082;
	s9 =	sld [smem:$0x3FB3]  }
0x2f: {  	lr =	sadd.s32 s0, s3;
	s0 =	sld [smem:$0x3FAA]  }
0x30: {  	s3 =	sld [smem:$0x3FAD]  }
0x31: {  	[smem:$0x3FB6] =	sst s10  }
0x32: {  	s10 =	sld [smem:$0x3FB4];
	_ =	sdelay $0x3  }
0x33: {  	p0 =	seq.s32 s10, $0x1;
	s10 =	sld [smem:$0x3FB6];
	_ =	sdelay $0x3  }
0x34: {  	[smem:$0x3FB6] =	sst s10  }
0x35: {  	s10 =	sld [smem:$0x3FB5];
	_ =	sdelay $0x3  }
0x36: {  	p1 =	seq.s32 s10, $0x1;
	s10 =	sld [smem:$0x3FB6];
	_ =	sdelay $0x3  }
0x37: {  	[smem:$0x3FB6] =	sst s10  }
0x38: {  	s10 =	sld [smem:$0x3FB7]  }
0x39: {  	_ = 	snop;
	(pc) =	sbr.ind lr, $3  }
0x3a: {  	_ = 	snop  }
0x3b: {  	_ = 	snop  }
0x3c: {  	p2 =	seq.s32 s10, $0x1;
	s10 =	sld [smem:$0x3FB6]  }
0x3d: {  	_ =	shalt  }
0x3e: {  	_ =	shalt  }
0x3f: {  	_ =	shalt  }
0x40: {  	_ =	shalt  }
0x41: {  	_ =	shalt  }
0x42: {  	_ =	shalt  }
0x43: {  	_ =	shalt  }
0x44: {  	_ =	shalt  }
0x45: {  	_ =	shalt  }
0x46: {  	_ =	shalt  }
0x47: {  	_ =	shalt  }
0x48: {  	_ =	shalt  }
0x49: {  	_ =	shalt  }
0x4a: {  	_ =	shalt  }
0x4b: {  	_ =	shalt  }
0x4c: {  	_ =	shalt  }
0x4d: {  	_ =	shalt  }
0x4e: {  	_ =	shalt  }
0x4f: {  	_ =	shalt  }
0x50: {  	_ =	shalt  }
0x51: {  	_ =	shalt  }
0x52: {  	_ =	shalt  }
0x53: {  	_ =	shalt  }
0x54: {  	_ =	shalt  }
0x55: {  	_ =	shalt  }
0x56: {  	_ =	shalt  }
0x57: {  	_ =	shalt  }
0x58: {  	_ =	shalt  }
0x59: {  	_ =	shalt  }
0x5a: {  	_ =	shalt  }
0x5b: {  	_ =	shalt  }
0x5c: {  	_ =	shalt  }
0x5d: {  	_ =	shalt  }
0x5e: {  	_ =	shalt  }
0x5f: {  	_ =	shalt  }
0x60: {  	_ =	shalt  }
0x61: {  	_ =	shalt  }
0x62: {  	_ =	shalt  }
0x63: {  	_ =	shalt  }
0x64: {  	_ =	shalt  }
0x65: {  	_ =	shalt  }
0x66: {  	_ =	shalt  }
0x67: {  	_ =	shalt  }
0x68: {  	_ =	shalt  }
0x69: {  	_ =	shalt  }
0x6a: {  	_ =	shalt  }
0x6b: {  	_ =	shalt  }
0x6c: {  	_ =	shalt  }
0x6d: {  	_ =	shalt  }
0x6e: {  	_ =	shalt  }
0x6f: {  	_ =	shalt  }
0x70: {  	_ =	shalt  }
0x71: {  	_ =	shalt  }
0x72: {  	_ =	shalt  }
0x73: {  	_ =	shalt  }
0x74: {  	_ =	shalt  }
0x75: {  	_ =	shalt  }
0x76: {  	_ =	shalt  }
0x77: {  	_ =	shalt  }
0x78: {  	_ =	shalt  }
0x79: {  	_ =	shalt  }
0x7a: {  	_ =	shalt  }
0x7b: {  	_ =	shalt  }
0x7c: {  	_ =	shalt  }
0x7d: {  	_ =	shalt  }
0x7e: {  	_ =	shalt  }
0x7f: {  	_ =	shalt  }
0x80: {  	_ =	shalt  }
0x81: {  	_ =	shalt  }
0x82: {  	_ =	shalt  }
0x83: {  	_ =	shalt  }
0x84: {  	_ =	shalt  }
0x85: {  	_ =	shalt  }
0x86: {  	_ =	shalt  }
0x87: {  	_ =	shalt  }
.Lfunc_end0:
.L_simem_size_0:
called_computation.1_lowered:
.L_overlay_start_0:
0x88: {  	s2 =	sld [smem:$0x3FD9]  }
0x89: {  	s3 =	sld [smem:$0x3FFE];
	_ =	sdelay $0x1  }
0x8a: {  	s1 =	srdreg.scid  }
0x8b: {  	s0 =	sand.u32 $0x1, s1  }
0x8c: {  	s17 =	sshll.u32 s0, $0xA;
	s2 =	sadd.s32 s3, s2  }
0x8d: {  	s2 =	sadd.s32 s2, s17  }
0x8e: {  	[smem:$0x3FC2] =	sst s2  }
0x8f: {  	_ = 	snop  }
0x90: {  	s2 =	sld [smem:$0x3FD0];
	(tm) =	ssettm $0x1  }
0x91: {  	s18 =	sld [smem:$0x3FFB];
	_ =	sdelay $0x3  }
0x92: {  	_ =	strace s18  }
0x93: {  	s3 =	sld [smem:$0x3FFC];
	_ =	sdelay $0x3  }
0x94: {  	_ =	strace s3  }
0x95: {  	s3 =	sld [smem:$0x3FFD];
	_ =	sdelay $0x3  }
0x96: {  	_ =	strace s3  }
0x97: {  	_ =	strace $0x8FFFFFFF  }
0x98: {  	s19 =	sld [smem:$0x3FDB];
	_ =	sdelay $0x1  }
0x99: {  	s4 =	simm.s32 $_scs_section_size  }
0x9a: {  	s5 =	simm.s32 $_size__tile_overlayer_lowered;
	s6 =	simm.s32 $_tile_overlayer_lowered  }
0x9b: {  	s22 =	simm.s32 $0x1BFF;
	s21 =	sshll.u32 s6, $0x1;
	s3 =	sadd.s32 s4, s19  }
0x9c: {  	s7 =	simm.s32 $0x0;
	s20 =	sshll.u32 s5, $0x1;
	s5 =	sadd.s32 s21, s3  }
0x9d: {  	[timem:s7], [sflag:s22] =	dma.local [hbm:s5], s20  }
0x9e: {  	_ =	swait.ge [sflag:s22], s20  }
0x9f: {  	s4 =	ssub.s32 $0x0, s20;
	[sflag:s22] =	ssyncset.done $0x0  }
0xa0: {  	[sflag:s22] =	ssyncadd.s32 s4;
	_ =	sdelay $0x1  }
0xa1: {  	s23 =	simm.s32 $0x1B8B  }
0xa2: {  	_ =	swait.ge [sflag:s23], $0x1  }
0xa3: {  	[sflag:s23] =	ssyncset.done $0x0  }
0xa4: {  	s25 =	simm.s32 $0x1B8E;
	s24 =	sld [smem:$0x3FFE];
	[sflag:s23] =	ssyncadd.s32 $0xFFFFFFFF  }
0xa5: {  	s26 =	simm.s32 $execute0_lowered;
	[smem:$0x3FD2] =	sst s25  }
0xa6: {  	s5 =	sshll.u32 s26, $0x1;
	_ =	strace $0x80000049;
	[dreg:$0x1] =	wrdreg $0xFFFFFFFF  }
0xa7: {  	s28 =	simm.s32 $_size_execute0_lowered;
	s3 =	sadd.s32 s3, s5;
	[dreg:$0x0] =	wrdreg $0x0  }
0xa8: {  	s5 =	sshll.u32 s28, $0x1;
	[dreg:$0x2] =	wrdreg s3  }
0xa9: {  	[dreg:$0x3] =	wrdreg s5  }
0xaa: {  	[dreg:$0x4] =	wrdreg $0xC0  }
0xab: {  	_ =	task [dreg:s7], $0x5FFFF  }
0xac: {  	[dreg:$0x1] =	wrdreg $0xFFFFFFFF  }
0xad: {  	[dreg:$0x0] =	wrdreg $0x60  }
0xae: {  	[dreg:$0x2] =	wrdreg s2  }
0xaf: {  	[dreg:$0x3] =	wrdreg s24  }
0xb0: {  	[dreg:$0x4] =	wrdreg $0x64000  }
0xb1: {  	[dreg:$0x5] =	wrdreg $0x9  }
0xb2: {  	_ =	task.clear_ibuf [dreg:s7], $0x6FFFF;
	_ =	strace $0x90000049  }
0xb3: {  	s29 =	simm.s32 $0x9;
	_ =	strace $0x8000004B  }
0xb4: {  	_ =	swait.ge [sflag:s29], $0x1  }
0xb5: {  	[sflag:s29] =	ssyncadd.s32 $0xFFFFFFFF  }
0xb6: {  	_ =	strace $0x9000004B  }
0xb7: {  	_ =	sfence  }
0xb8: {  	s30 =	sld [smem:$0x0];
	_ =	sdelay $0x2  }
0xb9: {  	s31 =	sshll.u32 s1, $0xD;
	s1 =	sshrl.u32 s1, $0x2  }
0xba: {  	s3 =	sand.u32 $0x4000, s31;
	s1 =	sadd.s32 s1, s30  }
0xbb: {  	s0 =	sor.u32 s3, s0;
	s1 =	sshll.u32 s1, $0x11  }
0xbc: {  	s0 =	sor.u32 s1, s0  }
0xbd: {  	s0 =	sadd.s32 $0x8F2B, s0  }
0xbe: {  	[sflag:s0] =	ssyncadd.remote.s32 $0x1  }
0xbf: {  	_ =	sfence.sel $0xFFFF  }
0xc0: {  	[dreg:$0x0] =	wrdreg $0xFFFFFFFF;
	(pc) =	sbr.abs _section_cstart, $3  }
0xc1: {  	[dreg:$0x1] =	wrdreg $0xFFFFFFFF  }
0xc2: {  	_ =	task.clear_ibuf [dreg:s7], $0x2FFFF;
	_ =	strace $0x9FFFFFFF  }
0xc3: {  	(tm) =	ssettm $0x7FFFFFFF  }
tec
execute0_lowered:
.L_overlay_start_1:
0x0: {  	(tag) =	ssettag $0x1  }
0x1: {  	s2 =	rddreg [dreg:$0x0]  }
0x2: {  	s0 =	rddreg [dreg:$0x1]  }
0x3: {  	s3 =	rddreg [dreg:$0x2];
	s11 =	stileid.u32  }
0x4: {  	s1 =	srdreg.scid;
	s4 =	simm.s32 $0x0;
	s24 =	simm.s32 $0x180  }
0x5: {  	s25 =	simm.s32 $0x280;
	s28 =	simm.s32 $0x1C00;
	s6 =	smul.u32 $0x13C00, s11  }
0x6: {  	s29 =	simm.s32 $0x7;
	s30 =	simm.s32 $0x3400;
	s26 =	smul.u32 $0x78, s11  }
0x7: {  	s31 =	simm.s32 $0x8;
	s1 =	sand.u32 $0x1, s1;
	s9 =	smul.u32 $0x12C, s11  }
0x8: {  	[smem:$0x7FF] =	sst s4;
	s5 =	sadd.s32 $0x79A00, s0;
	s13 =	smul.u32 $0x4F000, s11  }
0x9: {  	s16 =	sshll.u32 s11, $0x6;
	s11 =	simm.s32 $0x0;
	s7 =	smul.u32 $0x13C000, s1  }
0xa: {  	_ =	strace $0x8000004A;
	s10 =	ssub.s32 $0x2, s1;
	[dreg:$0x8] =	wrdreg s24  }
0xb: {  	p0 =	seq.s32 s1, $0x0;
	[dreg:$0x9] =	wrdreg s25;
	s24 =	simm.s32 $0x30  }
0xc: {  	s25 =	simm.s32 $0x400;
	s8 =	sshrl.u32 s6, $0x3;
	s1 =	sadd.s32 $0x12C0, s26  }
0xd: {  	s26 =	simm.s32 $0x380;
	s6 =	sadd.s32 s6, s7;
	s8 =	sadd.s32 s8, s0  }
0xe: {  	s1 =	smov.u32 @p0 s9;
	s9 =	simm.s32 $0x12C;
	[dreg:$0xa] =	wrdreg s26  }
0xf: {  	s26 =	simm.s32 $0x6;
	s6 =	sshrl.u32 s6, $0x3;
	s12 =	sshll.u32 s1, $0x4  }
0x10: {  	s1 =	sshrl.u32 s13, $0x2;
	s17 =	sadd.s32 $0x3200, s8;
	[dreg:$0xb] =	wrdreg s12  }
0x11: {  	s9 =	simm.s32 @!p0 $0x78;
	s1 =	sadd.s32 s1, s3;
	[dreg:$0x11] =	wrdreg s17  }
0x12: {  	s8 =	simm.s32 $0x2;
	s19 =	sshrl.u32 s9, $0x2;
	[dreg:$0x10] =	wrdreg s1  }
0x13: {  	s0 =	sadd.s32 s6, s0;
	s18 =	sadd.s32 $0xFFFFFFFC, s9;
	[dreg:$0x13] =	wrdreg s19  }
0x14: {  	s6 =	sshrl.u32 s10, $0x1;
	s20 =	sadd.s32 $0xFFFFFFFB, s9;
	[dreg:$0x4] =	wrdreg s18  }
0x15: {  	s21 =	sadd.s32 $0xFFFFFFFA, s9;
	s23 =	sadd.s32 $0xFFFFFFF9, s9;
	[dreg:$0x5] =	wrdreg s20  }
0x16: {  	s17 =	simm.s32 $0x80;
	s9 =	simm.s32 $0x3;
	[dreg:$0x6] =	wrdreg s21  }
0x17: {  	s7 =	ssub.s32 s10, s6;
	s6 =	sadd.s32 s5, s12;
	[dreg:$0x7] =	wrdreg s23  }
0x18: {  	s12 =	sor.u32 $0x1C09, s16;
	s0 =	sadd.s32 $0xAE200, s0;
	[dreg:$0xc] =	wrdreg s6  }
0x19: {  	s19 =	simm.s32 $0x100;
	s20 =	simm.s32 $0x200;
	[dreg:$0x14] =	wrdreg s0  }
0x1a: {  	s21 =	simm.s32 $0x300;
	s14 =	sadd.s32 $0x10, s6;
	[dreg:$0x12] =	wrdreg s12  }
0x1b: {  	s23 =	simm.s32 $0x5;
	s15 =	sadd.s32 $0x20, s6;
	[dreg:$0xd] =	wrdreg s14  }
0x1c: {  	s1 =	simm.s32 $0x1;
	s6 =	sadd.s32 $0x30, s6;
	[dreg:$0xe] =	wrdreg s15  }
0x1d: {  	s10 =	simm.s32 $0x4;
	s22 =	smax.u32 s7, $0x1;
	[dreg:$0xf] =	wrdreg s6  }
0x1e: {  	s0 =	simm.s32 $0x4C00;
	[dreg:$0x15] =	wrdreg s22;
	s22 =	simm.s32 $0x9  }
.LBB2_1:
0x1f: {  	s6 =	rddreg [dreg:$0xc]  }
0x20: {  	s15 =	rddreg [dreg:$0xd]  }
0x21: {  	s16 =	rddreg [dreg:$0xe]  }
0x22: {  	s7 =	simm.s32 $0xD2000;
	s13 =	rddreg [dreg:$0x10]  }
0x23: {  	[tilespmem:s4], [sflag:$0x5] =	stream.strided.gather [hbm4b:s6+s17], $0x100, s7, s17, $0x38;
	[tilespmem:$0x1A000] =	vst v63  }
0x24: {  	s18 =	rddreg [dreg:$0xf];
	s14 =	sshrl.u32 s13, $0x3  }
0x25: {  	[tilespmem:s19], [sflag:$0x6] =	stream.strided.gather [hbm4b:s15+s17], $0x100, s7, s17, $0x38;
	[tilespmem:$0x1A000] =	vst v63  }
0x26: {  	[dreg:$0x16] =	wrdreg s14  }
0x27: {  	[tilespmem:s20], [sflag:$0x7] =	stream.strided.gather [hbm4b:s16+s17], $0x100, s7, s17, $0x38;
	[tilespmem:$0x1A000] =	vst v63  }
0x28: {  	s15 =	rddreg [dreg:$0x11]  }
0x29: {  	[tilespmem:s21], [sflag:$0x8] =	stream.strided.gather [hbm4b:s18+s17], $0x100, s7, s17, $0x38;
	[tilespmem:$0x1A000] =	vst v63  }
0x2a: {  	[spmem:s14], [sflag:s12] =	dma.local [hbm:s15], $0x2780  }
0x2b: {  	_ =	swait.ge [sflag:s22], $0x2780  }
0x2c: {  	[sflag:s22] =	ssyncset.done $0x0  }
0x2d: {  	[sflag:s22] =	ssyncadd.s32 $0xFFFFD880  }
0x2e: {  	[bflag:$0x0] =	sbarrier.arrive $0xFFFF  }
0x2f: {  	_ =	swait.ge [sflag:s23], $0x100  }
0x30: {  	[sflag:s23] =	ssyncset.done $0x0  }
0x31: {  	[sflag:s23] =	ssyncadd.s32 $0xFFFFFF00  }
0x32: {  	[tilespmem:s25], [sflag:$0x1] =	stream.indirect.gather [hbm4b:s2+s24], $0x80, s4, s24, $0xb8;
	[tilespmem:$0x1A000] =	vst v63  }
0x33: {  	_ =	swait.ge [sflag:s26], $0x100  }
0x34: {  	[sflag:s26] =	ssyncset.done $0x0  }
0x35: {  	[sflag:s26] =	ssyncadd.s32 $0xFFFFFF00  }
0x36: {  	[tilespmem:s28], [sflag:$0x2] =	stream.indirect.gather [hbm4b:s2+s24], $0x80, s19, s24, $0xb8;
	[tilespmem:$0x1A000] =	vst v63  }
0x37: {  	_ =	swait.ge [sflag:s29], $0x100  }
0x38: {  	[sflag:s29] =	ssyncset.done $0x0  }
0x39: {  	[sflag:s29] =	ssyncadd.s32 $0xFFFFFF00  }
0x3a: {  	[tilespmem:s30], [sflag:$0x3] =	stream.indirect.gather [hbm4b:s2+s24], $0x80, s20, s24, $0xb8;
	[tilespmem:$0x1A000] =	vst v63  }
0x3b: {  	_ =	swait.ge [sflag:s31], $0x100  }
0x3c: {  	[sflag:s31] =	ssyncset.done $0x0  }
0x3d: {  	[sflag:s31] =	ssyncadd.s32 $0xFFFFFF00  }
0x3e: {  	[tilespmem:s0], [sflag:$0x4] =	stream.indirect.gather [hbm4b:s2+s24], $0x80, s21, s24, $0xb8;
	[tilespmem:$0x1A000] =	vst v63  }
0x3f: {  	_ =	swait.ge [sflag:s1], $0x1800  }
0x40: {  	[sflag:s1] =	ssyncset.done $0x0  }
0x41: {  	[sflag:s1] =	ssyncadd.s32 $0xFFFFE800  }
0x42: {  	[spmem:s3] =	stream.indirect.scatter.add.f32 [tilespmem:s25], [sflag:$0x9], $0x80, s17, s24, $0xb8;
	[tilespmem:$0x1A000] =	vst v63  }
0x43: {  	_ =	swait.ge [sflag:s22], $0x1800  }
0x44: {  	s16 =	rddreg [dreg:$0x4]  }
0x45: {  	[sflag:s22] =	ssyncset.done $0x0;
	s6 =	rddreg [dreg:$0xb];
	p0 =	sle.u32 s16, $0x0  }
0x46: {  	[sflag:s22] =	ssyncadd.s32 $0xFFFFE800;
	s7 =	sadd.s32 @!p0 s6, s5;
	s12 =	simm.s32 @!p0 $0xD2000  }
0x47: {  	s13 =	simm.s32 @!p0 $0x0;
	s14 =	simm.s32 @!p0 $0x80;
	s7 =	sadd.s32 @!p0 $0x40, s7  }
0x48: {  	[tilespmem:s13], [sflag:$0x5] =	stream.strided.gather @!p0 [hbm4b:s7+s14], $0x100, s12, s14, $0x38;
	[tilespmem:$0x1A000] =	vst v63  }
0x49: {  	_ =	swait.ge [sflag:s8], $0x1800  }
0x4a: {  	[sflag:s8] =	ssyncset.done $0x0  }
0x4b: {  	s18 =	rddreg [dreg:$0x8];
	[sflag:s8] =	ssyncadd.s32 $0xFFFFE800  }
0x4c: {  	[spmem:s3] =	stream.indirect.scatter.add.f32 [tilespmem:s28], [sflag:$0x9], $0x80, s18, s24, $0xb8;
	[tilespmem:$0x1A000] =	vst v63  }
0x4d: {  	_ =	swait.ge [sflag:s22], $0x1800  }
0x4e: {  	s12 =	rddreg [dreg:$0x5]  }
0x4f: {  	p0 =	sle.u32 s12, $0x0  }
0x50: {  	[sflag:s22] =	ssyncset.done $0x0;
	s7 =	sadd.s32 @!p0 $0x50, s6  }
0x51: {  	[sflag:s22] =	ssyncadd.s32 $0xFFFFE800;
	s12 =	simm.s32 @!p0 $0xD2000;
	s7 =	sand.u32 @!p0 $0x1FFFFFD0, s7  }
0x52: {  	s13 =	simm.s32 @!p0 $0x100;
	s14 =	simm.s32 @!p0 $0x80;
	s7 =	sadd.s32 @!p0 s5, s7  }
0x53: {  	[tilespmem:s13], [sflag:$0x6] =	stream.strided.gather @!p0 [hbm4b:s7+s14], $0x100, s12, s14, $0x38;
	[tilespmem:$0x1A000] =	vst v63  }
0x54: {  	_ =	swait.ge [sflag:s9], $0x1800  }
0x55: {  	[sflag:s9] =	ssyncset.done $0x0  }
0x56: {  	s13 =	rddreg [dreg:$0x9];
	[sflag:s9] =	ssyncadd.s32 $0xFFFFE800  }
0x57: {  	[spmem:s3] =	stream.indirect.scatter.add.f32 [tilespmem:s30], [sflag:$0x9], $0x80, s13, s24, $0xb8;
	[tilespmem:$0x1A000] =	vst v63  }
0x58: {  	_ =	swait.ge [sflag:s22], $0x1800  }
0x59: {  	s14 =	rddreg [dreg:$0x6]  }
0x5a: {  	[sflag:s22] =	ssyncset.done $0x0;
	p0 =	sle.u32 s14, $0x0  }
0x5b: {  	[sflag:s22] =	ssyncadd.s32 $0xFFFFE800;
	s7 =	sadd.s32 @!p0 s6, s5;
	s12 =	simm.s32 @!p0 $0xD2000  }
0x5c: {  	s13 =	simm.s32 @!p0 $0x200;
	s14 =	simm.s32 @!p0 $0x80;
	s7 =	sadd.s32 @!p0 $0x60, s7  }
0x5d: {  	[tilespmem:s13], [sflag:$0x7] =	stream.strided.gather @!p0 [hbm4b:s7+s14], $0x100, s12, s14, $0x38;
	[tilespmem:$0x1A000] =	vst v63  }
0x5e: {  	_ =	swait.ge [sflag:s10], $0x1800  }
0x5f: {  	[sflag:s10] =	ssyncset.done $0x0  }
0x60: {  	s15 =	rddreg [dreg:$0xa];
	[sflag:s10] =	ssyncadd.s32 $0xFFFFE800  }
0x61: {  	[spmem:s3] =	stream.indirect.scatter.add.f32 [tilespmem:s0], [sflag:$0x9], $0x80, s15, s24, $0xb8;
	[tilespmem:$0x1A000] =	vst v63  }
0x62: {  	_ =	swait.ge [sflag:s22], $0x1800  }
0x63: {  	s18 =	rddreg [dreg:$0x13]  }
0x64: {  	s14 =	sadd.s32 $0xFFFFFFFF, s18  }
0x65: {  	p0 =	sne.s32 s14, $0x0  }
.Ltmp0:
0x66: {  	_ = 	snop;
	(pc) =	sbr.rel @!p0 .LBB2_3-.Ltmp0, $4  }
0x67: {  	s16 =	rddreg [dreg:$0x7];
	[sflag:s22] =	ssyncset.done $0x0  }
0x68: {  	s15 =	sadd.s32 $0x40, s6;
	[sflag:s22] =	ssyncadd.s32 $0xFFFFE800;
	p1 =	sle.u32 s16, $0x0  }
0x69: {  	s16 =	simm.s32 $0x4;
	s12 =	sadd.s32 @!p1 s6, s5;
	s7 =	simm.s32 @!p1 $0x300  }
0x6a: {  	s18 =	simm.s32 @!p1 $0x80;
	s13 =	sadd.s32 @!p1 $0x70, s12;
	s12 =	simm.s32 @!p1 $0xD2000  }
.LBB2_2:
0x6b: {  	[tilespmem:s7], [sflag:$0x8] =	stream.strided.gather @!p1 [hbm4b:s13+s18], $0x100, s12, s18, $0x38;
	[tilespmem:$0x1A000] =	vst v63  }
0x6c: {  	_ =	swait.ge [sflag:s23], $0x100  }
0x6d: {  	[sflag:s23] =	ssyncset.done $0x0  }
0x6e: {  	[sflag:s23] =	ssyncadd.s32 $0xFFFFFF00  }
0x6f: {  	[tilespmem:s25], [sflag:$0x1] =	stream.indirect.gather [hbm4b:s2+s24], $0x80, s4, s24, $0xb8;
	[tilespmem:$0x1A000] =	vst v63  }
0x70: {  	_ =	swait.ge [sflag:s26], $0x100  }
0x71: {  	[sflag:s26] =	ssyncset.done $0x0  }
0x72: {  	[sflag:s26] =	ssyncadd.s32 $0xFFFFFF00  }
0x73: {  	[tilespmem:s28], [sflag:$0x2] =	stream.indirect.gather [hbm4b:s2+s24], $0x80, s19, s24, $0xb8;
	[tilespmem:$0x1A000] =	vst v63  }
0x74: {  	_ =	swait.ge [sflag:s29], $0x100  }
0x75: {  	[sflag:s29] =	ssyncset.done $0x0  }
0x76: {  	[sflag:s29] =	ssyncadd.s32 $0xFFFFFF00  }
0x77: {  	[tilespmem:s30], [sflag:$0x3] =	stream.indirect.gather [hbm4b:s2+s24], $0x80, s20, s24, $0xb8;
	[tilespmem:$0x1A000] =	vst v63  }
0x78: {  	_ =	swait.ge [sflag:s31], $0x100  }
0x79: {  	[sflag:s31] =	ssyncset.done $0x0  }
0x7a: {  	[sflag:s31] =	ssyncadd.s32 $0xFFFFFF00  }
0x7b: {  	[tilespmem:s0], [sflag:$0x4] =	stream.indirect.gather [hbm4b:s2+s24], $0x80, s21, s24, $0xb8;
	[tilespmem:$0x1A000] =	vst v63  }
0x7c: {  	_ =	swait.ge [sflag:s1], $0x1800  }
0x7d: {  	[sflag:s1] =	ssyncset.done $0x0  }
0x7e: {  	[sflag:s1] =	ssyncadd.s32 $0xFFFFE800  }
0x7f: {  	[spmem:s3] =	stream.indirect.scatter.add.f32 [tilespmem:s25], [sflag:$0x9], $0x80, s17, s24, $0xb8;
	[tilespmem:$0x1A000] =	vst v63  }
0x80: {  	_ =	swait.ge [sflag:s22], $0x1800  }
0x81: {  	s6 =	rddreg [dreg:$0x4]  }
0x82: {  	[sflag:s22] =	ssyncset.done $0x0;
	p1 =	sge.u32 s16, s6  }
0x83: {  	[sflag:s22] =	ssyncadd.s32 $0xFFFFE800;
	s12 =	sadd.s32 @!p1 s15, s5;
	s13 =	simm.s32 @!p1 $0xD2000  }
0x84: {  	s18 =	simm.s32 @!p1 $0x0;
	s6 =	simm.s32 @!p1 $0x80;
	s12 =	sadd.s32 @!p1 $0x40, s12  }
0x85: {  	[tilespmem:s18], [sflag:$0x5] =	stream.strided.gather @!p1 [hbm4b:s12+s6], $0x100, s13, s6, $0x38;
	[tilespmem:$0x1A000] =	vst v63  }
0x86: {  	_ =	swait.ge [sflag:s8], $0x1800  }
0x87: {  	[sflag:s8] =	ssyncset.done $0x0  }
0x88: {  	s12 =	rddreg [dreg:$0x8];
	[sflag:s8] =	ssyncadd.s32 $0xFFFFE800  }
0x89: {  	[spmem:s3] =	stream.indirect.scatter.add.f32 [tilespmem:s28], [sflag:$0x9], $0x80, s12, s24, $0xb8;
	[tilespmem:$0x1A000] =	vst v63  }
0x8a: {  	_ =	swait.ge [sflag:s22], $0x1800  }
0x8b: {  	s13 =	rddreg [dreg:$0x5]  }
0x8c: {  	p1 =	sge.u32 s16, s13  }
0x8d: {  	[sflag:s22] =	ssyncset.done $0x0;
	s6 =	sadd.s32 @!p1 $0x50, s15  }
0x8e: {  	[sflag:s22] =	ssyncadd.s32 $0xFFFFE800;
	s12 =	simm.s32 @!p1 $0xD2000;
	s6 =	sand.u32 @!p1 $0x1FFFFFD0, s6  }
0x8f: {  	s13 =	simm.s32 @!p1 $0x100;
	s18 =	simm.s32 @!p1 $0x80;
	s6 =	sadd.s32 @!p1 s5, s6  }
0x90: {  	[tilespmem:s13], [sflag:$0x6] =	stream.strided.gather @!p1 [hbm4b:s6+s18], $0x100, s12, s18, $0x38;
	[tilespmem:$0x1A000] =	vst v63  }
0x91: {  	_ =	swait.ge [sflag:s9], $0x1800  }
0x92: {  	[sflag:s9] =	ssyncset.done $0x0  }
0x93: {  	s18 =	rddreg [dreg:$0x9];
	[sflag:s9] =	ssyncadd.s32 $0xFFFFE800  }
0x94: {  	[spmem:s3] =	stream.indirect.scatter.add.f32 [tilespmem:s30], [sflag:$0x9], $0x80, s18, s24, $0xb8;
	[tilespmem:$0x1A000] =	vst v63  }
0x95: {  	_ =	swait.ge [sflag:s22], $0x1800  }
0x96: {  	s12 =	rddreg [dreg:$0x6]  }
0x97: {  	[sflag:s22] =	ssyncset.done $0x0;
	p1 =	sge.u32 s16, s12  }
0x98: {  	[sflag:s22] =	ssyncadd.s32 $0xFFFFE800;
	s6 =	sadd.s32 @!p1 s15, s5;
	s12 =	simm.s32 @!p1 $0xD2000  }
0x99: {  	s13 =	simm.s32 @!p1 $0x200;
	s18 =	simm.s32 @!p1 $0x80;
	s6 =	sadd.s32 @!p1 $0x60, s6  }
0x9a: {  	[tilespmem:s13], [sflag:$0x7] =	stream.strided.gather @!p1 [hbm4b:s6+s18], $0x100, s12, s18, $0x38;
	[tilespmem:$0x1A000] =	vst v63  }
0x9b: {  	_ =	swait.ge [sflag:s10], $0x1800  }
0x9c: {  	s14 =	sadd.s32 $0xFFFFFFFF, s14;
	[sflag:s10] =	ssyncset.done $0x0  }
0x9d: {  	p0 =	sne.s32 s14, $0x0;
	s13 =	rddreg [dreg:$0xa];
	[sflag:s10] =	ssyncadd.s32 $0xFFFFE800  }
0x9e: {  	[spmem:s3] =	stream.indirect.scatter.add.f32 [tilespmem:s0], [sflag:$0x9], $0x80, s13, s24, $0xb8;
	[tilespmem:$0x1A000] =	vst v63  }
.Ltmp1:
0x9f: {  	_ =	swait.ge [sflag:s22], $0x1800;
	(pc) =	sbr.rel @p0 .LBB2_2-.Ltmp1, $4  }
0xa0: {  	s7 =	smov.u32 s15;
	[sflag:s22] =	ssyncset.done $0x0;
	s18 =	rddreg [dreg:$0x7]  }
0xa1: {  	s15 =	sadd.s32 $0x40, s15;
	[sflag:s22] =	ssyncadd.s32 $0xFFFFE800;
	p1 =	sge.u32 s16, s18  }
0xa2: {  	s16 =	sadd.s32 $0x4, s16;
	s6 =	sadd.s32 @!p1 s7, s5;
	s7 =	simm.s32 @!p1 $0x300  }
0xa3: {  	s18 =	simm.s32 @!p1 $0x80;
	s12 =	simm.s32 @!p1 $0xD2000;
	s13 =	sadd.s32 @!p1 $0x70, s6  }
.LBB2_3:
0xa4: {  	[tilespmem:s7], [sflag:$0x8] =	stream.strided.gather @!p1 [hbm4b:s13+s18], $0x100, s12, s18, $0x38;
	[tilespmem:$0x1A000] =	vst v63  }
0xa5: {  	[bflag:$0x0] =	sbarrier.arrive $0xFFFF  }
0xa6: {  	s12 =	rddreg [dreg:$0x12]  }
0xa7: {  	s6 =	rddreg [dreg:$0x14]  }
0xa8: {  	s16 =	rddreg [dreg:$0x16]  }
0xa9: {  	[hbm:s6], [sflag:s12] =	dma.local [spmem:s16], $0x2780  }
0xaa: {  	_ =	swait.ge [sflag:s22], $0x2780  }
0xab: {  	s11 =	sadd.s32 $0x1, s11;
	s18 =	rddreg [dreg:$0x15]  }
0xac: {  	p0 =	sne.s32 s11, s18  }
.Ltmp2:
0xad: {  	_ = 	snop;
	(pc) =	sbr.rel @p0 .LBB2_1-.Ltmp2, $3  }
0xae: {  	_ =	sdelay $0x1  }
0xaf: {  	[sflag:s22] =	ssyncset.done $0x0  }
0xb0: {  	[sflag:s22] =	ssyncadd.s32 $0xFFFFD880  }
0xb1: {  	_ =	sfence.sel $0x180000  }
0xb2: {  	[bflag:$0x0] =	sbarrier.arrive $0xFFFF  }
0xb3: {  	_ =	strace $0x9000004A  }
0xb4: {  	s0 =	stileid.u32;
	[bflag:$0x2] =	sbarrier.arrive $0xFFFF  }
0xb5: {  	p0 =	sne.s32 s0, $0x0;
	s0 =	rddreg [dreg:$0x3]  }
0xb6: {  	s0 =	sadd.s32 @!p0 $0x100000, s0  }
0xb7: {  	[sflag:s0] =	ssyncadd.tile.s32 @!p0 $0x1;
	_ =	shalt  }
.Lfunc_end2:
_tile_overlayer_lowered:
.L_overlay_start_2:
0xb8: {  	(tag) =	ssettag $0x2  }
0xb9: {  	s0 =	rddreg [dreg:$0x0];
	s2 =	stileid.u32  }
0xba: {  	s1 =	rddreg [dreg:$0x1];
	p0 =	sne.s32 s2, $0x0  }
0xbb: {  	s3 =	rddreg [dreg:$0x2];
	[bflag:$0x3] =	sbarrier.arrive $0xFFFF;
	s2 =	simm.s32 @!p0 $0x1C09  }
0xbc: {  	[timem:s3], [sflag:s2] =	dma.local @!p0 [hbm:s0], s1  }
0xbd: {  	s0 =	simm.s32 @!p0 $0x9  }
0xbe: {  	_ =	swait.ge @!p0 [sflag:s0], s1  }
0xbf: {  	s1 =	ssub.s32 @!p0 $0x0, s1;
	[sflag:s0] =	ssyncset.done @!p0 $0x0  }
0xc0: {  	[sflag:s0] =	ssyncadd.s32 @!p0 s1  }
0xc1: {  	[bflag:$0x3] =	sbarrier.arrive $0xFFFF  }
0xc2: {  	_ =	shalt  }

// kernel: kernel.14.cloned.1.call-start
scs
__scs_entry_jumppad:
0x0: {  	(pc) =	sbr.rel $0x88, $3  }
0x1: {  	(tag) =	ssettag $0x0;
	lr =	simm.s32 $0x1  }
0x2: {  	[smem:$0x3F9B] =	sst lr;
	_ =	strace $0xD0000000  }
0x3: {  	_ = 	snop  }
0x4: {  	_ = 	snop  }
0x5: {  	_ = 	snop  }
0x6: {  	_ = 	snop  }
0x7: {  	_ = 	snop  }
__scs_overlays_trampoline_lowered:
0x8: {  	[smem:$0x3FAA] =	sst s0  }
0x9: {  	[smem:$0x3FAB] =	sst s1  }
0xa: {  	[smem:$0x3FAC] =	sst s2  }
0xb: {  	[smem:$0x3FAD] =	sst s3  }
0xc: {  	[smem:$0x3FAE] =	sst s4  }
0xd: {  	[smem:$0x3FAF] =	sst s5  }
0xe: {  	[smem:$0x3FB0] =	sst s6  }
0xf: {  	[smem:$0x3FB1] =	sst s7  }
0x10: {  	[smem:$0x3FB2] =	sst s8  }
0x11: {  	[smem:$0x3FB3] =	sst s9;
	s0 =	simm.s32 @!p0 $0x0  }
0x12: {  	s1 =	sld [smem:$0x3F99];
	s0 =	simm.s32 @p0 $0x1  }
0x13: {  	[smem:$0x3FB4] =	sst s0;
	s0 =	simm.s32 @!p1 $0x0  }
0x14: {  	s2 =	sld [smem:$0x3F98];
	s0 =	simm.s32 @p1 $0x1  }
0x15: {  	[smem:$0x3FB5] =	sst s0;
	s0 =	simm.s32 @!p2 $0x0  }
0x16: {  	s3 =	sld [smem:$0x3FDB];
	s0 =	simm.s32 @p2 $0x1  }
0x17: {  	s4 =	simm.s32 $0x1BF5;
	[smem:$0x3FB7] =	sst s0  }
0x18: {  	s0 =	sld [smem:$0x3F9A];
	_ =	swait.ge [sflag:s4], $0x0  }
0x19: {  	s7 =	sld [smem:$0x3F9B]  }
0x1a: {  	s8 =	sadd.s32 $0xFFFFE003, lr  }
0x1b: {  	s9 =	sadd.s32 $0xFFFFFEF7, lr;
	s5 =	simm.s32 $0xFFFFFFFF;
	p2 =	slt.u32 s8, $0xFFFFF086  }
0x1c: {  	p1 =	slt.u32 s9, $0xF7A;
	s5 =	simm.s32 @!p2 $0x0  }
0x1d: {  	s5 =	simm.s32 @p1 $0x1;
	p0 =	seq.s32 s7, s2  }
0x1e: {  	s7 =	smul.u32 @!p0 $0xF7A, s2;
	p2 =	seq.s32 @!p0 s5, $0x0  }
0x1f: {  	s9 =	smul.u32 $0xF7A, s1;
	s8 =	simm.s32 @!p0 $0x1BF5;
	p2 =	por !p2, p0  }
0x20: {  	[sflag:s8] =	ssyncset.s32 @!p0 $0xFFFFF086;
	s6 =	sadd.s32 @!p0 s3, s7;
	s7 =	simm.s32 @!p0 $0x108  }
0x21: {  	s3 =	sadd.s32 s3, s9;
	s6 =	sadd.s32 @!p0 $0x88, s6;
	s7 =	simm.s32 @p2 $0x1082  }
0x22: {  	[simem:s7], [sflag:s8] =	dma.local @!p0 [hbm:s6], $0xF7A  }
0x23: {  	s9 =	sor.u32 $0xD0000000, s2;
	s6 =	simm.s32 $0x108;
	_ =	swait.ge @!p0 [sflag:s8], $0x0  }
0x24: {  	s3 =	sadd.s32 $0x88, s3;
	s6 =	simm.s32 @!p1 $0x1082;
	[sflag:s4] =	ssyncset.s32 $0xFFFFF086  }
0x25: {  	[simem:s6], [sflag:s4] =	dma.local [hbm:s3], $0xF7A  }
0x26: {  	[smem:$0x3F9B] =	sst s1;
	(tag) =	ssettag s2;
	_ =	strace s9  }
0x27: {  	s1 =	sld [smem:$0x3FAB]  }
0x28: {  	s2 =	sld [smem:$0x3FAC]  }
0x29: {  	s4 =	sld [smem:$0x3FAE]  }
0x2a: {  	p0 =	seq.s32 s5, $0x0;
	s5 =	sld [smem:$0x3FAF]  }
0x2b: {  	s6 =	sld [smem:$0x3FB0]  }
0x2c: {  	s7 =	sld [smem:$0x3FB1]  }
0x2d: {  	s3 =	simm.s32 $0x108;
	s8 =	sld [smem:$0x3FB2]  }
0x2e: {  	s3 =	simm.s32 @!p0 $0x1082;
	s9 =	sld [smem:$0x3FB3]  }
0x2f: {  	lr =	sadd.s32 s0, s3;
	s0 =	sld [smem:$0x3FAA]  }
0x30: {  	s3 =	sld [smem:$0x3FAD]  }
0x31: {  	[smem:$0x3FB6] =	sst s10  }
0x32: {  	s10 =	sld [smem:$0x3FB4];
	_ =	sdelay $0x3  }
0x33: {  	p0 =	seq.s32 s10, $0x1;
	s10 =	sld [smem:$0x3FB6];
	_ =	sdelay $0x3  }
0x34: {  	[smem:$0x3FB6] =	sst s10  }
0x35: {  	s10 =	sld [smem:$0x3FB5];
	_ =	sdelay $0x3  }
0x36: {  	p1 =	seq.s32 s10, $0x1;
	s10 =	sld [smem:$0x3FB6];
	_ =	sdelay $0x3  }
0x37: {  	[smem:$0x3FB6] =	sst s10  }
0x38: {  	s10 =	sld [smem:$0x3FB7]  }
0x39: {  	_ = 	snop;
	(pc) =	sbr.ind lr, $3  }
0x3a: {  	_ = 	snop  }
0x3b: {  	_ = 	snop  }
0x3c: {  	p2 =	seq.s32 s10, $0x1;
	s10 =	sld [smem:$0x3FB6]  }
0x3d: {  	_ =	shalt  }
0x3e: {  	_ =	shalt  }
0x3f: {  	_ =	shalt  }
0x40: {  	_ =	shalt  }
0x41: {  	_ =	shalt  }
0x42: {  	_ =	shalt  }
0x43: {  	_ =	shalt  }
0x44: {  	_ =	shalt  }
0x45: {  	_ =	shalt  }
0x46: {  	_ =	shalt  }
0x47: {  	_ =	shalt  }
0x48: {  	_ =	shalt  }
0x49: {  	_ =	shalt  }
0x4a: {  	_ =	shalt  }
0x4b: {  	_ =	shalt  }
0x4c: {  	_ =	shalt  }
0x4d: {  	_ =	shalt  }
0x4e: {  	_ =	shalt  }
0x4f: {  	_ =	shalt  }
0x50: {  	_ =	shalt  }
0x51: {  	_ =	shalt  }
0x52: {  	_ =	shalt  }
0x53: {  	_ =	shalt  }
0x54: {  	_ =	shalt  }
0x55: {  	_ =	shalt  }
0x56: {  	_ =	shalt  }
0x57: {  	_ =	shalt  }
0x58: {  	_ =	shalt  }
0x59: {  	_ =	shalt  }
0x5a: {  	_ =	shalt  }
0x5b: {  	_ =	shalt  }
0x5c: {  	_ =	shalt  }
0x5d: {  	_ =	shalt  }
0x5e: {  	_ =	shalt  }
0x5f: {  	_ =	shalt  }
0x60: {  	_ =	shalt  }
0x61: {  	_ =	shalt  }
0x62: {  	_ =	shalt  }
0x63: {  	_ =	shalt  }
0x64: {  	_ =	shalt  }
0x65: {  	_ =	shalt  }
0x66: {  	_ =	shalt  }
0x67: {  	_ =	shalt  }
0x68: {  	_ =	shalt  }
0x69: {  	_ =	shalt  }
0x6a: {  	_ =	shalt  }
0x6b: {  	_ =	shalt  }
0x6c: {  	_ =	shalt  }
0x6d: {  	_ =	shalt  }
0x6e: {  	_ =	shalt  }
0x6f: {  	_ =	shalt  }
0x70: {  	_ =	shalt  }
0x71: {  	_ =	shalt  }
0x72: {  	_ =	shalt  }
0x73: {  	_ =	shalt  }
0x74: {  	_ =	shalt  }
0x75: {  	_ =	shalt  }
0x76: {  	_ =	shalt  }
0x77: {  	_ =	shalt  }
0x78: {  	_ =	shalt  }
0x79: {  	_ =	shalt  }
0x7a: {  	_ =	shalt  }
0x7b: {  	_ =	shalt  }
0x7c: {  	_ =	shalt  }
0x7d: {  	_ =	shalt  }
0x7e: {  	_ =	shalt  }
0x7f: {  	_ =	shalt  }
0x80: {  	_ =	shalt  }
0x81: {  	_ =	shalt  }
0x82: {  	_ =	shalt  }
0x83: {  	_ =	shalt  }
0x84: {  	_ =	shalt  }
0x85: {  	_ =	shalt  }
0x86: {  	_ =	shalt  }
0x87: {  	_ =	shalt  }
.Lfunc_end0:
.L_simem_size_0:
called_computation.2_lowered:
.L_overlay_start_0:
0x88: {  	s2 =	sld [smem:$0x3FD9]  }
0x89: {  	s3 =	sld [smem:$0x3FFE];
	_ =	sdelay $0x1  }
0x8a: {  	s1 =	srdreg.scid  }
0x8b: {  	s0 =	sand.u32 $0x1, s1  }
0x8c: {  	s17 =	sshll.u32 s0, $0xA;
	s2 =	sadd.s32 s3, s2  }
0x8d: {  	s2 =	sadd.s32 s2, s17  }
0x8e: {  	[smem:$0x3FC2] =	sst s2  }
0x8f: {  	_ = 	snop  }
0x90: {  	s2 =	sld [smem:$0x3FD0];
	(tm) =	ssettm $0x1  }
0x91: {  	s18 =	sld [smem:$0x3FFB];
	_ =	sdelay $0x3  }
0x92: {  	_ =	strace s18  }
0x93: {  	s3 =	sld [smem:$0x3FFC];
	_ =	sdelay $0x3  }
0x94: {  	_ =	strace s3  }
0x95: {  	s3 =	sld [smem:$0x3FFD];
	_ =	sdelay $0x3  }
0x96: {  	_ =	strace s3  }
0x97: {  	_ =	strace $0x8FFFFFFF  }
0x98: {  	s19 =	sld [smem:$0x3FDB];
	_ =	sdelay $0x1  }
0x99: {  	s4 =	simm.s32 $_scs_section_size  }
0x9a: {  	s5 =	simm.s32 $_size__tile_overlayer_lowered;
	s6 =	simm.s32 $_tile_overlayer_lowered  }
0x9b: {  	s22 =	simm.s32 $0x1BFF;
	s21 =	sshll.u32 s6, $0x1;
	s3 =	sadd.s32 s4, s19  }
0x9c: {  	s7 =	simm.s32 $0x0;
	s20 =	sshll.u32 s5, $0x1;
	s5 =	sadd.s32 s21, s3  }
0x9d: {  	[timem:s7], [sflag:s22] =	dma.local [hbm:s5], s20  }
0x9e: {  	_ =	swait.ge [sflag:s22], s20  }
0x9f: {  	s4 =	ssub.s32 $0x0, s20;
	[sflag:s22] =	ssyncset.done $0x0  }
0xa0: {  	[sflag:s22] =	ssyncadd.s32 s4;
	_ =	sdelay $0x1  }
0xa1: {  	s23 =	simm.s32 $0x1B8B  }
0xa2: {  	_ =	swait.ge [sflag:s23], $0x1  }
0xa3: {  	[sflag:s23] =	ssyncset.done $0x0  }
0xa4: {  	s25 =	simm.s32 $0x1B8E;
	s24 =	sld [smem:$0x3FFE];
	[sflag:s23] =	ssyncadd.s32 $0xFFFFFFFF  }
0xa5: {  	s26 =	simm.s32 $execute0_lowered;
	[smem:$0x3FD2] =	sst s25  }
0xa6: {  	s5 =	sshll.u32 s26, $0x1;
	_ =	strace $0x8000004C;
	[dreg:$0x1] =	wrdreg $0xFFFFFFFF  }
0xa7: {  	s28 =	simm.s32 $_size_execute0_lowered;
	s3 =	sadd.s32 s3, s5;
	[dreg:$0x0] =	wrdreg $0x0  }
0xa8: {  	s5 =	sshll.u32 s28, $0x1;
	[dreg:$0x2] =	wrdreg s3  }
0xa9: {  	[dreg:$0x3] =	wrdreg s5  }
0xaa: {  	[dreg:$0x4] =	wrdreg $0xC0  }
0xab: {  	_ =	task [dreg:s7], $0x5FFFF  }
0xac: {  	[dreg:$0x1] =	wrdreg $0xFFFFFFFF  }
0xad: {  	[dreg:$0x0] =	wrdreg $0x60  }
0xae: {  	[dreg:$0x2] =	wrdreg s2  }
0xaf: {  	[dreg:$0x3] =	wrdreg s24  }
0xb0: {  	[dreg:$0x4] =	wrdreg $0x64000  }
0xb1: {  	[dreg:$0x5] =	wrdreg $0x9  }
0xb2: {  	_ =	task.clear_ibuf [dreg:s7], $0x6FFFF;
	_ =	strace $0x9000004C  }
0xb3: {  	s29 =	simm.s32 $0x9;
	_ =	strace $0x8000004E  }
0xb4: {  	_ =	swait.ge [sflag:s29], $0x1  }
0xb5: {  	[sflag:s29] =	ssyncadd.s32 $0xFFFFFFFF  }
0xb6: {  	_ =	strace $0x9000004E  }
0xb7: {  	_ =	sfence  }
0xb8: {  	s30 =	sld [smem:$0x0];
	_ =	sdelay $0x2  }
0xb9: {  	s31 =	sshll.u32 s1, $0xD;
	s1 =	sshrl.u32 s1, $0x2  }
0xba: {  	s3 =	sand.u32 $0x4000, s31;
	s1 =	sadd.s32 s1, s30  }
0xbb: {  	s0 =	sor.u32 s3, s0;
	s1 =	sshll.u32 s1, $0x11  }
0xbc: {  	s0 =	sor.u32 s1, s0  }
0xbd: {  	s0 =	sadd.s32 $0x8F2B, s0  }
0xbe: {  	[sflag:s0] =	ssyncadd.remote.s32 $0x1  }
0xbf: {  	_ =	sfence.sel $0xFFFF  }
0xc0: {  	[dreg:$0x0] =	wrdreg $0xFFFFFFFF;
	(pc) =	sbr.abs _section_cstart, $3  }
0xc1: {  	[dreg:$0x1] =	wrdreg $0xFFFFFFFF  }
0xc2: {  	_ =	task.clear_ibuf [dreg:s7], $0x2FFFF;
	_ =	strace $0x9FFFFFFF  }
0xc3: {  	(tm) =	ssettm $0x7FFFFFFF  }
tec
execute0_lowered:
.L_overlay_start_1:
0x0: {  	(tag) =	ssettag $0x1  }
0x1: {  	s2 =	rddreg [dreg:$0x0]  }
0x2: {  	s0 =	rddreg [dreg:$0x1]  }
0x3: {  	s3 =	rddreg [dreg:$0x2];
	s11 =	stileid.u32  }
0x4: {  	s1 =	srdreg.scid;
	s4 =	simm.s32 $0x0;
	s24 =	simm.s32 $0x180  }
0x5: {  	s25 =	simm.s32 $0x280;
	s28 =	simm.s32 $0x1C00;
	s6 =	smul.u32 $0x13C00, s11  }
0x6: {  	s29 =	simm.s32 $0x7;
	s30 =	simm.s32 $0x3400;
	s26 =	smul.u32 $0x78, s11  }
0x7: {  	s31 =	simm.s32 $0x8;
	s1 =	sand.u32 $0x1, s1;
	s9 =	smul.u32 $0x12C, s11  }
0x8: {  	[smem:$0x7FF] =	sst s4;
	s5 =	sadd.s32 $0x79A00, s0;
	s13 =	smul.u32 $0x4F000, s11  }
0x9: {  	s16 =	sshll.u32 s11, $0x6;
	s11 =	simm.s32 $0x0;
	s7 =	smul.u32 $0x13C000, s1  }
0xa: {  	_ =	strace $0x8000004D;
	s10 =	ssub.s32 $0x2, s1;
	[dreg:$0x8] =	wrdreg s24  }
0xb: {  	p0 =	seq.s32 s1, $0x0;
	[dreg:$0x9] =	wrdreg s25;
	s24 =	simm.s32 $0x30  }
0xc: {  	s25 =	simm.s32 $0x400;
	s8 =	sshrl.u32 s6, $0x3;
	s1 =	sadd.s32 $0x12C0, s26  }
0xd: {  	s26 =	simm.s32 $0x380;
	s6 =	sadd.s32 s6, s7;
	s8 =	sadd.s32 s8, s0  }
0xe: {  	s1 =	smov.u32 @p0 s9;
	s9 =	simm.s32 $0x12C;
	[dreg:$0xa] =	wrdreg s26  }
0xf: {  	s26 =	simm.s32 $0x6;
	s6 =	sshrl.u32 s6, $0x3;
	s12 =	sshll.u32 s1, $0x4  }
0x10: {  	s1 =	sshrl.u32 s13, $0x2;
	s17 =	sadd.s32 $0x3200, s8;
	[dreg:$0xb] =	wrdreg s12  }
0x11: {  	s9 =	simm.s32 @!p0 $0x78;
	s1 =	sadd.s32 s1, s3;
	[dreg:$0x11] =	wrdreg s17  }
0x12: {  	s8 =	simm.s32 $0x2;
	s19 =	sshrl.u32 s9, $0x2;
	[dreg:$0x10] =	wrdreg s1  }
0x13: {  	s0 =	sadd.s32 s6, s0;
	s18 =	sadd.s32 $0xFFFFFFFC, s9;
	[dreg:$0x13] =	wrdreg s19  }
0x14: {  	s6 =	sshrl.u32 s10, $0x1;
	s20 =	sadd.s32 $0xFFFFFFFB, s9;
	[dreg:$0x4] =	wrdreg s18  }
0x15: {  	s21 =	sadd.s32 $0xFFFFFFFA, s9;
	s23 =	sadd.s32 $0xFFFFFFF9, s9;
	[dreg:$0x5] =	wrdreg s20  }
0x16: {  	s17 =	simm.s32 $0x80;
	s9 =	simm.s32 $0x3;
	[dreg:$0x6] =	wrdreg s21  }
0x17: {  	s7 =	ssub.s32 s10, s6;
	s6 =	sadd.s32 s5, s12;
	[dreg:$0x7] =	wrdreg s23  }
0x18: {  	s12 =	sor.u32 $0x1C09, s16;
	s0 =	sadd.s32 $0xAE200, s0;
	[dreg:$0xc] =	wrdreg s6  }
0x19: {  	s19 =	simm.s32 $0x100;
	s20 =	simm.s32 $0x200;
	[dreg:$0x14] =	wrdreg s0  }
0x1a: {  	s21 =	simm.s32 $0x300;
	s14 =	sadd.s32 $0x10, s6;
	[dreg:$0x12] =	wrdreg s12  }
0x1b: {  	s23 =	simm.s32 $0x5;
	s15 =	sadd.s32 $0x20, s6;
	[dreg:$0xd] =	wrdreg s14  }
0x1c: {  	s1 =	simm.s32 $0x1;
	s6 =	sadd.s32 $0x30, s6;
	[dreg:$0xe] =	wrdreg s15  }
0x1d: {  	s10 =	simm.s32 $0x4;
	s22 =	smax.u32 s7, $0x1;
	[dreg:$0xf] =	wrdreg s6  }
0x1e: {  	s0 =	simm.s32 $0x4C00;
	[dreg:$0x15] =	wrdreg s22;
	s22 =	simm.s32 $0x9  }
.LBB2_1:
0x1f: {  	s6 =	rddreg [dreg:$0xc]  }
0x20: {  	s15 =	rddreg [dreg:$0xd]  }
0x21: {  	s16 =	rddreg [dreg:$0xe]  }
0x22: {  	s7 =	simm.s32 $0xD2000;
	s13 =	rddreg [dreg:$0x10]  }
0x23: {  	[tilespmem:s4], [sflag:$0x5] =	stream.strided.gather [hbm4b:s6+s17], $0x100, s7, s17, $0x38;
	[tilespmem:$0x1A000] =	vst v63  }
0x24: {  	s18 =	rddreg [dreg:$0xf];
	s14 =	sshrl.u32 s13, $0x3  }
0x25: {  	[tilespmem:s19], [sflag:$0x6] =	stream.strided.gather [hbm4b:s15+s17], $0x100, s7, s17, $0x38;
	[tilespmem:$0x1A000] =	vst v63  }
0x26: {  	[dreg:$0x16] =	wrdreg s14  }
0x27: {  	[tilespmem:s20], [sflag:$0x7] =	stream.strided.gather [hbm4b:s16+s17], $0x100, s7, s17, $0x38;
	[tilespmem:$0x1A000] =	vst v63  }
0x28: {  	s15 =	rddreg [dreg:$0x11]  }
0x29: {  	[tilespmem:s21], [sflag:$0x8] =	stream.strided.gather [hbm4b:s18+s17], $0x100, s7, s17, $0x38;
	[tilespmem:$0x1A000] =	vst v63  }
0x2a: {  	[spmem:s14], [sflag:s12] =	dma.local [hbm:s15], $0x2780  }
0x2b: {  	_ =	swait.ge [sflag:s22], $0x2780  }
0x2c: {  	[sflag:s22] =	ssyncset.done $0x0  }
0x2d: {  	[sflag:s22] =	ssyncadd.s32 $0xFFFFD880  }
0x2e: {  	[bflag:$0x0] =	sbarrier.arrive $0xFFFF  }
0x2f: {  	_ =	swait.ge [sflag:s23], $0x100  }
0x30: {  	[sflag:s23] =	ssyncset.done $0x0  }
0x31: {  	[sflag:s23] =	ssyncadd.s32 $0xFFFFFF00  }
0x32: {  	[tilespmem:s25], [sflag:$0x1] =	stream.indirect.gather [hbm4b:s2+s24], $0x80, s4, s24, $0xb8;
	[tilespmem:$0x1A000] =	vst v63  }
0x33: {  	_ =	swait.ge [sflag:s26], $0x100  }
0x34: {  	[sflag:s26] =	ssyncset.done $0x0  }
0x35: {  	[sflag:s26] =	ssyncadd.s32 $0xFFFFFF00  }
0x36: {  	[tilespmem:s28], [sflag:$0x2] =	stream.indirect.gather [hbm4b:s2+s24], $0x80, s19, s24, $0xb8;
	[tilespmem:$0x1A000] =	vst v63  }
0x37: {  	_ =	swait.ge [sflag:s29], $0x100  }
0x38: {  	[sflag:s29] =	ssyncset.done $0x0  }
0x39: {  	[sflag:s29] =	ssyncadd.s32 $0xFFFFFF00  }
0x3a: {  	[tilespmem:s30], [sflag:$0x3] =	stream.indirect.gather [hbm4b:s2+s24], $0x80, s20, s24, $0xb8;
	[tilespmem:$0x1A000] =	vst v63  }
0x3b: {  	_ =	swait.ge [sflag:s31], $0x100  }
0x3c: {  	[sflag:s31] =	ssyncset.done $0x0  }
0x3d: {  	[sflag:s31] =	ssyncadd.s32 $0xFFFFFF00  }
0x3e: {  	[tilespmem:s0], [sflag:$0x4] =	stream.indirect.gather [hbm4b:s2+s24], $0x80, s21, s24, $0xb8;
	[tilespmem:$0x1A000] =	vst v63  }
0x3f: {  	_ =	swait.ge [sflag:s1], $0x1800  }
0x40: {  	[sflag:s1] =	ssyncset.done $0x0  }
0x41: {  	[sflag:s1] =	ssyncadd.s32 $0xFFFFE800  }
0x42: {  	[spmem:s3] =	stream.indirect.scatter.add.f32 [tilespmem:s25], [sflag:$0x9], $0x80, s17, s24, $0xb8;
	[tilespmem:$0x1A000] =	vst v63  }
0x43: {  	_ =	swait.ge [sflag:s22], $0x1800  }
0x44: {  	s16 =	rddreg [dreg:$0x4]  }
0x45: {  	[sflag:s22] =	ssyncset.done $0x0;
	s6 =	rddreg [dreg:$0xb];
	p0 =	sle.u32 s16, $0x0  }
0x46: {  	[sflag:s22] =	ssyncadd.s32 $0xFFFFE800;
	s7 =	sadd.s32 @!p0 s6, s5;
	s12 =	simm.s32 @!p0 $0xD2000  }
0x47: {  	s13 =	simm.s32 @!p0 $0x0;
	s14 =	simm.s32 @!p0 $0x80;
	s7 =	sadd.s32 @!p0 $0x40, s7  }
0x48: {  	[tilespmem:s13], [sflag:$0x5] =	stream.strided.gather @!p0 [hbm4b:s7+s14], $0x100, s12, s14, $0x38;
	[tilespmem:$0x1A000] =	vst v63  }
0x49: {  	_ =	swait.ge [sflag:s8], $0x1800  }
0x4a: {  	[sflag:s8] =	ssyncset.done $0x0  }
0x4b: {  	s18 =	rddreg [dreg:$0x8];
	[sflag:s8] =	ssyncadd.s32 $0xFFFFE800  }
0x4c: {  	[spmem:s3] =	stream.indirect.scatter.add.f32 [tilespmem:s28], [sflag:$0x9], $0x80, s18, s24, $0xb8;
	[tilespmem:$0x1A000] =	vst v63  }
0x4d: {  	_ =	swait.ge [sflag:s22], $0x1800  }
0x4e: {  	s12 =	rddreg [dreg:$0x5]  }
0x4f: {  	p0 =	sle.u32 s12, $0x0  }
0x50: {  	[sflag:s22] =	ssyncset.done $0x0;
	s7 =	sadd.s32 @!p0 $0x50, s6  }
0x51: {  	[sflag:s22] =	ssyncadd.s32 $0xFFFFE800;
	s12 =	simm.s32 @!p0 $0xD2000;
	s7 =	sand.u32 @!p0 $0x1FFFFFD0, s7  }
0x52: {  	s13 =	simm.s32 @!p0 $0x100;
	s14 =	simm.s32 @!p0 $0x80;
	s7 =	sadd.s32 @!p0 s5, s7  }
0x53: {  	[tilespmem:s13], [sflag:$0x6] =	stream.strided.gather @!p0 [hbm4b:s7+s14], $0x100, s12, s14, $0x38;
	[tilespmem:$0x1A000] =	vst v63  }
0x54: {  	_ =	swait.ge [sflag:s9], $0x1800  }
0x55: {  	[sflag:s9] =	ssyncset.done $0x0  }
0x56: {  	s13 =	rddreg [dreg:$0x9];
	[sflag:s9] =	ssyncadd.s32 $0xFFFFE800  }
0x57: {  	[spmem:s3] =	stream.indirect.scatter.add.f32 [tilespmem:s30], [sflag:$0x9], $0x80, s13, s24, $0xb8;
	[tilespmem:$0x1A000] =	vst v63  }
0x58: {  	_ =	swait.ge [sflag:s22], $0x1800  }
0x59: {  	s14 =	rddreg [dreg:$0x6]  }
0x5a: {  	[sflag:s22] =	ssyncset.done $0x0;
	p0 =	sle.u32 s14, $0x0  }
0x5b: {  	[sflag:s22] =	ssyncadd.s32 $0xFFFFE800;
	s7 =	sadd.s32 @!p0 s6, s5;
	s12 =	simm.s32 @!p0 $0xD2000  }
0x5c: {  	s13 =	simm.s32 @!p0 $0x200;
	s14 =	simm.s32 @!p0 $0x80;
	s7 =	sadd.s32 @!p0 $0x60, s7  }
0x5d: {  	[tilespmem:s13], [sflag:$0x7] =	stream.strided.gather @!p0 [hbm4b:s7+s14], $0x100, s12, s14, $0x38;
	[tilespmem:$0x1A000] =	vst v63  }
0x5e: {  	_ =	swait.ge [sflag:s10], $0x1800  }
0x5f: {  	[sflag:s10] =	ssyncset.done $0x0  }
0x60: {  	s15 =	rddreg [dreg:$0xa];
	[sflag:s10] =	ssyncadd.s32 $0xFFFFE800  }
0x61: {  	[spmem:s3] =	stream.indirect.scatter.add.f32 [tilespmem:s0], [sflag:$0x9], $0x80, s15, s24, $0xb8;
	[tilespmem:$0x1A000] =	vst v63  }
0x62: {  	_ =	swait.ge [sflag:s22], $0x1800  }
0x63: {  	s18 =	rddreg [dreg:$0x13]  }
0x64: {  	s14 =	sadd.s32 $0xFFFFFFFF, s18  }
0x65: {  	p0 =	sne.s32 s14, $0x0  }
.Ltmp0:
0x66: {  	_ = 	snop;
	(pc) =	sbr.rel @!p0 .LBB2_3-.Ltmp0, $4  }
0x67: {  	s16 =	rddreg [dreg:$0x7];
	[sflag:s22] =	ssyncset.done $0x0  }
0x68: {  	s15 =	sadd.s32 $0x40, s6;
	[sflag:s22] =	ssyncadd.s32 $0xFFFFE800;
	p1 =	sle.u32 s16, $0x0  }
0x69: {  	s16 =	simm.s32 $0x4;
	s12 =	sadd.s32 @!p1 s6, s5;
	s7 =	simm.s32 @!p1 $0x300  }
0x6a: {  	s18 =	simm.s32 @!p1 $0x80;
	s13 =	sadd.s32 @!p1 $0x70, s12;
	s12 =	simm.s32 @!p1 $0xD2000  }
.LBB2_2:
0x6b: {  	[tilespmem:s7], [sflag:$0x8] =	stream.strided.gather @!p1 [hbm4b:s13+s18], $0x100, s12, s18, $0x38;
	[tilespmem:$0x1A000] =	vst v63  }
0x6c: {  	_ =	swait.ge [sflag:s23], $0x100  }
0x6d: {  	[sflag:s23] =	ssyncset.done $0x0  }
0x6e: {  	[sflag:s23] =	ssyncadd.s32 $0xFFFFFF00  }
0x6f: {  	[tilespmem:s25], [sflag:$0x1] =	stream.indirect.gather [hbm4b:s2+s24], $0x80, s4, s24, $0xb8;
	[tilespmem:$0x1A000] =	vst v63  }
0x70: {  	_ =	swait.ge [sflag:s26], $0x100  }
0x71: {  	[sflag:s26] =	ssyncset.done $0x0  }
0x72: {  	[sflag:s26] =	ssyncadd.s32 $0xFFFFFF00  }
0x73: {  	[tilespmem:s28], [sflag:$0x2] =	stream.indirect.gather [hbm4b:s2+s24], $0x80, s19, s24, $0xb8;
	[tilespmem:$0x1A000] =	vst v63  }
0x74: {  	_ =	swait.ge [sflag:s29], $0x100  }
0x75: {  	[sflag:s29] =	ssyncset.done $0x0  }
0x76: {  	[sflag:s29] =	ssyncadd.s32 $0xFFFFFF00  }
0x77: {  	[tilespmem:s30], [sflag:$0x3] =	stream.indirect.gather [hbm4b:s2+s24], $0x80, s20, s24, $0xb8;
	[tilespmem:$0x1A000] =	vst v63  }
0x78: {  	_ =	swait.ge [sflag:s31], $0x100  }
0x79: {  	[sflag:s31] =	ssyncset.done $0x0  }
0x7a: {  	[sflag:s31] =	ssyncadd.s32 $0xFFFFFF00  }
0x7b: {  	[tilespmem:s0], [sflag:$0x4] =	stream.indirect.gather [hbm4b:s2+s24], $0x80, s21, s24, $0xb8;
	[tilespmem:$0x1A000] =	vst v63  }
0x7c: {  	_ =	swait.ge [sflag:s1], $0x1800  }
0x7d: {  	[sflag:s1] =	ssyncset.done $0x0  }
0x7e: {  	[sflag:s1] =	ssyncadd.s32 $0xFFFFE800  }
0x7f: {  	[spmem:s3] =	stream.indirect.scatter.add.f32 [tilespmem:s25], [sflag:$0x9], $0x80, s17, s24, $0xb8;
	[tilespmem:$0x1A000] =	vst v63  }
0x80: {  	_ =	swait.ge [sflag:s22], $0x1800  }
0x81: {  	s6 =	rddreg [dreg:$0x4]  }
0x82: {  	[sflag:s22] =	ssyncset.done $0x0;
	p1 =	sge.u32 s16, s6  }
0x83: {  	[sflag:s22] =	ssyncadd.s32 $0xFFFFE800;
	s12 =	sadd.s32 @!p1 s15, s5;
	s13 =	simm.s32 @!p1 $0xD2000  }
0x84: {  	s18 =	simm.s32 @!p1 $0x0;
	s6 =	simm.s32 @!p1 $0x80;
	s12 =	sadd.s32 @!p1 $0x40, s12  }
0x85: {  	[tilespmem:s18], [sflag:$0x5] =	stream.strided.gather @!p1 [hbm4b:s12+s6], $0x100, s13, s6, $0x38;
	[tilespmem:$0x1A000] =	vst v63  }
0x86: {  	_ =	swait.ge [sflag:s8], $0x1800  }
0x87: {  	[sflag:s8] =	ssyncset.done $0x0  }
0x88: {  	s12 =	rddreg [dreg:$0x8];
	[sflag:s8] =	ssyncadd.s32 $0xFFFFE800  }
0x89: {  	[spmem:s3] =	stream.indirect.scatter.add.f32 [tilespmem:s28], [sflag:$0x9], $0x80, s12, s24, $0xb8;
	[tilespmem:$0x1A000] =	vst v63  }
0x8a: {  	_ =	swait.ge [sflag:s22], $0x1800  }
0x8b: {  	s13 =	rddreg [dreg:$0x5]  }
0x8c: {  	p1 =	sge.u32 s16, s13  }
0x8d: {  	[sflag:s22] =	ssyncset.done $0x0;
	s6 =	sadd.s32 @!p1 $0x50, s15  }
0x8e: {  	[sflag:s22] =	ssyncadd.s32 $0xFFFFE800;
	s12 =	simm.s32 @!p1 $0xD2000;
	s6 =	sand.u32 @!p1 $0x1FFFFFD0, s6  }
0x8f: {  	s13 =	simm.s32 @!p1 $0x100;
	s18 =	simm.s32 @!p1 $0x80;
	s6 =	sadd.s32 @!p1 s5, s6  }
0x90: {  	[tilespmem:s13], [sflag:$0x6] =	stream.strided.gather @!p1 [hbm4b:s6+s18], $0x100, s12, s18, $0x38;
	[tilespmem:$0x1A000] =	vst v63  }
0x91: {  	_ =	swait.ge [sflag:s9], $0x1800  }
0x92: {  	[sflag:s9] =	ssyncset.done $0x0  }
0x93: {  	s18 =	rddreg [dreg:$0x9];
	[sflag:s9] =	ssyncadd.s32 $0xFFFFE800  }
0x94: {  	[spmem:s3] =	stream.indirect.scatter.add.f32 [tilespmem:s30], [sflag:$0x9], $0x80, s18, s24, $0xb8;
	[tilespmem:$0x1A000] =	vst v63  }
0x95: {  	_ =	swait.ge [sflag:s22], $0x1800  }
0x96: {  	s12 =	rddreg [dreg:$0x6]  }
0x97: {  	[sflag:s22] =	ssyncset.done $0x0;
	p1 =	sge.u32 s16, s12  }
0x98: {  	[sflag:s22] =	ssyncadd.s32 $0xFFFFE800;
	s6 =	sadd.s32 @!p1 s15, s5;
	s12 =	simm.s32 @!p1 $0xD2000  }
0x99: {  	s13 =	simm.s32 @!p1 $0x200;
	s18 =	simm.s32 @!p1 $0x80;
	s6 =	sadd.s32 @!p1 $0x60, s6  }
0x9a: {  	[tilespmem:s13], [sflag:$0x7] =	stream.strided.gather @!p1 [hbm4b:s6+s18], $0x100, s12, s18, $0x38;
	[tilespmem:$0x1A000] =	vst v63  }
0x9b: {  	_ =	swait.ge [sflag:s10], $0x1800  }
0x9c: {  	s14 =	sadd.s32 $0xFFFFFFFF, s14;
	[sflag:s10] =	ssyncset.done $0x0  }
0x9d: {  	p0 =	sne.s32 s14, $0x0;
	s13 =	rddreg [dreg:$0xa];
	[sflag:s10] =	ssyncadd.s32 $0xFFFFE800  }
0x9e: {  	[spmem:s3] =	stream.indirect.scatter.add.f32 [tilespmem:s0], [sflag:$0x9], $0x80, s13, s24, $0xb8;
	[tilespmem:$0x1A000] =	vst v63  }
.Ltmp1:
0x9f: {  	_ =	swait.ge [sflag:s22], $0x1800;
	(pc) =	sbr.rel @p0 .LBB2_2-.Ltmp1, $4  }
0xa0: {  	s7 =	smov.u32 s15;
	[sflag:s22] =	ssyncset.done $0x0;
	s18 =	rddreg [dreg:$0x7]  }
0xa1: {  	s15 =	sadd.s32 $0x40, s15;
	[sflag:s22] =	ssyncadd.s32 $0xFFFFE800;
	p1 =	sge.u32 s16, s18  }
0xa2: {  	s16 =	sadd.s32 $0x4, s16;
	s6 =	sadd.s32 @!p1 s7, s5;
	s7 =	simm.s32 @!p1 $0x300  }
0xa3: {  	s18 =	simm.s32 @!p1 $0x80;
	s12 =	simm.s32 @!p1 $0xD2000;
	s13 =	sadd.s32 @!p1 $0x70, s6  }
.LBB2_3:
0xa4: {  	[tilespmem:s7], [sflag:$0x8] =	stream.strided.gather @!p1 [hbm4b:s13+s18], $0x100, s12, s18, $0x38;
	[tilespmem:$0x1A000] =	vst v63  }
0xa5: {  	[bflag:$0x0] =	sbarrier.arrive $0xFFFF  }
0xa6: {  	s12 =	rddreg [dreg:$0x12]  }
0xa7: {  	s6 =	rddreg [dreg:$0x14]  }
0xa8: {  	s16 =	rddreg [dreg:$0x16]  }
0xa9: {  	[hbm:s6], [sflag:s12] =	dma.local [spmem:s16], $0x2780  }
0xaa: {  	_ =	swait.ge [sflag:s22], $0x2780  }
0xab: {  	s11 =	sadd.s32 $0x1, s11;
	s18 =	rddreg [dreg:$0x15]  }
0xac: {  	p0 =	sne.s32 s11, s18  }
.Ltmp2:
0xad: {  	_ = 	snop;
	(pc) =	sbr.rel @p0 .LBB2_1-.Ltmp2, $3  }
0xae: {  	_ =	sdelay $0x1  }
0xaf: {  	[sflag:s22] =	ssyncset.done $0x0  }
0xb0: {  	[sflag:s22] =	ssyncadd.s32 $0xFFFFD880  }
0xb1: {  	_ =	sfence.sel $0x180000  }
0xb2: {  	[bflag:$0x0] =	sbarrier.arrive $0xFFFF  }
0xb3: {  	_ =	strace $0x9000004D  }
0xb4: {  	s0 =	stileid.u32;
	[bflag:$0x2] =	sbarrier.arrive $0xFFFF  }
0xb5: {  	p0 =	sne.s32 s0, $0x0;
	s0 =	rddreg [dreg:$0x3]  }
0xb6: {  	s0 =	sadd.s32 @!p0 $0x100000, s0  }
0xb7: {  	[sflag:s0] =	ssyncadd.tile.s32 @!p0 $0x1;
	_ =	shalt  }
.Lfunc_end2:
_tile_overlayer_lowered:
.L_overlay_start_2:
0xb8: {  	(tag) =	ssettag $0x2  }
0xb9: {  	s0 =	rddreg [dreg:$0x0];
	s2 =	stileid.u32  }
0xba: {  	s1 =	rddreg [dreg:$0x1];
	p0 =	sne.s32 s2, $0x0  }
0xbb: {  	s3 =	rddreg [dreg:$0x2];
	[bflag:$0x3] =	sbarrier.arrive $0xFFFF;
	s2 =	simm.s32 @!p0 $0x1C09  }
0xbc: {  	[timem:s3], [sflag:s2] =	dma.local @!p0 [hbm:s0], s1  }
0xbd: {  	s0 =	simm.s32 @!p0 $0x9  }
0xbe: {  	_ =	swait.ge @!p0 [sflag:s0], s1  }
0xbf: {  	s1 =	ssub.s32 @!p0 $0x0, s1;
	[sflag:s0] =	ssyncset.done @!p0 $0x0  }
0xc0: {  	[sflag:s0] =	ssyncadd.s32 @!p0 s1  }
0xc1: {  	[bflag:$0x3] =	sbarrier.arrive $0xFFFF  }
0xc2: {  	_ =	shalt  }

// kernel: kernel.8.cloned.1.call-start
scs
__scs_entry_jumppad:
0x0: {  	(pc) =	sbr.rel $0x88, $3  }
0x1: {  	(tag) =	ssettag $0x0;
	lr =	simm.s32 $0x1  }
0x2: {  	[smem:$0x3F9B] =	sst lr;
	_ =	strace $0xD0000000  }
0x3: {  	_ = 	snop  }
0x4: {  	_ = 	snop  }
0x5: {  	_ = 	snop  }
0x6: {  	_ = 	snop  }
0x7: {  	_ = 	snop  }
__scs_overlays_trampoline_lowered:
0x8: {  	[smem:$0x3FAA] =	sst s0  }
0x9: {  	[smem:$0x3FAB] =	sst s1  }
0xa: {  	[smem:$0x3FAC] =	sst s2  }
0xb: {  	[smem:$0x3FAD] =	sst s3  }
0xc: {  	[smem:$0x3FAE] =	sst s4  }
0xd: {  	[smem:$0x3FAF] =	sst s5  }
0xe: {  	[smem:$0x3FB0] =	sst s6  }
0xf: {  	[smem:$0x3FB1] =	sst s7  }
0x10: {  	[smem:$0x3FB2] =	sst s8  }
0x11: {  	[smem:$0x3FB3] =	sst s9;
	s0 =	simm.s32 @!p0 $0x0  }
0x12: {  	s1 =	sld [smem:$0x3F99];
	s0 =	simm.s32 @p0 $0x1  }
0x13: {  	[smem:$0x3FB4] =	sst s0;
	s0 =	simm.s32 @!p1 $0x0  }
0x14: {  	s2 =	sld [smem:$0x3F98];
	s0 =	simm.s32 @p1 $0x1  }
0x15: {  	[smem:$0x3FB5] =	sst s0;
	s0 =	simm.s32 @!p2 $0x0  }
0x16: {  	s3 =	sld [smem:$0x3FDB];
	s0 =	simm.s32 @p2 $0x1  }
0x17: {  	s4 =	simm.s32 $0x1BF5;
	[smem:$0x3FB7] =	sst s0  }
0x18: {  	s0 =	sld [smem:$0x3F9A];
	_ =	swait.ge [sflag:s4], $0x0  }
0x19: {  	s7 =	sld [smem:$0x3F9B]  }
0x1a: {  	s8 =	sadd.s32 $0xFFFFE003, lr  }
0x1b: {  	s9 =	sadd.s32 $0xFFFFFEF7, lr;
	s5 =	simm.s32 $0xFFFFFFFF;
	p2 =	slt.u32 s8, $0xFFFFF086  }
0x1c: {  	p1 =	slt.u32 s9, $0xF7A;
	s5 =	simm.s32 @!p2 $0x0  }
0x1d: {  	s5 =	simm.s32 @p1 $0x1;
	p0 =	seq.s32 s7, s2  }
0x1e: {  	s7 =	smul.u32 @!p0 $0xF7A, s2;
	p2 =	seq.s32 @!p0 s5, $0x0  }
0x1f: {  	s9 =	smul.u32 $0xF7A, s1;
	s8 =	simm.s32 @!p0 $0x1BF5;
	p2 =	por !p2, p0  }
0x20: {  	[sflag:s8] =	ssyncset.s32 @!p0 $0xFFFFF086;
	s6 =	sadd.s32 @!p0 s3, s7;
	s7 =	simm.s32 @!p0 $0x108  }
0x21: {  	s3 =	sadd.s32 s3, s9;
	s6 =	sadd.s32 @!p0 $0x88, s6;
	s7 =	simm.s32 @p2 $0x1082  }
0x22: {  	[simem:s7], [sflag:s8] =	dma.local @!p0 [hbm:s6], $0xF7A  }
0x23: {  	s9 =	sor.u32 $0xD0000000, s2;
	s6 =	simm.s32 $0x108;
	_ =	swait.ge @!p0 [sflag:s8], $0x0  }
0x24: {  	s3 =	sadd.s32 $0x88, s3;
	s6 =	simm.s32 @!p1 $0x1082;
	[sflag:s4] =	ssyncset.s32 $0xFFFFF086  }
0x25: {  	[simem:s6], [sflag:s4] =	dma.local [hbm:s3], $0xF7A  }
0x26: {  	[smem:$0x3F9B] =	sst s1;
	(tag) =	ssettag s2;
	_ =	strace s9  }
0x27: {  	s1 =	sld [smem:$0x3FAB]  }
0x28: {  	s2 =	sld [smem:$0x3FAC]  }
0x29: {  	s4 =	sld [smem:$0x3FAE]  }
0x2a: {  	p0 =	seq.s32 s5, $0x0;
	s5 =	sld [smem:$0x3FAF]  }
0x2b: {  	s6 =	sld [smem:$0x3FB0]  }
0x2c: {  	s7 =	sld [smem:$0x3FB1]  }
0x2d: {  	s3 =	simm.s32 $0x108;
	s8 =	sld [smem:$0x3FB2]  }
0x2e: {  	s3 =	simm.s32 @!p0 $0x1082;
	s9 =	sld [smem:$0x3FB3]  }
0x2f: {  	lr =	sadd.s32 s0, s3;
	s0 =	sld [smem:$0x3FAA]  }
0x30: {  	s3 =	sld [smem:$0x3FAD]  }
0x31: {  	[smem:$0x3FB6] =	sst s10  }
0x32: {  	s10 =	sld [smem:$0x3FB4];
	_ =	sdelay $0x3  }
0x33: {  	p0 =	seq.s32 s10, $0x1;
	s10 =	sld [smem:$0x3FB6];
	_ =	sdelay $0x3  }
0x34: {  	[smem:$0x3FB6] =	sst s10  }
0x35: {  	s10 =	sld [smem:$0x3FB5];
	_ =	sdelay $0x3  }
0x36: {  	p1 =	seq.s32 s10, $0x1;
	s10 =	sld [smem:$0x3FB6];
	_ =	sdelay $0x3  }
0x37: {  	[smem:$0x3FB6] =	sst s10  }
0x38: {  	s10 =	sld [smem:$0x3FB7]  }
0x39: {  	_ = 	snop;
	(pc) =	sbr.ind lr, $3  }
0x3a: {  	_ = 	snop  }
0x3b: {  	_ = 	snop  }
0x3c: {  	p2 =	seq.s32 s10, $0x1;
	s10 =	sld [smem:$0x3FB6]  }
0x3d: {  	_ =	shalt  }
0x3e: {  	_ =	shalt  }
0x3f: {  	_ =	shalt  }
0x40: {  	_ =	shalt  }
0x41: {  	_ =	shalt  }
0x42: {  	_ =	shalt  }
0x43: {  	_ =	shalt  }
0x44: {  	_ =	shalt  }
0x45: {  	_ =	shalt  }
0x46: {  	_ =	shalt  }
0x47: {  	_ =	shalt  }
0x48: {  	_ =	shalt  }
0x49: {  	_ =	shalt  }
0x4a: {  	_ =	shalt  }
0x4b: {  	_ =	shalt  }
0x4c: {  	_ =	shalt  }
0x4d: {  	_ =	shalt  }
0x4e: {  	_ =	shalt  }
0x4f: {  	_ =	shalt  }
0x50: {  	_ =	shalt  }
0x51: {  	_ =	shalt  }
0x52: {  	_ =	shalt  }
0x53: {  	_ =	shalt  }
0x54: {  	_ =	shalt  }
0x55: {  	_ =	shalt  }
0x56: {  	_ =	shalt  }
0x57: {  	_ =	shalt  }
0x58: {  	_ =	shalt  }
0x59: {  	_ =	shalt  }
0x5a: {  	_ =	shalt  }
0x5b: {  	_ =	shalt  }
0x5c: {  	_ =	shalt  }
0x5d: {  	_ =	shalt  }
0x5e: {  	_ =	shalt  }
0x5f: {  	_ =	shalt  }
0x60: {  	_ =	shalt  }
0x61: {  	_ =	shalt  }
0x62: {  	_ =	shalt  }
0x63: {  	_ =	shalt  }
0x64: {  	_ =	shalt  }
0x65: {  	_ =	shalt  }
0x66: {  	_ =	shalt  }
0x67: {  	_ =	shalt  }
0x68: {  	_ =	shalt  }
0x69: {  	_ =	shalt  }
0x6a: {  	_ =	shalt  }
0x6b: {  	_ =	shalt  }
0x6c: {  	_ =	shalt  }
0x6d: {  	_ =	shalt  }
0x6e: {  	_ =	shalt  }
0x6f: {  	_ =	shalt  }
0x70: {  	_ =	shalt  }
0x71: {  	_ =	shalt  }
0x72: {  	_ =	shalt  }
0x73: {  	_ =	shalt  }
0x74: {  	_ =	shalt  }
0x75: {  	_ =	shalt  }
0x76: {  	_ =	shalt  }
0x77: {  	_ =	shalt  }
0x78: {  	_ =	shalt  }
0x79: {  	_ =	shalt  }
0x7a: {  	_ =	shalt  }
0x7b: {  	_ =	shalt  }
0x7c: {  	_ =	shalt  }
0x7d: {  	_ =	shalt  }
0x7e: {  	_ =	shalt  }
0x7f: {  	_ =	shalt  }
0x80: {  	_ =	shalt  }
0x81: {  	_ =	shalt  }
0x82: {  	_ =	shalt  }
0x83: {  	_ =	shalt  }
0x84: {  	_ =	shalt  }
0x85: {  	_ =	shalt  }
0x86: {  	_ =	shalt  }
0x87: {  	_ =	shalt  }
.Lfunc_end0:
.L_simem_size_0:
called_computation_lowered:
.L_overlay_start_0:
0x88: {  	s2 =	sld [smem:$0x3FD9]  }
0x89: {  	s3 =	sld [smem:$0x3FFE];
	_ =	sdelay $0x1  }
0x8a: {  	s1 =	srdreg.scid  }
0x8b: {  	s0 =	sand.u32 $0x1, s1  }
0x8c: {  	s17 =	sshll.u32 s0, $0xA;
	s2 =	sadd.s32 s3, s2  }
0x8d: {  	s2 =	sadd.s32 s2, s17  }
0x8e: {  	[smem:$0x3FC2] =	sst s2  }
0x8f: {  	_ = 	snop  }
0x90: {  	s2 =	sld [smem:$0x3FD0];
	(tm) =	ssettm $0x1  }
0x91: {  	s18 =	sld [smem:$0x3FFB];
	_ =	sdelay $0x3  }
0x92: {  	_ =	strace s18  }
0x93: {  	s3 =	sld [smem:$0x3FFC];
	_ =	sdelay $0x3  }
0x94: {  	_ =	strace s3  }
0x95: {  	s3 =	sld [smem:$0x3FFD];
	_ =	sdelay $0x3  }
0x96: {  	_ =	strace s3  }
0x97: {  	_ =	strace $0x8FFFFFFF  }
0x98: {  	s19 =	sld [smem:$0x3FDB];
	_ =	sdelay $0x1  }
0x99: {  	s4 =	simm.s32 $_scs_section_size  }
0x9a: {  	s5 =	simm.s32 $_size__tile_overlayer_lowered;
	s6 =	simm.s32 $_tile_overlayer_lowered  }
0x9b: {  	s22 =	simm.s32 $0x1BFF;
	s21 =	sshll.u32 s6, $0x1;
	s3 =	sadd.s32 s4, s19  }
0x9c: {  	s7 =	simm.s32 $0x0;
	s20 =	sshll.u32 s5, $0x1;
	s5 =	sadd.s32 s21, s3  }
0x9d: {  	[timem:s7], [sflag:s22] =	dma.local [hbm:s5], s20  }
0x9e: {  	_ =	swait.ge [sflag:s22], s20  }
0x9f: {  	s4 =	ssub.s32 $0x0, s20;
	[sflag:s22] =	ssyncset.done $0x0  }
0xa0: {  	[sflag:s22] =	ssyncadd.s32 s4;
	_ =	sdelay $0x1  }
0xa1: {  	s23 =	simm.s32 $0x1B8B  }
0xa2: {  	_ =	swait.ge [sflag:s23], $0x1  }
0xa3: {  	[sflag:s23] =	ssyncset.done $0x0  }
0xa4: {  	s25 =	simm.s32 $0x1B8E;
	s24 =	sld [smem:$0x3FFE];
	[sflag:s23] =	ssyncadd.s32 $0xFFFFFFFF  }
0xa5: {  	s26 =	simm.s32 $execute0_lowered;
	[smem:$0x3FD2] =	sst s25  }
0xa6: {  	s5 =	sshll.u32 s26, $0x1;
	_ =	strace $0x80000046;
	[dreg:$0x1] =	wrdreg $0xFFFFFFFF  }
0xa7: {  	s28 =	simm.s32 $_size_execute0_lowered;
	s3 =	sadd.s32 s3, s5;
	[dreg:$0x0] =	wrdreg $0x0  }
0xa8: {  	s5 =	sshll.u32 s28, $0x1;
	[dreg:$0x2] =	wrdreg s3  }
0xa9: {  	[dreg:$0x3] =	wrdreg s5  }
0xaa: {  	[dreg:$0x4] =	wrdreg $0xC0  }
0xab: {  	_ =	task [dreg:s7], $0x5FFFF  }
0xac: {  	[dreg:$0x1] =	wrdreg $0xFFFFFFFF  }
0xad: {  	[dreg:$0x0] =	wrdreg $0x60  }
0xae: {  	[dreg:$0x2] =	wrdreg s2  }
0xaf: {  	[dreg:$0x3] =	wrdreg s24  }
0xb0: {  	[dreg:$0x4] =	wrdreg $0x41000  }
0xb1: {  	[dreg:$0x5] =	wrdreg $0x9  }
0xb2: {  	_ =	task.clear_ibuf [dreg:s7], $0x6FFFF;
	_ =	strace $0x90000046  }
0xb3: {  	s29 =	simm.s32 $0x9;
	_ =	strace $0x80000048  }
0xb4: {  	_ =	swait.ge [sflag:s29], $0x1  }
0xb5: {  	[sflag:s29] =	ssyncadd.s32 $0xFFFFFFFF  }
0xb6: {  	_ =	strace $0x90000048  }
0xb7: {  	_ =	sfence  }
0xb8: {  	s30 =	sld [smem:$0x0];
	_ =	sdelay $0x2  }
0xb9: {  	s31 =	sshll.u32 s1, $0xD;
	s1 =	sshrl.u32 s1, $0x2  }
0xba: {  	s3 =	sand.u32 $0x4000, s31;
	s1 =	sadd.s32 s1, s30  }
0xbb: {  	s0 =	sor.u32 s3, s0;
	s1 =	sshll.u32 s1, $0x11  }
0xbc: {  	s0 =	sor.u32 s1, s0  }
0xbd: {  	s0 =	sadd.s32 $0x8F2B, s0  }
0xbe: {  	[sflag:s0] =	ssyncadd.remote.s32 $0x1  }
0xbf: {  	_ =	sfence.sel $0xFFFF  }
0xc0: {  	[dreg:$0x0] =	wrdreg $0xFFFFFFFF;
	(pc) =	sbr.abs _section_cstart, $3  }
0xc1: {  	[dreg:$0x1] =	wrdreg $0xFFFFFFFF  }
0xc2: {  	_ =	task.clear_ibuf [dreg:s7], $0x2FFFF;
	_ =	strace $0x9FFFFFFF  }
0xc3: {  	(tm) =	ssettm $0x7FFFFFFF  }
tec
execute0_lowered:
.L_overlay_start_1:
0x0: {  	(tag) =	ssettag $0x1  }
0x1: {  	s10 =	rddreg [dreg:$0x0]  }
0x2: {  	s5 =	rddreg [dreg:$0x1]  }
0x3: {  	s2 =	rddreg [dreg:$0x2]  }
0x4: {  	s0 =	rddreg [dreg:$0x3]  }
0x5: {  	s1 =	stileid.u32;
	s4 =	srdreg.scid  }
0x6: {  	s3 =	simm.s32 $0x0;
	s16 =	simm.s32 $0x2;
	s6 =	smul.u32 $0x13C00, s1  }
0x7: {  	s17 =	simm.s32 $0x1;
	s18 =	simm.s32 $0x0;
	s25 =	smul.u32 $0x4F000, s1  }
0x8: {  	s7 =	sand.u32 $0x1, s4;
	[smem:$0x7FF] =	sst s3;
	s15 =	smul.u32 $0x500, s1  }
0x9: {  	s4 =	sadd.s32 $0x2A00, s5;
	s30 =	sshll.u32 s1, $0x6;
	s8 =	smul.u32 $0x13C000, s7  }
0xa: {  	_ =	strace $0x80000047;
	s26 =	ssub.s32 $0x2, s7;
	s28 =	sshll.u32 s7, $0x4  }
0xb: {  	s14 =	smul.u32 $0x5000, s7;
	s9 =	sshrl.u32 s6, $0x3;
	s12 =	sshrl.u32 s26, $0x1  }
0xc: {  	s6 =	sadd.s32 s6, s8;
	s24 =	sadd.s32 s9, s5;
	s9 =	sshrl.u32 s25, $0x2  }
0xd: {  	s12 =	ssub.s32 s26, s12;
	s31 =	sadd.s32 s14, s10;
	s6 =	sshrl.u32 s6, $0x3  }
0xe: {  	s14 =	simm.s32 $0x100;
	s11 =	sadd.s32 s6, s5;
	s6 =	sor.u32 s1, s28  }
0xf: {  	s13 =	sadd.s32 s9, s2;
	s5 =	sadd.s32 $0x3200, s24;
	s29 =	smul.u32 $0x500, s6  }
0x10: {  	s6 =	sor.u32 $0x1C03, s30;
	s9 =	sadd.s32 $0x2AA00, s11;
	s11 =	sadd.s32 s15, s31  }
0x11: {  	s15 =	simm.s32 $0x80;
	s7 =	sadd.s32 s10, s29;
	s10 =	smax.u32 s12, $0x1  }
0x12: {  	s12 =	sshrl.u32 s13, $0x3;
	s13 =	simm.s32 $0x3;
	s8 =	sadd.s32 $0x10, s7  }
.LBB2_1:
0x13: {  	[spmem:s12], [sflag:s6] =	dma.local [hbm:s5], $0x2780  }
0x14: {  	_ =	swait.ge [sflag:s13], $0x2780  }
0x15: {  	[sflag:s13] =	ssyncset.done $0x0  }
0x16: {  	[sflag:s13] =	ssyncadd.s32 $0xFFFFD880  }
0x17: {  	[tilespmem:s14], [sflag:$0x3] =	stream.linear.gather [hbm4b:s4+s3], $0x4000, $0x38;
	[tilespmem:$0x17D00] =	vst v63  }
0x18: {  	_ =	swait.ge [sflag:s13], $0x4000  }
0x19: {  	[sflag:s13] =	ssyncset.done $0x0  }
0x1a: {  	[sflag:s13] =	ssyncadd.s32 $0xFFFFC000  }
0x1b: {  	[tilespmem:s3], [sflag:$0x3] =	stream.linear.gather [hbm4b:s7+s3], $0x80, $0x38;
	[tilespmem:$0x17D00] =	vst v63  }
0x1c: {  	_ =	swait.ge [sflag:s13], $0x80  }
0x1d: {  	[sflag:s13] =	ssyncset.done $0x0  }
0x1e: {  	[sflag:s13] =	ssyncadd.s32 $0xFFFFFF80  }
0x1f: {  	[bflag:$0x0] =	sbarrier.arrive $0xFFFF  }
0x20: {  	[tilespmem:s15], [sflag:$0x2] =	stream.linear.gather [hbm4b:s8+s3], $0x80, $0x38;
	[tilespmem:$0x17D00] =	vst v63  }
0x21: {  	_ = 	snop  }
0x22: {  	[spmem:s2] =	stream.indirect.scatter.add.f32 [tilespmem:s14], [sflag:$0x3], $0x80, s3, s15, $0xb8;
	[tilespmem:$0x17D00] =	vst v63  }
0x23: {  	_ =	swait.ge [sflag:s13], $0x4000  }
0x24: {  	s19 =	sadd.s32 $0xFFFFFB20, s11;
	[sflag:s13] =	ssyncset.done $0x0  }
0x25: {  	s20 =	sadd.s32 $0x500, s19;
	[sflag:s13] =	ssyncadd.s32 $0xFFFFC000  }
0x26: {  	[tilespmem:s3], [sflag:$0x1] =	stream.linear.gather [hbm4b:s20+s3], $0x80, $0x38;
	[tilespmem:$0x17D00] =	vst v63  }
0x27: {  	_ =	swait.ge [sflag:s16], $0x80  }
0x28: {  	[sflag:s16] =	ssyncset.done $0x0  }
0x29: {  	[sflag:s16] =	ssyncadd.s32 $0xFFFFFF80  }
0x2a: {  	[spmem:s2] =	stream.indirect.scatter.add.f32 [tilespmem:s14], [sflag:$0x3], $0x80, s15, s15, $0xb8;
	[tilespmem:$0x17D00] =	vst v63  }
0x2b: {  	_ =	swait.ge [sflag:s13], $0x4000  }
0x2c: {  	[sflag:s13] =	ssyncset.done $0x0  }
0x2d: {  	s19 =	sadd.s32 $0x510, s19;
	[sflag:s13] =	ssyncadd.s32 $0xFFFFC000  }
0x2e: {  	[tilespmem:s15], [sflag:$0x2] =	stream.linear.gather [hbm4b:s19+s3], $0x80, $0x38;
	[tilespmem:$0x17D00] =	vst v63  }
0x2f: {  	_ =	swait.ge [sflag:s17], $0x80  }
0x30: {  	s19 =	simm.s32 $0xFFFFFB40;
	[sflag:s17] =	ssyncset.done $0x0  }
.LBB2_2:
0x31: {  	p0 =	sne.s32 s19, $0xFFFFFFE0  }
0x32: {  	[sflag:s17] =	ssyncadd.s32 $0xFFFFFF80;
	s20 =	smov.u32 s19;
	s19 =	sadd.s32 $0x20, s19  }
0x33: {  	[spmem:s2] =	stream.indirect.scatter.add.f32 [tilespmem:s14], [sflag:$0x3], $0x80, s3, s15, $0xb8;
	[tilespmem:$0x17D00] =	vst v63  }
0x34: {  	_ =	swait.ge [sflag:s13], $0x4000  }
0x35: {  	s20 =	sadd.s32 s20, s11;
	[sflag:s13] =	ssyncset.done $0x0  }
0x36: {  	s21 =	sadd.s32 $0x500, s20;
	[sflag:s13] =	ssyncadd.s32 $0xFFFFC000  }
0x37: {  	[tilespmem:s3], [sflag:$0x1] =	stream.linear.gather [hbm4b:s21+s3], $0x80, $0x38;
	[tilespmem:$0x17D00] =	vst v63  }
0x38: {  	_ =	swait.ge [sflag:s16], $0x80  }
0x39: {  	[sflag:s16] =	ssyncset.done $0x0  }
0x3a: {  	[sflag:s16] =	ssyncadd.s32 $0xFFFFFF80  }
0x3b: {  	[spmem:s2] =	stream.indirect.scatter.add.f32 [tilespmem:s14], [sflag:$0x3], $0x80, s15, s15, $0xb8;
	[tilespmem:$0x17D00] =	vst v63  }
0x3c: {  	_ =	swait.ge [sflag:s13], $0x4000  }
.Ltmp0:
0x3d: {  	[sflag:s13] =	ssyncset.done $0x0;
	(pc) =	sbr.rel @p0 .LBB2_2-.Ltmp0, $4  }
0x3e: {  	s20 =	sadd.s32 $0x510, s20;
	[sflag:s13] =	ssyncadd.s32 $0xFFFFC000  }
0x3f: {  	[tilespmem:s15], [sflag:$0x2] =	stream.linear.gather [hbm4b:s20+s3], $0x80, $0x38;
	[tilespmem:$0x17D00] =	vst v63  }
0x40: {  	_ =	swait.ge [sflag:s17], $0x80  }
0x41: {  	[sflag:s17] =	ssyncset.done $0x0  }
0x42: {  	[sflag:s17] =	ssyncadd.s32 $0xFFFFFF80  }
0x43: {  	[spmem:s2] =	stream.indirect.scatter.add.f32 [tilespmem:s14], [sflag:$0x3], $0x80, s3, s15, $0xb8;
	[tilespmem:$0x17D00] =	vst v63  }
0x44: {  	_ =	swait.ge [sflag:s13], $0x4000  }
0x45: {  	[sflag:s13] =	ssyncset.done $0x0  }
0x46: {  	[sflag:s13] =	ssyncadd.s32 $0xFFFFC000  }
0x47: {  	_ =	swait.ge [sflag:s16], $0x80  }
0x48: {  	[sflag:s16] =	ssyncset.done $0x0  }
0x49: {  	[sflag:s16] =	ssyncadd.s32 $0xFFFFFF80  }
0x4a: {  	[spmem:s2] =	stream.indirect.scatter.add.f32 [tilespmem:s14], [sflag:$0x3], $0x80, s15, s15, $0xb8;
	[tilespmem:$0x17D00] =	vst v63  }
0x4b: {  	_ =	swait.ge [sflag:s13], $0x4000  }
0x4c: {  	s18 =	sadd.s32 $0x1, s18;
	[sflag:s13] =	ssyncset.done $0x0  }
0x4d: {  	p0 =	sne.s32 s18, s10;
	[sflag:s13] =	ssyncadd.s32 $0xFFFFC000  }
.Ltmp1:
0x4e: {  	[bflag:$0x0] =	sbarrier.arrive $0xFFFF;
	(pc) =	sbr.rel @p0 .LBB2_1-.Ltmp1, $4  }
0x4f: {  	[hbm:s9], [sflag:s6] =	dma.local [spmem:s12], $0x2780  }
0x50: {  	_ =	swait.ge [sflag:s13], $0x2780  }
0x51: {  	[sflag:s13] =	ssyncset.done $0x0  }
0x52: {  	[sflag:s13] =	ssyncadd.s32 $0xFFFFD880  }
0x53: {  	_ =	sfence.sel $0x180000  }
0x54: {  	[bflag:$0x0] =	sbarrier.arrive $0xFFFF  }
0x55: {  	p0 =	sne.s32 s1, $0x0;
	_ =	strace $0x90000047  }
0x56: {  	s0 =	sadd.s32 @!p0 $0x100000, s0;
	[bflag:$0x2] =	sbarrier.arrive $0xFFFF  }
0x57: {  	[sflag:s0] =	ssyncadd.tile.s32 @!p0 $0x1;
	_ =	shalt  }
.Lfunc_end2:
_tile_overlayer_lowered:
.L_overlay_start_2:
0x58: {  	(tag) =	ssettag $0x2  }
0x59: {  	s0 =	rddreg [dreg:$0x0];
	s2 =	stileid.u32  }
0x5a: {  	s1 =	rddreg [dreg:$0x1];
	p0 =	sne.s32 s2, $0x0  }
0x5b: {  	s3 =	rddreg [dreg:$0x2];
	[bflag:$0x3] =	sbarrier.arrive $0xFFFF;
	s2 =	simm.s32 @!p0 $0x1C03  }
0x5c: {  	[timem:s3], [sflag:s2] =	dma.local @!p0 [hbm:s0], s1  }
0x5d: {  	s0 =	simm.s32 @!p0 $0x3  }
0x5e: {  	_ =	swait.ge @!p0 [sflag:s0], s1  }
0x5f: {  	s1 =	ssub.s32 @!p0 $0x0, s1;
	[sflag:s0] =	ssyncset.done @!p0 $0x0  }
0x60: {  	[sflag:s0] =	ssyncadd.s32 @!p0 s1  }
0x61: {  	[bflag:$0x3] =	sbarrier.arrive $0xFFFF  }
0x62: {  	_ =	shalt  }

</sc_bundles>
